<compile_context>
chip_gen: v7x
topology: tpu7x:2x2x1
jax: 0.10.2.dev20260603
libtpu: 0.0.44.dev20260713+nightly
codegen_flags: <defaults>
</compile_context>

<pallas_src>
import jax
import jax.numpy as jnp
from jax import lax
from jax.experimental import pallas as pl
from jax.experimental.pallas import tpu as pltpu
from jax.experimental.pallas import tpu_sc as plsc

_N = 10000
_E = 320000
_H = 64
_G = 128
_D = 5
_NC = 2
_NS = 16
_NW = _NC * _NS
_K = 128
_NCHUNK = 80
_EW = _NCHUNK * _K
_EPAD = _NW * _EW
_ACC_N = _N + 16
_RW = 624
_RTAIL = _N - _NS * _RW
_C = 16
_PN = 320
_NPG = _PN // 16

_DNUMS = lax.GatherDimensionNumbers(
    offset_dims=(), collapsed_slice_dims=(0,), start_index_map=(0,))


def _take16(v, idx16):
    return lax.gather(v, idx16.reshape(16, 1), _DNUMS, (1,),
                      mode=lax.GatherScatterMode.PROMISE_IN_BOUNDS)


def _seg_sum_body(htab_hbm, gidx_hbm, sidx_hbm, zer_hbm, y_hbm, bid_hbm,
                  out_hbm, pool_hbm,
                  gidx, sidx, rows0, rows1, ybuf, bidbuf, outbuf,
                  acc, sem0, sem1):
    cid = lax.axis_index("c")
    sid = lax.axis_index("s")
    wid = sid * _NC + cid
    pltpu.sync_copy(gidx_hbm.at[wid], gidx)
    pltpu.sync_copy(sidx_hbm.at[wid], sidx)
    pltpu.sync_copy(zer_hbm.at[pl.ds(0, _RW)], acc.at[pl.ds(sid * _RW, _RW)])

    @pl.when(sid == _NS - 1)
    def _():
        pltpu.sync_copy(zer_hbm.at[pl.ds(0, _RTAIL + 16)],
                        acc.at[pl.ds(_NS * _RW, _RTAIL + 16)])

    plsc.subcore_barrier()

    pltpu.async_copy(htab_hbm.at[gidx.at[0]], rows0, sem0)

    def pair(i, carry):
        c0 = 2 * i
        pltpu.async_copy(htab_hbm.at[gidx.at[c0 + 1]], rows1, sem1)
        pltpu.make_async_copy(htab_hbm.at[gidx.at[c0]], rows0, sem0).wait()
        pltpu.sync_copy(rows0, acc.at[sidx.at[c0]], add=True)

        @pl.when(i < _NCHUNK // 2 - 1)
        def _():
            pltpu.async_copy(htab_hbm.at[gidx.at[c0 + 2]], rows0, sem0)

        pltpu.make_async_copy(htab_hbm.at[gidx.at[c0 + 1]], rows1, sem1).wait()
        pltpu.sync_copy(rows1, acc.at[sidx.at[c0 + 1]], add=True)
        return carry

    lax.fori_loop(0, _NCHUNK // 2, pair, 0)

    pltpu.sync_copy(y_hbm.at[pl.ds(wid * _PN, _PN)], ybuf)
    pltpu.sync_copy(bid_hbm.at[pl.ds(wid * _PN, _PN)], bidbuf)
    ninf = jnp.full((16,), -jnp.inf, jnp.float32)

    def initrow(i, carry):
        outbuf[pl.ds(i * 16, 16)] = ninf
        return carry

    lax.fori_loop(0, _G, initrow, 0)
    lanes = lax.iota(jnp.int32, 16)

    def group(g, carry):
        prev, m = carry
        bid16 = bidbuf[pl.ds(g * 16, 16)]
        for k in range(16):
            b_k = _take16(bid16, jnp.full((16,), k, jnp.int32))
            row = plsc.load_gather(
                ybuf, [jnp.full((16,), g * 16 + k, jnp.int32), lanes])
            m = jnp.where(b_k == prev, jnp.maximum(m, row), row)
            plsc.store_scatter(outbuf, [b_k * 16 + lanes], m)
            prev = b_k
        return prev, m

    lax.fori_loop(0, _NPG, group,
                  (jnp.full((16,), -1, jnp.int32), ninf))
    pltpu.sync_copy(outbuf, pool_hbm.at[wid])
    plsc.subcore_barrier()
    pltpu.sync_copy(acc.at[pl.ds(sid * _RW, _RW)],
                    out_hbm.at[cid, pl.ds(sid * _RW, _RW)])

    @pl.when(sid == _NS - 1)
    def _():
        pltpu.sync_copy(acc.at[pl.ds(_NS * _RW, _RTAIL)],
                        out_hbm.at[cid, pl.ds(_NS * _RW, _RTAIL)])


_seg_sum_call = pl.kernel(
    _seg_sum_body,
    out_type=(jax.ShapeDtypeStruct((_NC, _N, _H), jnp.float32),
              jax.ShapeDtypeStruct((_NW, _G * _C), jnp.float32)),
    mesh=plsc.VectorSubcoreMesh(core_axis_name="c", subcore_axis_name="s"),
    scratch_types=[
        pltpu.VMEM((_NCHUNK, _K), jnp.int32),
        pltpu.VMEM((_NCHUNK, _K), jnp.int32),
        pltpu.VMEM((_K, _H), jnp.float32),
        pltpu.VMEM((_K, _H), jnp.float32),
        pltpu.VMEM((_PN, _C), jnp.float32),
        pltpu.VMEM((_PN,), jnp.int32),
        pltpu.VMEM((_G * _C,), jnp.float32),
        pltpu.VMEM_SHARED((_ACC_N, _H), jnp.float32),
        pltpu.SemaphoreType.DMA,
        pltpu.SemaphoreType.DMA,
    ],
    compiler_params=pltpu.CompilerParams(use_tc_tiling_on_sc=False,
                                         needs_layout_passes=False,
                                         skip_device_barrier=True),
)


def _bn_relu(h):
    m = jnp.mean(h, axis=0, keepdims=True)
    v = jnp.mean(h * h, axis=0, keepdims=True) - m * m
    return jnp.maximum((h - m) / jnp.sqrt(v + 1e-5), 0.0)


def _mlp_kernel(x_ref, wm0_ref, bm0_ref, wm1_ref, bm1_ref, o_ref):
    h = jnp.dot(x_ref[...], wm0_ref[...], preferred_element_type=jnp.float32)
    h = _bn_relu(h + bm0_ref[...])
    h = jnp.dot(h, wm1_ref[...], preferred_element_type=jnp.float32)
    o_ref[...] = _bn_relu(h + bm1_ref[...])


def _mlp(x, Wm0, bm0, Wm1, bm1):
    return pl.pallas_call(
        _mlp_kernel,
        out_shape=jax.ShapeDtypeStruct((_N, Wm1.shape[1]), jnp.float32),
    )(x, Wm0, bm0.reshape(1, -1), Wm1, bm1.reshape(1, -1))


def _htab_kernel(h_ref, w_ref, o_ref):
    h = h_ref[...]
    for d in range(_D):
        o_ref[pl.ds(d * _N, _N), :] = h * w_ref[d, 0]


def _htab(h, w):
    return pl.pallas_call(
        _htab_kernel,
        out_shape=jax.ShapeDtypeStruct((_D * _N, _H), jnp.float32),
    )(h, w.reshape(_D, 1))


def kernel(x, edge_index, edge_weights, batch, Wm0, bm0, Wm1, bm1, Wl0, bl0,
           hop1, Wa1, ba1, Wb1, bb1, Wl1, bl1,
           hop2, Wa2, ba2, Wb2, bb2, Wl2, bl2):
    h = _mlp(x, Wm0, bm0, Wm1, bm1)
    src = edge_index[0]
    dst = edge_index[1]
    ew = edge_weights.astype(jnp.int32)
    npad = _EPAD - _E
    gidx = jnp.pad(ew * _N + src, (0, npad)).reshape(_NW, _NCHUNK, _K)
    sidx = jnp.pad(dst, (0, npad), constant_values=_N).reshape(
        _NW, _NCHUNK, _K)
    zer = jnp.zeros((_RW, _H), jnp.float32)
    nppad = _NW * _PN - _N
    bpad = jnp.pad(batch, (0, nppad),
                   constant_values=_G - 1).astype(jnp.int32)
    y = h @ Wl0 + bl0
    out = None
    layers = ((hop1, Wa1, ba1, Wb1, bb1, Wl1, bl1),
              (hop2, Wa2, ba2, Wb2, bb2, Wl2, bl2))
    for (hop, Wa, ba, Wb, bb, Wl, bl) in layers:
        ypad = jnp.pad(y, ((0, nppad), (0, 0)), constant_values=-jnp.inf)
        htab = _htab(h, jax.nn.softmax(hop))
        parts, pool = _seg_sum_call(htab, gidx, sidx, zer, ypad, bpad)
        pooled = jnp.max(pool.reshape(_NW, _G, _C), axis=0)
        out = pooled if out is None else out + pooled
        z = h + parts[0] + parts[1]
        z = _bn_relu(z @ Wa + ba)
        h = _bn_relu(z @ Wb + bb)
        y = h @ Wl + bl
    return out + jax.ops.segment_max(y, batch, num_segments=_G)

# --- scband reference (transcript-rebuilt; emitter-appended) ---
"""Pipeline reference for scband-net-hsp-gin-16269336118021 (READ-ONLY COPY).

The authoritative reference and input builder live on the scoring server;
editing this copy changes nothing except your own understanding.
"""

import jax, jax.numpy as jnp
import numpy as np

N = 10000
E = 320000
F_IN = 128
H = 64
C = 16
D = 5
G = 128


def _bn(h):
    m = jnp.mean(h, axis=0, keepdims=True)
    v = jnp.var(h, axis=0, keepdims=True)
    return (h - m) / jnp.sqrt(v + 1e-5)


def setup_inputs(seed: int = 0):
    key = jax.random.key(seed)
    ks = jax.random.split(key, 32)
    s = 0.05
    inp = {}
    inp["x"] = jax.random.normal(ks[0], (N, F_IN), dtype=jnp.float32)
    inp["edge_index"] = jax.random.randint(ks[1], (2, E), 0, N)
    inp["edge_weights"] = jax.random.randint(ks[2], (E,), 0, D)
    inp["batch"] = jnp.sort(jax.random.randint(ks[3], (N,), 0, G))
    inp["Wm0"] = jax.random.normal(ks[4], (F_IN, H), dtype=jnp.float32) * s
    inp["bm0"] = jnp.zeros((H,), dtype=jnp.float32)
    inp["Wm1"] = jax.random.normal(ks[5], (H, H), dtype=jnp.float32) * s
    inp["bm1"] = jnp.zeros((H,), dtype=jnp.float32)
    inp["Wl0"] = jax.random.normal(ks[6], (H, C), dtype=jnp.float32) * s
    inp["bl0"] = jnp.zeros((C,), dtype=jnp.float32)
    inp["hop1"] = jax.random.normal(ks[7], (D,), dtype=jnp.float32) * s
    inp["Wa1"] = jax.random.normal(ks[8], (H, H), dtype=jnp.float32) * s
    inp["ba1"] = jnp.zeros((H,), dtype=jnp.float32)
    inp["Wb1"] = jax.random.normal(ks[9], (H, H), dtype=jnp.float32) * s
    inp["bb1"] = jnp.zeros((H,), dtype=jnp.float32)
    inp["Wl1"] = jax.random.normal(ks[10], (H, C), dtype=jnp.float32) * s
    inp["bl1"] = jnp.zeros((C,), dtype=jnp.float32)
    inp["hop2"] = jax.random.normal(ks[11], (D,), dtype=jnp.float32) * s
    inp["Wa2"] = jax.random.normal(ks[12], (H, H), dtype=jnp.float32) * s
    inp["ba2"] = jnp.zeros((H,), dtype=jnp.float32)
    inp["Wb2"] = jax.random.normal(ks[13], (H, H), dtype=jnp.float32) * s
    inp["bb2"] = jnp.zeros((H,), dtype=jnp.float32)
    inp["Wl2"] = jax.random.normal(ks[14], (H, C), dtype=jnp.float32) * s
    inp["bl2"] = jnp.zeros((C,), dtype=jnp.float32)
    return inp


def reference(x, edge_index, edge_weights, batch, Wm0, bm0, Wm1, bm1, Wl0, bl0,
              hop1, Wa1, ba1, Wb1, bb1, Wl1, bl1,
              hop2, Wa2, ba2, Wb2, bb2, Wl2, bl2):
    # initial MLP (Linear -> BN -> ReLU, x2)
    h = jax.nn.relu(_bn(x @ Wm0 + bm0))
    h = jax.nn.relu(_bn(h @ Wm1 + bm1))
    # initial readout: linear -> per-graph scatter_max pooling
    out = jax.ops.segment_max(h @ Wl0 + bl0, batch, num_segments=G)
    src = edge_index[0]
    dst = edge_index[1]
    layers = ((hop1, Wa1, ba1, Wb1, bb1, Wl1, bl1),
              (hop2, Wa2, ba2, Wb2, bb2, Wl2, bl2))
    for (hop, Wa, ba, Wb, bb, Wl, bl) in layers:
        # outside_aggr='weight': softmax hop coefficients over shortest-path distances
        w = jax.nn.softmax(hop)
        coef = w[edge_weights]
        # inside_aggr='sum': gather source embeddings, weight by hop coef, scatter-add to dst
        msg = h[src] * coef[:, None]
        agg = jax.ops.segment_sum(msg, dst, num_segments=N)
        # GIN update: (1+eps)*x + agg, then MLP
        z = (1.0 + 0.0) * h + agg
        z = jax.nn.relu(_bn(z @ Wa + ba))
        h = jax.nn.relu(_bn(z @ Wb + bb))
        out = out + jax.ops.segment_max(h @ Wl + bl, batch, num_segments=G)
    return out

if __name__ == "__main__":
    import jax
    _d = setup_inputs()
    print(jax.jit(kernel)(*tuple(_d.values())))

</pallas_src>

<mosaic_0001>
#map = affine_map<(d0, d1) -> (0, 0)>
#map1 = affine_map<(d0, d1) -> (0, 0, 0)>
#map2 = affine_map<(d0, d1) -> (0)>
module attributes {stable_mosaic.version = 14 : i64} {
  func.func @_seg_sum_body(%arg0: i32, %arg1: i32, %arg2: memref<50000x64xf32, #tpu.memory_space<hbm>>, %arg3: memref<32x80x128xi32, #tpu.memory_space<hbm>>, %arg4: memref<32x80x128xi32, #tpu.memory_space<hbm>>, %arg5: memref<624x64xf32, #tpu.memory_space<hbm>>, %arg6: memref<10240x16xf32, #tpu.memory_space<hbm>>, %arg7: memref<10240xi32, #tpu.memory_space<hbm>>, %arg8: memref<2x10000x64xf32, #tpu.memory_space<hbm>>, %arg9: memref<32x2048xf32, #tpu.memory_space<hbm>>, %arg10: memref<80x128xi32, #tpu.memory_space<vmem>>, %arg11: memref<80x128xi32, #tpu.memory_space<vmem>>, %arg12: memref<128x64xf32, #tpu.memory_space<vmem>>, %arg13: memref<128x64xf32, #tpu.memory_space<vmem>>, %arg14: memref<320x16xf32, #tpu.memory_space<vmem>>, %arg15: memref<320xi32, #tpu.memory_space<vmem>>, %arg16: memref<2048xf32, #tpu.memory_space<vmem>>, %arg17: memref<10016x64xf32, #tpu.memory_space<vmem_shared>>, %arg18: memref<!tpu.dma_semaphore, #tpu.memory_space<semaphore_mem>>, %arg19: memref<!tpu.dma_semaphore, #tpu.memory_space<semaphore_mem>>) attributes {dimension_semantics = [#tpu.dimension_semantics<core_parallel>, #tpu.dimension_semantics<subcore_parallel>], iteration_bounds = array<i64: 2, 16>, scalar_prefetch = 0 : i64, scratch_operands = 10 : i64, tpu.core_type = #tpu.core_type<sc_vector_subcore>, window_params = [{transform_indices = #map}, {transform_indices = #map1}, {transform_indices = #map1}, {transform_indices = #map}, {transform_indices = #map}, {transform_indices = #map2}, {transform_indices = #map1}, {transform_indices = #map}]} {
    %mul3A = arith.constant 2 : i32
    %mul3A_0 = arith.muli %arg1, %mul3A : i32
    %add3A = arith.addi %mul3A_0, %arg0 : i32
    "tpu.region"() ({
      %run_scoped3A = tpu.sem_alloc : memref<!tpu.dma_semaphore, #tpu.memory_space<semaphore_mem>>
      %dma_start3A_45 = arith.constant 0 : i32
      %dma_start3A_46 = arith.constant 0 : i32
      %dma_start3A_47 = tpu.memref_slice %arg3[%add3A, %dma_start3A_45, %dma_start3A_46] : memref<32x80x128xi32, #tpu.memory_space<hbm>> -> memref<1x80x128xi32, #tpu.memory_space<hbm>>
      %dma_start3A_48 = tpu.memref_squeeze %dma_start3A_47 : memref<1x80x128xi32, #tpu.memory_space<hbm>> -> memref<80x128xi32, #tpu.memory_space<hbm>>
      %dma_start3A_49 = arith.constant 0 : i32
      %dma_start3A_50 = arith.constant 0 : i32
      %dma_start3A_51 = tpu.memref_slice %arg3[%add3A, %dma_start3A_49, %dma_start3A_50] : memref<32x80x128xi32, #tpu.memory_space<hbm>> -> memref<1x80x128xi32, #tpu.memory_space<hbm>>
      %dma_start3A_52 = tpu.memref_squeeze %dma_start3A_51 : memref<1x80x128xi32, #tpu.memory_space<hbm>> -> memref<80x128xi32, #tpu.memory_space<hbm>>
      tpu.enqueue_dma source(%dma_start3A_52 : memref<80x128xi32, #tpu.memory_space<hbm>>) target(%arg10 : memref<80x128xi32, #tpu.memory_space<vmem>>) target_semaphore(%run_scoped3A : memref<!tpu.dma_semaphore, #tpu.memory_space<semaphore_mem>>)
      %dma_wait3A = arith.constant 0 : i32
      %dma_wait3A_53 = arith.constant 0 : i32
      %dma_wait3A_54 = tpu.memref_slice %arg3[%add3A, %dma_wait3A, %dma_wait3A_53] : memref<32x80x128xi32, #tpu.memory_space<hbm>> -> memref<1x80x128xi32, #tpu.memory_space<hbm>>
      %dma_wait3A_55 = tpu.memref_squeeze %dma_wait3A_54 : memref<1x80x128xi32, #tpu.memory_space<hbm>> -> memref<80x128xi32, #tpu.memory_space<hbm>>
      %dma_wait3A_56 = arith.constant 0 : i32
      %dma_wait3A_57 = arith.constant 0 : i32
      %dma_wait3A_58 = tpu.memref_slice %arg3[%add3A, %dma_wait3A_56, %dma_wait3A_57] : memref<32x80x128xi32, #tpu.memory_space<hbm>> -> memref<1x80x128xi32, #tpu.memory_space<hbm>>
      %dma_wait3A_59 = tpu.memref_squeeze %dma_wait3A_58 : memref<1x80x128xi32, #tpu.memory_space<hbm>> -> memref<80x128xi32, #tpu.memory_space<hbm>>
      tpu.wait_dma2 semaphore(%run_scoped3A : memref<!tpu.dma_semaphore, #tpu.memory_space<semaphore_mem>>) src(%dma_wait3A_59 : memref<80x128xi32, #tpu.memory_space<hbm>>) dst(%arg10 : memref<80x128xi32, #tpu.memory_space<vmem>>)
      tpu.yield
    }) : () -> ()
    "tpu.region"() ({
      %run_scoped3A = tpu.sem_alloc : memref<!tpu.dma_semaphore, #tpu.memory_space<semaphore_mem>>
      %dma_start3A_45 = arith.constant 0 : i32
      %dma_start3A_46 = arith.constant 0 : i32
      %dma_start3A_47 = tpu.memref_slice %arg4[%add3A, %dma_start3A_45, %dma_start3A_46] : memref<32x80x128xi32, #tpu.memory_space<hbm>> -> memref<1x80x128xi32, #tpu.memory_space<hbm>>
      %dma_start3A_48 = tpu.memref_squeeze %dma_start3A_47 : memref<1x80x128xi32, #tpu.memory_space<hbm>> -> memref<80x128xi32, #tpu.memory_space<hbm>>
      %dma_start3A_49 = arith.constant 0 : i32
      %dma_start3A_50 = arith.constant 0 : i32
      %dma_start3A_51 = tpu.memref_slice %arg4[%add3A, %dma_start3A_49, %dma_start3A_50] : memref<32x80x128xi32, #tpu.memory_space<hbm>> -> memref<1x80x128xi32, #tpu.memory_space<hbm>>
      %dma_start3A_52 = tpu.memref_squeeze %dma_start3A_51 : memref<1x80x128xi32, #tpu.memory_space<hbm>> -> memref<80x128xi32, #tpu.memory_space<hbm>>
      tpu.enqueue_dma source(%dma_start3A_52 : memref<80x128xi32, #tpu.memory_space<hbm>>) target(%arg11 : memref<80x128xi32, #tpu.memory_space<vmem>>) target_semaphore(%run_scoped3A : memref<!tpu.dma_semaphore, #tpu.memory_space<semaphore_mem>>)
      %dma_wait3A = arith.constant 0 : i32
      %dma_wait3A_53 = arith.constant 0 : i32
      %dma_wait3A_54 = tpu.memref_slice %arg4[%add3A, %dma_wait3A, %dma_wait3A_53] : memref<32x80x128xi32, #tpu.memory_space<hbm>> -> memref<1x80x128xi32, #tpu.memory_space<hbm>>
      %dma_wait3A_55 = tpu.memref_squeeze %dma_wait3A_54 : memref<1x80x128xi32, #tpu.memory_space<hbm>> -> memref<80x128xi32, #tpu.memory_space<hbm>>
      %dma_wait3A_56 = arith.constant 0 : i32
      %dma_wait3A_57 = arith.constant 0 : i32
      %dma_wait3A_58 = tpu.memref_slice %arg4[%add3A, %dma_wait3A_56, %dma_wait3A_57] : memref<32x80x128xi32, #tpu.memory_space<hbm>> -> memref<1x80x128xi32, #tpu.memory_space<hbm>>
      %dma_wait3A_59 = tpu.memref_squeeze %dma_wait3A_58 : memref<1x80x128xi32, #tpu.memory_space<hbm>> -> memref<80x128xi32, #tpu.memory_space<hbm>>
      tpu.wait_dma2 semaphore(%run_scoped3A : memref<!tpu.dma_semaphore, #tpu.memory_space<semaphore_mem>>) src(%dma_wait3A_59 : memref<80x128xi32, #tpu.memory_space<hbm>>) dst(%arg11 : memref<80x128xi32, #tpu.memory_space<vmem>>)
      tpu.yield
    }) : () -> ()
    %mul3A_1 = arith.constant 624 : i32
    %mul3A_2 = arith.muli %arg1, %mul3A_1 : i32
    "tpu.region"() ({
      %run_scoped3A = tpu.sem_alloc : memref<!tpu.dma_semaphore, #tpu.memory_space<semaphore_mem>>
      %dma_start3A_45 = arith.constant 0 : i32
      %dma_start3A_46 = tpu.memref_slice %arg17[%mul3A_2, %dma_start3A_45] : memref<10016x64xf32, #tpu.memory_space<vmem_shared>> -> memref<624x64xf32, #tpu.memory_space<vmem_shared>>
      %dma_start3A_47 = arith.constant 0 : i32
      %dma_start3A_48 = arith.constant 0 : i32
      %dma_start3A_49 = tpu.memref_slice %arg5[%dma_start3A_47, %dma_start3A_48] : memref<624x64xf32, #tpu.memory_space<hbm>> -> memref<624x64xf32, #tpu.memory_space<hbm>>
      tpu.enqueue_dma source(%dma_start3A_49 : memref<624x64xf32, #tpu.memory_space<hbm>>) target(%dma_start3A_46 : memref<624x64xf32, #tpu.memory_space<vmem_shared>>) target_semaphore(%run_scoped3A : memref<!tpu.dma_semaphore, #tpu.memory_space<semaphore_mem>>)
      %dma_wait3A = arith.constant 0 : i32
      %dma_wait3A_50 = tpu.memref_slice %arg17[%mul3A_2, %dma_wait3A] : memref<10016x64xf32, #tpu.memory_space<vmem_shared>> -> memref<624x64xf32, #tpu.memory_space<vmem_shared>>
      %dma_wait3A_51 = arith.constant 0 : i32
      %dma_wait3A_52 = arith.constant 0 : i32
      %dma_wait3A_53 = tpu.memref_slice %arg5[%dma_wait3A_51, %dma_wait3A_52] : memref<624x64xf32, #tpu.memory_space<hbm>> -> memref<624x64xf32, #tpu.memory_space<hbm>>
      tpu.wait_dma2 semaphore(%run_scoped3A : memref<!tpu.dma_semaphore, #tpu.memory_space<semaphore_mem>>) src(%dma_wait3A_53 : memref<624x64xf32, #tpu.memory_space<hbm>>) dst(%dma_wait3A_50 : memref<624x64xf32, #tpu.memory_space<vmem_shared>>)
      tpu.yield
    }) : () -> ()
    %eq3A = arith.constant 15 : i32
    %eq3A_3 = arith.cmpi eq, %arg1, %eq3A : i32
    %convert_element_type3A = arith.extui %eq3A_3 : i1 to i32
    %cond3A = arith.constant 0 : i32
    %cond3A_4 = arith.cmpi ne, %convert_element_type3A, %cond3A : i32
    scf.if %cond3A_4 {
      "tpu.region"() ({
        %run_scoped3A = tpu.sem_alloc : memref<!tpu.dma_semaphore, #tpu.memory_space<semaphore_mem>>
        %dma_start3A_45 = arith.constant 9984 : i32
        %dma_start3A_46 = arith.constant 0 : i32
        %dma_start3A_47 = tpu.memref_slice %arg17[%dma_start3A_45, %dma_start3A_46] : memref<10016x64xf32, #tpu.memory_space<vmem_shared>> -> memref<32x64xf32, #tpu.memory_space<vmem_shared>>
        %dma_start3A_48 = arith.constant 0 : i32
        %dma_start3A_49 = arith.constant 0 : i32
        %dma_start3A_50 = tpu.memref_slice %arg5[%dma_start3A_48, %dma_start3A_49] : memref<624x64xf32, #tpu.memory_space<hbm>> -> memref<32x64xf32, #tpu.memory_space<hbm>>
        tpu.enqueue_dma source(%dma_start3A_50 : memref<32x64xf32, #tpu.memory_space<hbm>>) target(%dma_start3A_47 : memref<32x64xf32, #tpu.memory_space<vmem_shared>>) target_semaphore(%run_scoped3A : memref<!tpu.dma_semaphore, #tpu.memory_space<semaphore_mem>>)
        %dma_wait3A = arith.constant 9984 : i32
        %dma_wait3A_51 = arith.constant 0 : i32
        %dma_wait3A_52 = tpu.memref_slice %arg17[%dma_wait3A, %dma_wait3A_51] : memref<10016x64xf32, #tpu.memory_space<vmem_shared>> -> memref<32x64xf32, #tpu.memory_space<vmem_shared>>
        %dma_wait3A_53 = arith.constant 0 : i32
        %dma_wait3A_54 = arith.constant 0 : i32
        %dma_wait3A_55 = tpu.memref_slice %arg5[%dma_wait3A_53, %dma_wait3A_54] : memref<624x64xf32, #tpu.memory_space<hbm>> -> memref<32x64xf32, #tpu.memory_space<hbm>>
        tpu.wait_dma2 semaphore(%run_scoped3A : memref<!tpu.dma_semaphore, #tpu.memory_space<semaphore_mem>>) src(%dma_wait3A_55 : memref<32x64xf32, #tpu.memory_space<hbm>>) dst(%dma_wait3A_52 : memref<32x64xf32, #tpu.memory_space<vmem_shared>>)
        tpu.yield
      }) : () -> ()
    } else {
    }
    %barrier3A = arith.constant 0 : index
    tpu.barrier barrier_id(%barrier3A)
    %dma_start3A = arith.constant 0 : i32
    %dma_start3A_5 = arith.constant 0 : i32
    %dma_start3A_6 = tpu.memref_slice %arg10[%dma_start3A, %dma_start3A_5] : memref<80x128xi32, #tpu.memory_space<vmem>> -> memref<1x128xi32, #tpu.memory_space<vmem>>
    %dma_start3A_7 = tpu.memref_squeeze %dma_start3A_6 : memref<1x128xi32, #tpu.memory_space<vmem>> -> memref<128xi32, #tpu.memory_space<vmem>>
    %dma_start3A_8 = arith.constant 0 : i32
    %dma_start3A_9 = arith.constant 0 : i32
    %dma_start3A_10 = tpu.memref_slice %arg2[%dma_start3A_8, %dma_start3A_9] : memref<50000x64xf32, #tpu.memory_space<hbm>> -> memref<50000x64xf32, #tpu.memory_space<hbm>>
    tpu.enqueue_indirect_dma source(%dma_start3A_10 : memref<50000x64xf32, #tpu.memory_space<hbm>>) target(%arg12 : memref<128x64xf32, #tpu.memory_space<vmem>>) offsets(%dma_start3A_7 : memref<128xi32, #tpu.memory_space<vmem>>) semaphore(%arg18 : memref<!tpu.dma_semaphore, #tpu.memory_space<semaphore_mem>>)
    %scan3A = arith.constant 0 : i32
    %scan3A_11 = arith.constant 0 : i32
    %scan3A_12 = arith.constant 40 : i32
    %scan3A_13 = arith.addi %scan3A_11, %scan3A_12 : i32
    %scan3A_14 = arith.constant 1 : i32
    scf.for %scan3A_45 = %scan3A_11 to %scan3A_13 step %scan3A_14  : i32 {
      %mul3A_46 = arith.constant 2 : i32
      %mul3A_47 = arith.muli %mul3A_46, %scan3A_45 : i32
      %add3A_48 = arith.constant 1 : i32
      %add3A_49 = arith.addi %mul3A_47, %add3A_48 : i32
      %dma_start3A_50 = arith.constant 0 : i32
      %dma_start3A_51 = tpu.memref_slice %arg10[%add3A_49, %dma_start3A_50] : memref<80x128xi32, #tpu.memory_space<vmem>> -> memref<1x128xi32, #tpu.memory_space<vmem>>
      %dma_start3A_52 = tpu.memref_squeeze %dma_start3A_51 : memref<1x128xi32, #tpu.memory_space<vmem>> -> memref<128xi32, #tpu.memory_space<vmem>>
      %dma_start3A_53 = arith.constant 0 : i32
      %dma_start3A_54 = arith.constant 0 : i32
      %dma_start3A_55 = tpu.memref_slice %arg2[%dma_start3A_53, %dma_start3A_54] : memref<50000x64xf32, #tpu.memory_space<hbm>> -> memref<50000x64xf32, #tpu.memory_space<hbm>>
      tpu.enqueue_indirect_dma source(%dma_start3A_55 : memref<50000x64xf32, #tpu.memory_space<hbm>>) target(%arg13 : memref<128x64xf32, #tpu.memory_space<vmem>>) offsets(%dma_start3A_52 : memref<128xi32, #tpu.memory_space<vmem>>) semaphore(%arg19 : memref<!tpu.dma_semaphore, #tpu.memory_space<semaphore_mem>>)
      %dma_wait3A = arith.constant 0 : i32
      %dma_wait3A_56 = tpu.memref_slice %arg10[%mul3A_47, %dma_wait3A] : memref<80x128xi32, #tpu.memory_space<vmem>> -> memref<1x128xi32, #tpu.memory_space<vmem>>
      %dma_wait3A_57 = tpu.memref_squeeze %dma_wait3A_56 : memref<1x128xi32, #tpu.memory_space<vmem>> -> memref<128xi32, #tpu.memory_space<vmem>>
      %dma_wait3A_58 = arith.constant 0 : i32
      %dma_wait3A_59 = arith.constant 0 : i32
      %dma_wait3A_60 = tpu.memref_slice %arg2[%dma_wait3A_58, %dma_wait3A_59] : memref<50000x64xf32, #tpu.memory_space<hbm>> -> memref<50000x64xf32, #tpu.memory_space<hbm>>
      tpu.wait_indirect_dma semaphore(%arg18 : memref<!tpu.dma_semaphore, #tpu.memory_space<semaphore_mem>>) src(%dma_wait3A_60 : memref<50000x64xf32, #tpu.memory_space<hbm>>) dst(%arg12 : memref<128x64xf32, #tpu.memory_space<vmem>>)
      "tpu.region"() ({
        %run_scoped3A = tpu.sem_alloc : memref<!tpu.dma_semaphore, #tpu.memory_space<semaphore_mem>>
        %dma_start3A_75 = arith.constant 0 : i32
        %dma_start3A_76 = tpu.memref_slice %arg11[%mul3A_47, %dma_start3A_75] : memref<80x128xi32, #tpu.memory_space<vmem>> -> memref<1x128xi32, #tpu.memory_space<vmem>>
        %dma_start3A_77 = tpu.memref_squeeze %dma_start3A_76 : memref<1x128xi32, #tpu.memory_space<vmem>> -> memref<128xi32, #tpu.memory_space<vmem>>
        %dma_start3A_78 = arith.constant 0 : i32
        %dma_start3A_79 = arith.constant 0 : i32
        %dma_start3A_80 = tpu.memref_slice %arg17[%dma_start3A_78, %dma_start3A_79] : memref<10016x64xf32, #tpu.memory_space<vmem_shared>> -> memref<10016x64xf32, #tpu.memory_space<vmem_shared>>
        tpu.enqueue_indirect_dma source(%arg12 : memref<128x64xf32, #tpu.memory_space<vmem>>) target(%dma_start3A_80 : memref<10016x64xf32, #tpu.memory_space<vmem_shared>>) offsets(%dma_start3A_77 : memref<128xi32, #tpu.memory_space<vmem>>) semaphore(%run_scoped3A : memref<!tpu.dma_semaphore, #tpu.memory_space<semaphore_mem>>) {add = true}
        %dma_wait3A_81 = arith.constant 0 : i32
        %dma_wait3A_82 = tpu.memref_slice %arg11[%mul3A_47, %dma_wait3A_81] : memref<80x128xi32, #tpu.memory_space<vmem>> -> memref<1x128xi32, #tpu.memory_space<vmem>>
        %dma_wait3A_83 = tpu.memref_squeeze %dma_wait3A_82 : memref<1x128xi32, #tpu.memory_space<vmem>> -> memref<128xi32, #tpu.memory_space<vmem>>
        %dma_wait3A_84 = arith.constant 0 : i32
        %dma_wait3A_85 = arith.constant 0 : i32
        %dma_wait3A_86 = tpu.memref_slice %arg17[%dma_wait3A_84, %dma_wait3A_85] : memref<10016x64xf32, #tpu.memory_space<vmem_shared>> -> memref<10016x64xf32, #tpu.memory_space<vmem_shared>>
        tpu.wait_indirect_dma semaphore(%run_scoped3A : memref<!tpu.dma_semaphore, #tpu.memory_space<semaphore_mem>>) src(%arg12 : memref<128x64xf32, #tpu.memory_space<vmem>>) dst(%dma_wait3A_86 : memref<10016x64xf32, #tpu.memory_space<vmem_shared>>)
        tpu.yield
      }) : () -> ()
      %lt3A = arith.constant 39 : i32
      %lt3A_61 = arith.cmpi slt, %scan3A_45, %lt3A : i32
      %convert_element_type3A_62 = arith.extui %lt3A_61 : i1 to i32
      %cond3A_63 = arith.constant 0 : i32
      %cond3A_64 = arith.cmpi ne, %convert_element_type3A_62, %cond3A_63 : i32
      scf.if %cond3A_64 {
        %add3A_75 = arith.constant 2 : i32
        %add3A_76 = arith.addi %mul3A_47, %add3A_75 : i32
        %dma_start3A_77 = arith.constant 0 : i32
        %dma_start3A_78 = tpu.memref_slice %arg10[%add3A_76, %dma_start3A_77] : memref<80x128xi32, #tpu.memory_space<vmem>> -> memref<1x128xi32, #tpu.memory_space<vmem>>
        %dma_start3A_79 = tpu.memref_squeeze %dma_start3A_78 : memref<1x128xi32, #tpu.memory_space<vmem>> -> memref<128xi32, #tpu.memory_space<vmem>>
        %dma_start3A_80 = arith.constant 0 : i32
        %dma_start3A_81 = arith.constant 0 : i32
        %dma_start3A_82 = tpu.memref_slice %arg2[%dma_start3A_80, %dma_start3A_81] : memref<50000x64xf32, #tpu.memory_space<hbm>> -> memref<50000x64xf32, #tpu.memory_space<hbm>>
        tpu.enqueue_indirect_dma source(%dma_start3A_82 : memref<50000x64xf32, #tpu.memory_space<hbm>>) target(%arg12 : memref<128x64xf32, #tpu.memory_space<vmem>>) offsets(%dma_start3A_79 : memref<128xi32, #tpu.memory_space<vmem>>) semaphore(%arg18 : memref<!tpu.dma_semaphore, #tpu.memory_space<semaphore_mem>>)
      } else {
      }
      %add3A_65 = arith.constant 1 : i32
      %add3A_66 = arith.addi %mul3A_47, %add3A_65 : i32
      %dma_wait3A_67 = arith.constant 0 : i32
      %dma_wait3A_68 = tpu.memref_slice %arg10[%add3A_66, %dma_wait3A_67] : memref<80x128xi32, #tpu.memory_space<vmem>> -> memref<1x128xi32, #tpu.memory_space<vmem>>
      %dma_wait3A_69 = tpu.memref_squeeze %dma_wait3A_68 : memref<1x128xi32, #tpu.memory_space<vmem>> -> memref<128xi32, #tpu.memory_space<vmem>>
      %dma_wait3A_70 = arith.constant 0 : i32
      %dma_wait3A_71 = arith.constant 0 : i32
      %dma_wait3A_72 = tpu.memref_slice %arg2[%dma_wait3A_70, %dma_wait3A_71] : memref<50000x64xf32, #tpu.memory_space<hbm>> -> memref<50000x64xf32, #tpu.memory_space<hbm>>
      tpu.wait_indirect_dma semaphore(%arg19 : memref<!tpu.dma_semaphore, #tpu.memory_space<semaphore_mem>>) src(%dma_wait3A_72 : memref<50000x64xf32, #tpu.memory_space<hbm>>) dst(%arg13 : memref<128x64xf32, #tpu.memory_space<vmem>>)
      %add3A_73 = arith.constant 1 : i32
      %add3A_74 = arith.addi %mul3A_47, %add3A_73 : i32
      "tpu.region"() ({
        %run_scoped3A = tpu.sem_alloc : memref<!tpu.dma_semaphore, #tpu.memory_space<semaphore_mem>>
        %dma_start3A_75 = arith.constant 0 : i32
        %dma_start3A_76 = tpu.memref_slice %arg11[%add3A_74, %dma_start3A_75] : memref<80x128xi32, #tpu.memory_space<vmem>> -> memref<1x128xi32, #tpu.memory_space<vmem>>
        %dma_start3A_77 = tpu.memref_squeeze %dma_start3A_76 : memref<1x128xi32, #tpu.memory_space<vmem>> -> memref<128xi32, #tpu.memory_space<vmem>>
        %dma_start3A_78 = arith.constant 0 : i32
        %dma_start3A_79 = arith.constant 0 : i32
        %dma_start3A_80 = tpu.memref_slice %arg17[%dma_start3A_78, %dma_start3A_79] : memref<10016x64xf32, #tpu.memory_space<vmem_shared>> -> memref<10016x64xf32, #tpu.memory_space<vmem_shared>>
        tpu.enqueue_indirect_dma source(%arg13 : memref<128x64xf32, #tpu.memory_space<vmem>>) target(%dma_start3A_80 : memref<10016x64xf32, #tpu.memory_space<vmem_shared>>) offsets(%dma_start3A_77 : memref<128xi32, #tpu.memory_space<vmem>>) semaphore(%run_scoped3A : memref<!tpu.dma_semaphore, #tpu.memory_space<semaphore_mem>>) {add = true}
        %dma_wait3A_81 = arith.constant 0 : i32
        %dma_wait3A_82 = tpu.memref_slice %arg11[%add3A_74, %dma_wait3A_81] : memref<80x128xi32, #tpu.memory_space<vmem>> -> memref<1x128xi32, #tpu.memory_space<vmem>>
        %dma_wait3A_83 = tpu.memref_squeeze %dma_wait3A_82 : memref<1x128xi32, #tpu.memory_space<vmem>> -> memref<128xi32, #tpu.memory_space<vmem>>
        %dma_wait3A_84 = arith.constant 0 : i32
        %dma_wait3A_85 = arith.constant 0 : i32
        %dma_wait3A_86 = tpu.memref_slice %arg17[%dma_wait3A_84, %dma_wait3A_85] : memref<10016x64xf32, #tpu.memory_space<vmem_shared>> -> memref<10016x64xf32, #tpu.memory_space<vmem_shared>>
        tpu.wait_indirect_dma semaphore(%run_scoped3A : memref<!tpu.dma_semaphore, #tpu.memory_space<semaphore_mem>>) src(%arg13 : memref<128x64xf32, #tpu.memory_space<vmem>>) dst(%dma_wait3A_86 : memref<10016x64xf32, #tpu.memory_space<vmem_shared>>)
        tpu.yield
      }) : () -> ()
    }
    %scan3A_15 = arith.constant 40 : i32
    %mul3A_16 = arith.constant 320 : i32
    %mul3A_17 = arith.muli %add3A, %mul3A_16 : i32
    "tpu.region"() ({
      %run_scoped3A = tpu.sem_alloc : memref<!tpu.dma_semaphore, #tpu.memory_space<semaphore_mem>>
      %dma_start3A_45 = arith.constant 0 : i32
      %dma_start3A_46 = tpu.memref_slice %arg6[%mul3A_17, %dma_start3A_45] : memref<10240x16xf32, #tpu.memory_space<hbm>> -> memref<320x16xf32, #tpu.memory_space<hbm>>
      %dma_start3A_47 = arith.constant 0 : i32
      %dma_start3A_48 = tpu.memref_slice %arg6[%mul3A_17, %dma_start3A_47] : memref<10240x16xf32, #tpu.memory_space<hbm>> -> memref<320x16xf32, #tpu.memory_space<hbm>>
      tpu.enqueue_dma source(%dma_start3A_48 : memref<320x16xf32, #tpu.memory_space<hbm>>) target(%arg14 : memref<320x16xf32, #tpu.memory_space<vmem>>) target_semaphore(%run_scoped3A : memref<!tpu.dma_semaphore, #tpu.memory_space<semaphore_mem>>)
      %dma_wait3A = arith.constant 0 : i32
      %dma_wait3A_49 = tpu.memref_slice %arg6[%mul3A_17, %dma_wait3A] : memref<10240x16xf32, #tpu.memory_space<hbm>> -> memref<320x16xf32, #tpu.memory_space<hbm>>
      %dma_wait3A_50 = arith.constant 0 : i32
      %dma_wait3A_51 = tpu.memref_slice %arg6[%mul3A_17, %dma_wait3A_50] : memref<10240x16xf32, #tpu.memory_space<hbm>> -> memref<320x16xf32, #tpu.memory_space<hbm>>
      tpu.wait_dma2 semaphore(%run_scoped3A : memref<!tpu.dma_semaphore, #tpu.memory_space<semaphore_mem>>) src(%dma_wait3A_51 : memref<320x16xf32, #tpu.memory_space<hbm>>) dst(%arg14 : memref<320x16xf32, #tpu.memory_space<vmem>>)
      tpu.yield
    }) : () -> ()
    %mul3A_18 = arith.constant 320 : i32
    %mul3A_19 = arith.muli %add3A, %mul3A_18 : i32
    "tpu.region"() ({
      %run_scoped3A = tpu.sem_alloc : memref<!tpu.dma_semaphore, #tpu.memory_space<semaphore_mem>>
      %dma_start3A_45 = tpu.memref_slice %arg7[%mul3A_19] : memref<10240xi32, #tpu.memory_space<hbm>> -> memref<320xi32, #tpu.memory_space<hbm>>
      %dma_start3A_46 = tpu.memref_slice %arg7[%mul3A_19] : memref<10240xi32, #tpu.memory_space<hbm>> -> memref<320xi32, #tpu.memory_space<hbm>>
      tpu.enqueue_dma source(%dma_start3A_46 : memref<320xi32, #tpu.memory_space<hbm>>) target(%arg15 : memref<320xi32, #tpu.memory_space<vmem>>) target_semaphore(%run_scoped3A : memref<!tpu.dma_semaphore, #tpu.memory_space<semaphore_mem>>)
      %dma_wait3A = tpu.memref_slice %arg7[%mul3A_19] : memref<10240xi32, #tpu.memory_space<hbm>> -> memref<320xi32, #tpu.memory_space<hbm>>
      %dma_wait3A_47 = tpu.memref_slice %arg7[%mul3A_19] : memref<10240xi32, #tpu.memory_space<hbm>> -> memref<320xi32, #tpu.memory_space<hbm>>
      tpu.wait_dma2 semaphore(%run_scoped3A : memref<!tpu.dma_semaphore, #tpu.memory_space<semaphore_mem>>) src(%dma_wait3A_47 : memref<320xi32, #tpu.memory_space<hbm>>) dst(%arg15 : memref<320xi32, #tpu.memory_space<vmem>>)
      tpu.yield
    }) : () -> ()
    %broadcast_in_dim3A = arith.constant 0xFF800000 : f32
    %broadcast_in_dim3A_20 = vector.broadcast %broadcast_in_dim3A : f32 to vector<16xf32>
    %scan3A_21 = arith.constant 0 : i32
    %scan3A_22 = arith.constant 0 : i32
    %scan3A_23 = arith.constant 128 : i32
    %scan3A_24 = arith.addi %scan3A_22, %scan3A_23 : i32
    %scan3A_25 = arith.constant 1 : i32
    scf.for %scan3A_45 = %scan3A_22 to %scan3A_24 step %scan3A_25  : i32 {
      %mul3A_46 = arith.constant 16 : i32
      %mul3A_47 = arith.muli %scan3A_45, %mul3A_46 : i32
      %swap3A = arith.index_cast %mul3A_47 : i32 to index
      %swap3A_48 = tpu.vector_load %arg16[%swap3A] {strides = array<i32>} : memref<2048xf32, #tpu.memory_space<vmem>>, vector<16xf32>,
      tpu.vector_store %arg16[%swap3A], %broadcast_in_dim3A_20 {strides = array<i32>} : memref<2048xf32, #tpu.memory_space<vmem>>, vector<16xf32>,
    }
    %scan3A_26 = arith.constant 128 : i32
    %iota3A = tpu.iota {dimensions = array<i32: 0>} : vector<16xi32>
    %broadcast_in_dim3A_27 = arith.constant -1 : i32
    %broadcast_in_dim3A_28 = vector.broadcast %broadcast_in_dim3A_27 : i32 to vector<16xi32>
    %scan3A_29 = arith.constant 0 : i32
    %scan3A_30 = arith.constant 20 : i32
    %scan3A_31 = arith.addi %scan3A_29, %scan3A_30 : i32
    %scan3A_32 = arith.constant 1 : i32
    %scan3A_33:2 = scf.for %scan3A_45 = %scan3A_29 to %scan3A_31 step %scan3A_32 iter_args(%scan3A_46 = %broadcast_in_dim3A_28, %scan3A_47 = %broadcast_in_dim3A_20) -> (vector<16xi32>, vector<16xf32>)  : i32 {
      %mul3A_48 = arith.constant 16 : i32
      %mul3A_49 = arith.muli %scan3A_45, %mul3A_48 : i32
      %get3A = arith.index_cast %mul3A_49 : i32 to index
      %get3A_50 = tpu.vector_load %arg15[%get3A] {strides = array<i32>} : memref<320xi32, #tpu.memory_space<vmem>>, vector<16xi32>,
      %broadcast_in_dim3A_51 = arith.constant 0 : i32
      %broadcast_in_dim3A_52 = vector.broadcast %broadcast_in_dim3A_51 : i32 to vector<16xi32>
      %reshape3A = vector.shape_cast %broadcast_in_dim3A_52 : vector<16xi32> to vector<16x1xi32>
      %gather3A = vector.shape_cast %reshape3A : vector<16x1xi32> to vector<16xi32>
      %gather3A_53 = tpu.dynamic_gather %get3A_50[%gather3A] in [0] : vector<16xi32>, vector<16xi32> -> vector<16xi32>
      %mul3A_54 = arith.constant 16 : i32
      %mul3A_55 = arith.muli %scan3A_45, %mul3A_54 : i32
      %add3A_56 = arith.constant 0 : i32
      %add3A_57 = arith.addi %mul3A_55, %add3A_56 : i32
      %broadcast_in_dim3A_58 = vector.broadcast %add3A_57 : i32 to vector<16xi32>
      %gather3A_59 = tpu.vector_load_idx %arg14[%broadcast_in_dim3A_58, %iota3A] : memref<320x16xf32, #tpu.memory_space<vmem>>[vector<16xi32>, vector<16xi32>], vector<16xf32>,
      %eq3A_60 = arith.cmpi eq, %gather3A_53, %scan3A_46 : vector<16xi32>
      %max3A = arith.maximumf %scan3A_47, %gather3A_59 : vector<16xf32>
      %select_n3A = arith.select %eq3A_60, %max3A, %gather3A_59 : vector<16xi1>, vector<16xf32>
      %mul3A_61 = arith.constant 16 : i32
      %mul3A_62 = vector.broadcast %mul3A_61 : i32 to vector<16xi32>
      %mul3A_63 = arith.muli %gather3A_53, %mul3A_62 : vector<16xi32>
      %add3A_64 = arith.addi %mul3A_63, %iota3A : vector<16xi32>
      tpu.vector_store_idx %arg16[%add3A_64], %select_n3A : memref<2048xf32, #tpu.memory_space<vmem>>[vector<16xi32>], vector<16xf32>,
      %broadcast_in_dim3A_65 = arith.constant 1 : i32
      %broadcast_in_dim3A_66 = vector.broadcast %broadcast_in_dim3A_65 : i32 to vector<16xi32>
      %reshape3A_67 = vector.shape_cast %broadcast_in_dim3A_66 : vector<16xi32> to vector<16x1xi32>
      %gather3A_68 = vector.shape_cast %reshape3A_67 : vector<16x1xi32> to vector<16xi32>
      %gather3A_69 = tpu.dynamic_gather %get3A_50[%gather3A_68] in [0] : vector<16xi32>, vector<16xi32> -> vector<16xi32>
      %mul3A_70 = arith.constant 16 : i32
      %mul3A_71 = arith.muli %scan3A_45, %mul3A_70 : i32
      %add3A_72 = arith.constant 1 : i32
      %add3A_73 = arith.addi %mul3A_71, %add3A_72 : i32
      %broadcast_in_dim3A_74 = vector.broadcast %add3A_73 : i32 to vector<16xi32>
      %gather3A_75 = tpu.vector_load_idx %arg14[%broadcast_in_dim3A_74, %iota3A] : memref<320x16xf32, #tpu.memory_space<vmem>>[vector<16xi32>, vector<16xi32>], vector<16xf32>,
      %eq3A_76 = arith.cmpi eq, %gather3A_69, %gather3A_53 : vector<16xi32>
      %max3A_77 = arith.maximumf %select_n3A, %gather3A_75 : vector<16xf32>
      %select_n3A_78 = arith.select %eq3A_76, %max3A_77, %gather3A_75 : vector<16xi1>, vector<16xf32>
      %mul3A_79 = arith.constant 16 : i32
      %mul3A_80 = vector.broadcast %mul3A_79 : i32 to vector<16xi32>
      %mul3A_81 = arith.muli %gather3A_69, %mul3A_80 : vector<16xi32>
      %add3A_82 = arith.addi %mul3A_81, %iota3A : vector<16xi32>
      tpu.vector_store_idx %arg16[%add3A_82], %select_n3A_78 : memref<2048xf32, #tpu.memory_space<vmem>>[vector<16xi32>], vector<16xf32>,
      %broadcast_in_dim3A_83 = arith.constant 2 : i32
      %broadcast_in_dim3A_84 = vector.broadcast %broadcast_in_dim3A_83 : i32 to vector<16xi32>
      %reshape3A_85 = vector.shape_cast %broadcast_in_dim3A_84 : vector<16xi32> to vector<16x1xi32>
      %gather3A_86 = vector.shape_cast %reshape3A_85 : vector<16x1xi32> to vector<16xi32>
      %gather3A_87 = tpu.dynamic_gather %get3A_50[%gather3A_86] in [0] : vector<16xi32>, vector<16xi32> -> vector<16xi32>
      %mul3A_88 = arith.constant 16 : i32
      %mul3A_89 = arith.muli %scan3A_45, %mul3A_88 : i32
      %add3A_90 = arith.constant 2 : i32
      %add3A_91 = arith.addi %mul3A_89, %add3A_90 : i32
      %broadcast_in_dim3A_92 = vector.broadcast %add3A_91 : i32 to vector<16xi32>
      %gather3A_93 = tpu.vector_load_idx %arg14[%broadcast_in_dim3A_92, %iota3A] : memref<320x16xf32, #tpu.memory_space<vmem>>[vector<16xi32>, vector<16xi32>], vector<16xf32>,
      %eq3A_94 = arith.cmpi eq, %gather3A_87, %gather3A_69 : vector<16xi32>
      %max3A_95 = arith.maximumf %select_n3A_78, %gather3A_93 : vector<16xf32>
      %select_n3A_96 = arith.select %eq3A_94, %max3A_95, %gather3A_93 : vector<16xi1>, vector<16xf32>
      %mul3A_97 = arith.constant 16 : i32
      %mul3A_98 = vector.broadcast %mul3A_97 : i32 to vector<16xi32>
      %mul3A_99 = arith.muli %gather3A_87, %mul3A_98 : vector<16xi32>
      %add3A_100 = arith.addi %mul3A_99, %iota3A : vector<16xi32>
      tpu.vector_store_idx %arg16[%add3A_100], %select_n3A_96 : memref<2048xf32, #tpu.memory_space<vmem>>[vector<16xi32>], vector<16xf32>,
      %broadcast_in_dim3A_101 = arith.constant 3 : i32
      %broadcast_in_dim3A_102 = vector.broadcast %broadcast_in_dim3A_101 : i32 to vector<16xi32>
      %reshape3A_103 = vector.shape_cast %broadcast_in_dim3A_102 : vector<16xi32> to vector<16x1xi32>
      %gather3A_104 = vector.shape_cast %reshape3A_103 : vector<16x1xi32> to vector<16xi32>
      %gather3A_105 = tpu.dynamic_gather %get3A_50[%gather3A_104] in [0] : vector<16xi32>, vector<16xi32> -> vector<16xi32>
      %mul3A_106 = arith.constant 16 : i32
      %mul3A_107 = arith.muli %scan3A_45, %mul3A_106 : i32
      %add3A_108 = arith.constant 3 : i32
      %add3A_109 = arith.addi %mul3A_107, %add3A_108 : i32
      %broadcast_in_dim3A_110 = vector.broadcast %add3A_109 : i32 to vector<16xi32>
      %gather3A_111 = tpu.vector_load_idx %arg14[%broadcast_in_dim3A_110, %iota3A] : memref<320x16xf32, #tpu.memory_space<vmem>>[vector<16xi32>, vector<16xi32>], vector<16xf32>,
      %eq3A_112 = arith.cmpi eq, %gather3A_105, %gather3A_87 : vector<16xi32>
      %max3A_113 = arith.maximumf %select_n3A_96, %gather3A_111 : vector<16xf32>
      %select_n3A_114 = arith.select %eq3A_112, %max3A_113, %gather3A_111 : vector<16xi1>, vector<16xf32>
      %mul3A_115 = arith.constant 16 : i32
      %mul3A_116 = vector.broadcast %mul3A_115 : i32 to vector<16xi32>
      %mul3A_117 = arith.muli %gather3A_105, %mul3A_116 : vector<16xi32>
      %add3A_118 = arith.addi %mul3A_117, %iota3A : vector<16xi32>
      tpu.vector_store_idx %arg16[%add3A_118], %select_n3A_114 : memref<2048xf32, #tpu.memory_space<vmem>>[vector<16xi32>], vector<16xf32>,
      %broadcast_in_dim3A_119 = arith.constant 4 : i32
      %broadcast_in_dim3A_120 = vector.broadcast %broadcast_in_dim3A_119 : i32 to vector<16xi32>
      %reshape3A_121 = vector.shape_cast %broadcast_in_dim3A_120 : vector<16xi32> to vector<16x1xi32>
      %gather3A_122 = vector.shape_cast %reshape3A_121 : vector<16x1xi32> to vector<16xi32>
      %gather3A_123 = tpu.dynamic_gather %get3A_50[%gather3A_122] in [0] : vector<16xi32>, vector<16xi32> -> vector<16xi32>
      %mul3A_124 = arith.constant 16 : i32
      %mul3A_125 = arith.muli %scan3A_45, %mul3A_124 : i32
      %add3A_126 = arith.constant 4 : i32
      %add3A_127 = arith.addi %mul3A_125, %add3A_126 : i32
      %broadcast_in_dim3A_128 = vector.broadcast %add3A_127 : i32 to vector<16xi32>
      %gather3A_129 = tpu.vector_load_idx %arg14[%broadcast_in_dim3A_128, %iota3A] : memref<320x16xf32, #tpu.memory_space<vmem>>[vector<16xi32>, vector<16xi32>], vector<16xf32>,
      %eq3A_130 = arith.cmpi eq, %gather3A_123, %gather3A_105 : vector<16xi32>
      %max3A_131 = arith.maximumf %select_n3A_114, %gather3A_129 : vector<16xf32>
      %select_n3A_132 = arith.select %eq3A_130, %max3A_131, %gather3A_129 : vector<16xi1>, vector<16xf32>
      %mul3A_133 = arith.constant 16 : i32
      %mul3A_134 = vector.broadcast %mul3A_133 : i32 to vector<16xi32>
      %mul3A_135 = arith.muli %gather3A_123, %mul3A_134 : vector<16xi32>
      %add3A_136 = arith.addi %mul3A_135, %iota3A : vector<16xi32>
      tpu.vector_store_idx %arg16[%add3A_136], %select_n3A_132 : memref<2048xf32, #tpu.memory_space<vmem>>[vector<16xi32>], vector<16xf32>,
      %broadcast_in_dim3A_137 = arith.constant 5 : i32
      %broadcast_in_dim3A_138 = vector.broadcast %broadcast_in_dim3A_137 : i32 to vector<16xi32>
      %reshape3A_139 = vector.shape_cast %broadcast_in_dim3A_138 : vector<16xi32> to vector<16x1xi32>
      %gather3A_140 = vector.shape_cast %reshape3A_139 : vector<16x1xi32> to vector<16xi32>
      %gather3A_141 = tpu.dynamic_gather %get3A_50[%gather3A_140] in [0] : vector<16xi32>, vector<16xi32> -> vector<16xi32>
      %mul3A_142 = arith.constant 16 : i32
      %mul3A_143 = arith.muli %scan3A_45, %mul3A_142 : i32
      %add3A_144 = arith.constant 5 : i32
      %add3A_145 = arith.addi %mul3A_143, %add3A_144 : i32
      %broadcast_in_dim3A_146 = vector.broadcast %add3A_145 : i32 to vector<16xi32>
      %gather3A_147 = tpu.vector_load_idx %arg14[%broadcast_in_dim3A_146, %iota3A] : memref<320x16xf32, #tpu.memory_space<vmem>>[vector<16xi32>, vector<16xi32>], vector<16xf32>,
      %eq3A_148 = arith.cmpi eq, %gather3A_141, %gather3A_123 : vector<16xi32>
      %max3A_149 = arith.maximumf %select_n3A_132, %gather3A_147 : vector<16xf32>
      %select_n3A_150 = arith.select %eq3A_148, %max3A_149, %gather3A_147 : vector<16xi1>, vector<16xf32>
      %mul3A_151 = arith.constant 16 : i32
      %mul3A_152 = vector.broadcast %mul3A_151 : i32 to vector<16xi32>
      %mul3A_153 = arith.muli %gather3A_141, %mul3A_152 : vector<16xi32>
      %add3A_154 = arith.addi %mul3A_153, %iota3A : vector<16xi32>
      tpu.vector_store_idx %arg16[%add3A_154], %select_n3A_150 : memref<2048xf32, #tpu.memory_space<vmem>>[vector<16xi32>], vector<16xf32>,
      %broadcast_in_dim3A_155 = arith.constant 6 : i32
      %broadcast_in_dim3A_156 = vector.broadcast %broadcast_in_dim3A_155 : i32 to vector<16xi32>
      %reshape3A_157 = vector.shape_cast %broadcast_in_dim3A_156 : vector<16xi32> to vector<16x1xi32>
      %gather3A_158 = vector.shape_cast %reshape3A_157 : vector<16x1xi32> to vector<16xi32>
      %gather3A_159 = tpu.dynamic_gather %get3A_50[%gather3A_158] in [0] : vector<16xi32>, vector<16xi32> -> vector<16xi32>
      %mul3A_160 = arith.constant 16 : i32
      %mul3A_161 = arith.muli %scan3A_45, %mul3A_160 : i32
      %add3A_162 = arith.constant 6 : i32
      %add3A_163 = arith.addi %mul3A_161, %add3A_162 : i32
      %broadcast_in_dim3A_164 = vector.broadcast %add3A_163 : i32 to vector<16xi32>
      %gather3A_165 = tpu.vector_load_idx %arg14[%broadcast_in_dim3A_164, %iota3A] : memref<320x16xf32, #tpu.memory_space<vmem>>[vector<16xi32>, vector<16xi32>], vector<16xf32>,
      %eq3A_166 = arith.cmpi eq, %gather3A_159, %gather3A_141 : vector<16xi32>
      %max3A_167 = arith.maximumf %select_n3A_150, %gather3A_165 : vector<16xf32>
      %select_n3A_168 = arith.select %eq3A_166, %max3A_167, %gather3A_165 : vector<16xi1>, vector<16xf32>
      %mul3A_169 = arith.constant 16 : i32
      %mul3A_170 = vector.broadcast %mul3A_169 : i32 to vector<16xi32>
      %mul3A_171 = arith.muli %gather3A_159, %mul3A_170 : vector<16xi32>
      %add3A_172 = arith.addi %mul3A_171, %iota3A : vector<16xi32>
      tpu.vector_store_idx %arg16[%add3A_172], %select_n3A_168 : memref<2048xf32, #tpu.memory_space<vmem>>[vector<16xi32>], vector<16xf32>,
      %broadcast_in_dim3A_173 = arith.constant 7 : i32
      %broadcast_in_dim3A_174 = vector.broadcast %broadcast_in_dim3A_173 : i32 to vector<16xi32>
      %reshape3A_175 = vector.shape_cast %broadcast_in_dim3A_174 : vector<16xi32> to vector<16x1xi32>
      %gather3A_176 = vector.shape_cast %reshape3A_175 : vector<16x1xi32> to vector<16xi32>
      %gather3A_177 = tpu.dynamic_gather %get3A_50[%gather3A_176] in [0] : vector<16xi32>, vector<16xi32> -> vector<16xi32>
      %mul3A_178 = arith.constant 16 : i32
      %mul3A_179 = arith.muli %scan3A_45, %mul3A_178 : i32
      %add3A_180 = arith.constant 7 : i32
      %add3A_181 = arith.addi %mul3A_179, %add3A_180 : i32
      %broadcast_in_dim3A_182 = vector.broadcast %add3A_181 : i32 to vector<16xi32>
      %gather3A_183 = tpu.vector_load_idx %arg14[%broadcast_in_dim3A_182, %iota3A] : memref<320x16xf32, #tpu.memory_space<vmem>>[vector<16xi32>, vector<16xi32>], vector<16xf32>,
      %eq3A_184 = arith.cmpi eq, %gather3A_177, %gather3A_159 : vector<16xi32>
      %max3A_185 = arith.maximumf %select_n3A_168, %gather3A_183 : vector<16xf32>
      %select_n3A_186 = arith.select %eq3A_184, %max3A_185, %gather3A_183 : vector<16xi1>, vector<16xf32>
      %mul3A_187 = arith.constant 16 : i32
      %mul3A_188 = vector.broadcast %mul3A_187 : i32 to vector<16xi32>
      %mul3A_189 = arith.muli %gather3A_177, %mul3A_188 : vector<16xi32>
      %add3A_190 = arith.addi %mul3A_189, %iota3A : vector<16xi32>
      tpu.vector_store_idx %arg16[%add3A_190], %select_n3A_186 : memref<2048xf32, #tpu.memory_space<vmem>>[vector<16xi32>], vector<16xf32>,
      %broadcast_in_dim3A_191 = arith.constant 8 : i32
      %broadcast_in_dim3A_192 = vector.broadcast %broadcast_in_dim3A_191 : i32 to vector<16xi32>
      %reshape3A_193 = vector.shape_cast %broadcast_in_dim3A_192 : vector<16xi32> to vector<16x1xi32>
      %gather3A_194 = vector.shape_cast %reshape3A_193 : vector<16x1xi32> to vector<16xi32>
      %gather3A_195 = tpu.dynamic_gather %get3A_50[%gather3A_194] in [0] : vector<16xi32>, vector<16xi32> -> vector<16xi32>
      %mul3A_196 = arith.constant 16 : i32
      %mul3A_197 = arith.muli %scan3A_45, %mul3A_196 : i32
      %add3A_198 = arith.constant 8 : i32
      %add3A_199 = arith.addi %mul3A_197, %add3A_198 : i32
      %broadcast_in_dim3A_200 = vector.broadcast %add3A_199 : i32 to vector<16xi32>
      %gather3A_201 = tpu.vector_load_idx %arg14[%broadcast_in_dim3A_200, %iota3A] : memref<320x16xf32, #tpu.memory_space<vmem>>[vector<16xi32>, vector<16xi32>], vector<16xf32>,
      %eq3A_202 = arith.cmpi eq, %gather3A_195, %gather3A_177 : vector<16xi32>
      %max3A_203 = arith.maximumf %select_n3A_186, %gather3A_201 : vector<16xf32>
      %select_n3A_204 = arith.select %eq3A_202, %max3A_203, %gather3A_201 : vector<16xi1>, vector<16xf32>
      %mul3A_205 = arith.constant 16 : i32
      %mul3A_206 = vector.broadcast %mul3A_205 : i32 to vector<16xi32>
      %mul3A_207 = arith.muli %gather3A_195, %mul3A_206 : vector<16xi32>
      %add3A_208 = arith.addi %mul3A_207, %iota3A : vector<16xi32>
      tpu.vector_store_idx %arg16[%add3A_208], %select_n3A_204 : memref<2048xf32, #tpu.memory_space<vmem>>[vector<16xi32>], vector<16xf32>,
      %broadcast_in_dim3A_209 = arith.constant 9 : i32
      %broadcast_in_dim3A_210 = vector.broadcast %broadcast_in_dim3A_209 : i32 to vector<16xi32>
      %reshape3A_211 = vector.shape_cast %broadcast_in_dim3A_210 : vector<16xi32> to vector<16x1xi32>
      %gather3A_212 = vector.shape_cast %reshape3A_211 : vector<16x1xi32> to vector<16xi32>
      %gather3A_213 = tpu.dynamic_gather %get3A_50[%gather3A_212] in [0] : vector<16xi32>, vector<16xi32> -> vector<16xi32>
      %mul3A_214 = arith.constant 16 : i32
      %mul3A_215 = arith.muli %scan3A_45, %mul3A_214 : i32
      %add3A_216 = arith.constant 9 : i32
      %add3A_217 = arith.addi %mul3A_215, %add3A_216 : i32
      %broadcast_in_dim3A_218 = vector.broadcast %add3A_217 : i32 to vector<16xi32>
      %gather3A_219 = tpu.vector_load_idx %arg14[%broadcast_in_dim3A_218, %iota3A] : memref<320x16xf32, #tpu.memory_space<vmem>>[vector<16xi32>, vector<16xi32>], vector<16xf32>,
      %eq3A_220 = arith.cmpi eq, %gather3A_213, %gather3A_195 : vector<16xi32>
      %max3A_221 = arith.maximumf %select_n3A_204, %gather3A_219 : vector<16xf32>
      %select_n3A_222 = arith.select %eq3A_220, %max3A_221, %gather3A_219 : vector<16xi1>, vector<16xf32>
      %mul3A_223 = arith.constant 16 : i32
      %mul3A_224 = vector.broadcast %mul3A_223 : i32 to vector<16xi32>
      %mul3A_225 = arith.muli %gather3A_213, %mul3A_224 : vector<16xi32>
      %add3A_226 = arith.addi %mul3A_225, %iota3A : vector<16xi32>
      tpu.vector_store_idx %arg16[%add3A_226], %select_n3A_222 : memref<2048xf32, #tpu.memory_space<vmem>>[vector<16xi32>], vector<16xf32>,
      %broadcast_in_dim3A_227 = arith.constant 10 : i32
      %broadcast_in_dim3A_228 = vector.broadcast %broadcast_in_dim3A_227 : i32 to vector<16xi32>
      %reshape3A_229 = vector.shape_cast %broadcast_in_dim3A_228 : vector<16xi32> to vector<16x1xi32>
      %gather3A_230 = vector.shape_cast %reshape3A_229 : vector<16x1xi32> to vector<16xi32>
      %gather3A_231 = tpu.dynamic_gather %get3A_50[%gather3A_230] in [0] : vector<16xi32>, vector<16xi32> -> vector<16xi32>
      %mul3A_232 = arith.constant 16 : i32
      %mul3A_233 = arith.muli %scan3A_45, %mul3A_232 : i32
      %add3A_234 = arith.constant 10 : i32
      %add3A_235 = arith.addi %mul3A_233, %add3A_234 : i32
      %broadcast_in_dim3A_236 = vector.broadcast %add3A_235 : i32 to vector<16xi32>
      %gather3A_237 = tpu.vector_load_idx %arg14[%broadcast_in_dim3A_236, %iota3A] : memref<320x16xf32, #tpu.memory_space<vmem>>[vector<16xi32>, vector<16xi32>], vector<16xf32>,
      %eq3A_238 = arith.cmpi eq, %gather3A_231, %gather3A_213 : vector<16xi32>
      %max3A_239 = arith.maximumf %select_n3A_222, %gather3A_237 : vector<16xf32>
      %select_n3A_240 = arith.select %eq3A_238, %max3A_239, %gather3A_237 : vector<16xi1>, vector<16xf32>
      %mul3A_241 = arith.constant 16 : i32
      %mul3A_242 = vector.broadcast %mul3A_241 : i32 to vector<16xi32>
      %mul3A_243 = arith.muli %gather3A_231, %mul3A_242 : vector<16xi32>
      %add3A_244 = arith.addi %mul3A_243, %iota3A : vector<16xi32>
      tpu.vector_store_idx %arg16[%add3A_244], %select_n3A_240 : memref<2048xf32, #tpu.memory_space<vmem>>[vector<16xi32>], vector<16xf32>,
      %broadcast_in_dim3A_245 = arith.constant 11 : i32
      %broadcast_in_dim3A_246 = vector.broadcast %broadcast_in_dim3A_245 : i32 to vector<16xi32>
      %reshape3A_247 = vector.shape_cast %broadcast_in_dim3A_246 : vector<16xi32> to vector<16x1xi32>
      %gather3A_248 = vector.shape_cast %reshape3A_247 : vector<16x1xi32> to vector<16xi32>
      %gather3A_249 = tpu.dynamic_gather %get3A_50[%gather3A_248] in [0] : vector<16xi32>, vector<16xi32> -> vector<16xi32>
      %mul3A_250 = arith.constant 16 : i32
      %mul3A_251 = arith.muli %scan3A_45, %mul3A_250 : i32
      %add3A_252 = arith.constant 11 : i32
      %add3A_253 = arith.addi %mul3A_251, %add3A_252 : i32
      %broadcast_in_dim3A_254 = vector.broadcast %add3A_253 : i32 to vector<16xi32>
      %gather3A_255 = tpu.vector_load_idx %arg14[%broadcast_in_dim3A_254, %iota3A] : memref<320x16xf32, #tpu.memory_space<vmem>>[vector<16xi32>, vector<16xi32>], vector<16xf32>,
      %eq3A_256 = arith.cmpi eq, %gather3A_249, %gather3A_231 : vector<16xi32>
      %max3A_257 = arith.maximumf %select_n3A_240, %gather3A_255 : vector<16xf32>
      %select_n3A_258 = arith.select %eq3A_256, %max3A_257, %gather3A_255 : vector<16xi1>, vector<16xf32>
      %mul3A_259 = arith.constant 16 : i32
      %mul3A_260 = vector.broadcast %mul3A_259 : i32 to vector<16xi32>
      %mul3A_261 = arith.muli %gather3A_249, %mul3A_260 : vector<16xi32>
      %add3A_262 = arith.addi %mul3A_261, %iota3A : vector<16xi32>
      tpu.vector_store_idx %arg16[%add3A_262], %select_n3A_258 : memref<2048xf32, #tpu.memory_space<vmem>>[vector<16xi32>], vector<16xf32>,
      %broadcast_in_dim3A_263 = arith.constant 12 : i32
      %broadcast_in_dim3A_264 = vector.broadcast %broadcast_in_dim3A_263 : i32 to vector<16xi32>
      %reshape3A_265 = vector.shape_cast %broadcast_in_dim3A_264 : vector<16xi32> to vector<16x1xi32>
      %gather3A_266 = vector.shape_cast %reshape3A_265 : vector<16x1xi32> to vector<16xi32>
      %gather3A_267 = tpu.dynamic_gather %get3A_50[%gather3A_266] in [0] : vector<16xi32>, vector<16xi32> -> vector<16xi32>
      %mul3A_268 = arith.constant 16 : i32
      %mul3A_269 = arith.muli %scan3A_45, %mul3A_268 : i32
      %add3A_270 = arith.constant 12 : i32
      %add3A_271 = arith.addi %mul3A_269, %add3A_270 : i32
      %broadcast_in_dim3A_272 = vector.broadcast %add3A_271 : i32 to vector<16xi32>
      %gather3A_273 = tpu.vector_load_idx %arg14[%broadcast_in_dim3A_272, %iota3A] : memref<320x16xf32, #tpu.memory_space<vmem>>[vector<16xi32>, vector<16xi32>], vector<16xf32>,
      %eq3A_274 = arith.cmpi eq, %gather3A_267, %gather3A_249 : vector<16xi32>
      %max3A_275 = arith.maximumf %select_n3A_258, %gather3A_273 : vector<16xf32>
      %select_n3A_276 = arith.select %eq3A_274, %max3A_275, %gather3A_273 : vector<16xi1>, vector<16xf32>
      %mul3A_277 = arith.constant 16 : i32
      %mul3A_278 = vector.broadcast %mul3A_277 : i32 to vector<16xi32>
      %mul3A_279 = arith.muli %gather3A_267, %mul3A_278 : vector<16xi32>
      %add3A_280 = arith.addi %mul3A_279, %iota3A : vector<16xi32>
      tpu.vector_store_idx %arg16[%add3A_280], %select_n3A_276 : memref<2048xf32, #tpu.memory_space<vmem>>[vector<16xi32>], vector<16xf32>,
      %broadcast_in_dim3A_281 = arith.constant 13 : i32
      %broadcast_in_dim3A_282 = vector.broadcast %broadcast_in_dim3A_281 : i32 to vector<16xi32>
      %reshape3A_283 = vector.shape_cast %broadcast_in_dim3A_282 : vector<16xi32> to vector<16x1xi32>
      %gather3A_284 = vector.shape_cast %reshape3A_283 : vector<16x1xi32> to vector<16xi32>
      %gather3A_285 = tpu.dynamic_gather %get3A_50[%gather3A_284] in [0] : vector<16xi32>, vector<16xi32> -> vector<16xi32>
      %mul3A_286 = arith.constant 16 : i32
      %mul3A_287 = arith.muli %scan3A_45, %mul3A_286 : i32
      %add3A_288 = arith.constant 13 : i32
      %add3A_289 = arith.addi %mul3A_287, %add3A_288 : i32
      %broadcast_in_dim3A_290 = vector.broadcast %add3A_289 : i32 to vector<16xi32>
      %gather3A_291 = tpu.vector_load_idx %arg14[%broadcast_in_dim3A_290, %iota3A] : memref<320x16xf32, #tpu.memory_space<vmem>>[vector<16xi32>, vector<16xi32>], vector<16xf32>,
      %eq3A_292 = arith.cmpi eq, %gather3A_285, %gather3A_267 : vector<16xi32>
      %max3A_293 = arith.maximumf %select_n3A_276, %gather3A_291 : vector<16xf32>
      %select_n3A_294 = arith.select %eq3A_292, %max3A_293, %gather3A_291 : vector<16xi1>, vector<16xf32>
      %mul3A_295 = arith.constant 16 : i32
      %mul3A_296 = vector.broadcast %mul3A_295 : i32 to vector<16xi32>
      %mul3A_297 = arith.muli %gather3A_285, %mul3A_296 : vector<16xi32>
      %add3A_298 = arith.addi %mul3A_297, %iota3A : vector<16xi32>
      tpu.vector_store_idx %arg16[%add3A_298], %select_n3A_294 : memref<2048xf32, #tpu.memory_space<vmem>>[vector<16xi32>], vector<16xf32>,
      %broadcast_in_dim3A_299 = arith.constant 14 : i32
      %broadcast_in_dim3A_300 = vector.broadcast %broadcast_in_dim3A_299 : i32 to vector<16xi32>
      %reshape3A_301 = vector.shape_cast %broadcast_in_dim3A_300 : vector<16xi32> to vector<16x1xi32>
      %gather3A_302 = vector.shape_cast %reshape3A_301 : vector<16x1xi32> to vector<16xi32>
      %gather3A_303 = tpu.dynamic_gather %get3A_50[%gather3A_302] in [0] : vector<16xi32>, vector<16xi32> -> vector<16xi32>
      %mul3A_304 = arith.constant 16 : i32
      %mul3A_305 = arith.muli %scan3A_45, %mul3A_304 : i32
      %add3A_306 = arith.constant 14 : i32
      %add3A_307 = arith.addi %mul3A_305, %add3A_306 : i32
      %broadcast_in_dim3A_308 = vector.broadcast %add3A_307 : i32 to vector<16xi32>
      %gather3A_309 = tpu.vector_load_idx %arg14[%broadcast_in_dim3A_308, %iota3A] : memref<320x16xf32, #tpu.memory_space<vmem>>[vector<16xi32>, vector<16xi32>], vector<16xf32>,
      %eq3A_310 = arith.cmpi eq, %gather3A_303, %gather3A_285 : vector<16xi32>
      %max3A_311 = arith.maximumf %select_n3A_294, %gather3A_309 : vector<16xf32>
      %select_n3A_312 = arith.select %eq3A_310, %max3A_311, %gather3A_309 : vector<16xi1>, vector<16xf32>
      %mul3A_313 = arith.constant 16 : i32
      %mul3A_314 = vector.broadcast %mul3A_313 : i32 to vector<16xi32>
      %mul3A_315 = arith.muli %gather3A_303, %mul3A_314 : vector<16xi32>
      %add3A_316 = arith.addi %mul3A_315, %iota3A : vector<16xi32>
      tpu.vector_store_idx %arg16[%add3A_316], %select_n3A_312 : memref<2048xf32, #tpu.memory_space<vmem>>[vector<16xi32>], vector<16xf32>,
      %broadcast_in_dim3A_317 = arith.constant 15 : i32
      %broadcast_in_dim3A_318 = vector.broadcast %broadcast_in_dim3A_317 : i32 to vector<16xi32>
      %reshape3A_319 = vector.shape_cast %broadcast_in_dim3A_318 : vector<16xi32> to vector<16x1xi32>
      %gather3A_320 = vector.shape_cast %reshape3A_319 : vector<16x1xi32> to vector<16xi32>
      %gather3A_321 = tpu.dynamic_gather %get3A_50[%gather3A_320] in [0] : vector<16xi32>, vector<16xi32> -> vector<16xi32>
      %mul3A_322 = arith.constant 16 : i32
      %mul3A_323 = arith.muli %scan3A_45, %mul3A_322 : i32
      %add3A_324 = arith.constant 15 : i32
      %add3A_325 = arith.addi %mul3A_323, %add3A_324 : i32
      %broadcast_in_dim3A_326 = vector.broadcast %add3A_325 : i32 to vector<16xi32>
      %gather3A_327 = tpu.vector_load_idx %arg14[%broadcast_in_dim3A_326, %iota3A] : memref<320x16xf32, #tpu.memory_space<vmem>>[vector<16xi32>, vector<16xi32>], vector<16xf32>,
      %eq3A_328 = arith.cmpi eq, %gather3A_321, %gather3A_303 : vector<16xi32>
      %max3A_329 = arith.maximumf %select_n3A_312, %gather3A_327 : vector<16xf32>
      %select_n3A_330 = arith.select %eq3A_328, %max3A_329, %gather3A_327 : vector<16xi1>, vector<16xf32>
      %mul3A_331 = arith.constant 16 : i32
      %mul3A_332 = vector.broadcast %mul3A_331 : i32 to vector<16xi32>
      %mul3A_333 = arith.muli %gather3A_321, %mul3A_332 : vector<16xi32>
      %add3A_334 = arith.addi %mul3A_333, %iota3A : vector<16xi32>
      tpu.vector_store_idx %arg16[%add3A_334], %select_n3A_330 : memref<2048xf32, #tpu.memory_space<vmem>>[vector<16xi32>], vector<16xf32>,
      scf.yield %gather3A_321, %select_n3A_330 : vector<16xi32>, vector<16xf32>
    }
    %scan3A_34 = arith.constant 20 : i32
    "tpu.region"() ({
      %run_scoped3A = tpu.sem_alloc : memref<!tpu.dma_semaphore, #tpu.memory_space<semaphore_mem>>
      %dma_start3A_45 = arith.constant 0 : i32
      %dma_start3A_46 = tpu.memref_slice %arg9[%add3A, %dma_start3A_45] : memref<32x2048xf32, #tpu.memory_space<hbm>> -> memref<1x2048xf32, #tpu.memory_space<hbm>>
      %dma_start3A_47 = tpu.memref_squeeze %dma_start3A_46 : memref<1x2048xf32, #tpu.memory_space<hbm>> -> memref<2048xf32, #tpu.memory_space<hbm>>
      %dma_start3A_48 = arith.constant 0 : i32
      %dma_start3A_49 = tpu.memref_slice %arg9[%add3A, %dma_start3A_48] : memref<32x2048xf32, #tpu.memory_space<hbm>> -> memref<1x2048xf32, #tpu.memory_space<hbm>>
      %dma_start3A_50 = tpu.memref_squeeze %dma_start3A_49 : memref<1x2048xf32, #tpu.memory_space<hbm>> -> memref<2048xf32, #tpu.memory_space<hbm>>
      tpu.enqueue_dma source(%arg16 : memref<2048xf32, #tpu.memory_space<vmem>>) target(%dma_start3A_50 : memref<2048xf32, #tpu.memory_space<hbm>>) target_semaphore(%run_scoped3A : memref<!tpu.dma_semaphore, #tpu.memory_space<semaphore_mem>>)
      %dma_wait3A = arith.constant 0 : i32
      %dma_wait3A_51 = tpu.memref_slice %arg9[%add3A, %dma_wait3A] : memref<32x2048xf32, #tpu.memory_space<hbm>> -> memref<1x2048xf32, #tpu.memory_space<hbm>>
      %dma_wait3A_52 = tpu.memref_squeeze %dma_wait3A_51 : memref<1x2048xf32, #tpu.memory_space<hbm>> -> memref<2048xf32, #tpu.memory_space<hbm>>
      %dma_wait3A_53 = arith.constant 0 : i32
      %dma_wait3A_54 = tpu.memref_slice %arg9[%add3A, %dma_wait3A_53] : memref<32x2048xf32, #tpu.memory_space<hbm>> -> memref<1x2048xf32, #tpu.memory_space<hbm>>
      %dma_wait3A_55 = tpu.memref_squeeze %dma_wait3A_54 : memref<1x2048xf32, #tpu.memory_space<hbm>> -> memref<2048xf32, #tpu.memory_space<hbm>>
      tpu.wait_dma2 semaphore(%run_scoped3A : memref<!tpu.dma_semaphore, #tpu.memory_space<semaphore_mem>>) src(%arg16 : memref<2048xf32, #tpu.memory_space<vmem>>) dst(%dma_wait3A_55 : memref<2048xf32, #tpu.memory_space<hbm>>)
      tpu.yield
    }) : () -> ()
    %barrier3A_35 = arith.constant 0 : index
    tpu.barrier barrier_id(%barrier3A_35)
    %mul3A_36 = arith.constant 624 : i32
    %mul3A_37 = arith.muli %arg1, %mul3A_36 : i32
    %mul3A_38 = arith.constant 624 : i32
    %mul3A_39 = arith.muli %arg1, %mul3A_38 : i32
    "tpu.region"() ({
      %run_scoped3A = tpu.sem_alloc : memref<!tpu.dma_semaphore, #tpu.memory_space<semaphore_mem>>
      %dma_start3A_45 = arith.constant 0 : i32
      %dma_start3A_46 = tpu.memref_slice %arg8[%arg0, %mul3A_39, %dma_start3A_45] : memref<2x10000x64xf32, #tpu.memory_space<hbm>> -> memref<1x624x64xf32, #tpu.memory_space<hbm>>
      %dma_start3A_47 = tpu.memref_squeeze %dma_start3A_46 : memref<1x624x64xf32, #tpu.memory_space<hbm>> -> memref<624x64xf32, #tpu.memory_space<hbm>>
      %dma_start3A_48 = arith.constant 0 : i32
      %dma_start3A_49 = tpu.memref_slice %arg17[%mul3A_37, %dma_start3A_48] : memref<10016x64xf32, #tpu.memory_space<vmem_shared>> -> memref<624x64xf32, #tpu.memory_space<vmem_shared>>
      tpu.enqueue_dma source(%dma_start3A_49 : memref<624x64xf32, #tpu.memory_space<vmem_shared>>) target(%dma_start3A_47 : memref<624x64xf32, #tpu.memory_space<hbm>>) target_semaphore(%run_scoped3A : memref<!tpu.dma_semaphore, #tpu.memory_space<semaphore_mem>>)
      %dma_wait3A = arith.constant 0 : i32
      %dma_wait3A_50 = tpu.memref_slice %arg8[%arg0, %mul3A_39, %dma_wait3A] : memref<2x10000x64xf32, #tpu.memory_space<hbm>> -> memref<1x624x64xf32, #tpu.memory_space<hbm>>
      %dma_wait3A_51 = tpu.memref_squeeze %dma_wait3A_50 : memref<1x624x64xf32, #tpu.memory_space<hbm>> -> memref<624x64xf32, #tpu.memory_space<hbm>>
      %dma_wait3A_52 = arith.constant 0 : i32
      %dma_wait3A_53 = tpu.memref_slice %arg17[%mul3A_37, %dma_wait3A_52] : memref<10016x64xf32, #tpu.memory_space<vmem_shared>> -> memref<624x64xf32, #tpu.memory_space<vmem_shared>>
      tpu.wait_dma2 semaphore(%run_scoped3A : memref<!tpu.dma_semaphore, #tpu.memory_space<semaphore_mem>>) src(%dma_wait3A_53 : memref<624x64xf32, #tpu.memory_space<vmem_shared>>) dst(%dma_wait3A_51 : memref<624x64xf32, #tpu.memory_space<hbm>>)
      tpu.yield
    }) : () -> ()
    %eq3A_40 = arith.constant 15 : i32
    %eq3A_41 = arith.cmpi eq, %arg1, %eq3A_40 : i32
    %convert_element_type3A_42 = arith.extui %eq3A_41 : i1 to i32
    %cond3A_43 = arith.constant 0 : i32
    %cond3A_44 = arith.cmpi ne, %convert_element_type3A_42, %cond3A_43 : i32
    scf.if %cond3A_44 {
      "tpu.region"() ({
        %run_scoped3A = tpu.sem_alloc : memref<!tpu.dma_semaphore, #tpu.memory_space<semaphore_mem>>
        %dma_start3A_45 = arith.constant 9984 : i32
        %dma_start3A_46 = arith.constant 0 : i32
        %dma_start3A_47 = tpu.memref_slice %arg8[%arg0, %dma_start3A_45, %dma_start3A_46] : memref<2x10000x64xf32, #tpu.memory_space<hbm>> -> memref<1x16x64xf32, #tpu.memory_space<hbm>>
        %dma_start3A_48 = tpu.memref_squeeze %dma_start3A_47 : memref<1x16x64xf32, #tpu.memory_space<hbm>> -> memref<16x64xf32, #tpu.memory_space<hbm>>
        %dma_start3A_49 = arith.constant 9984 : i32
        %dma_start3A_50 = arith.constant 0 : i32
        %dma_start3A_51 = tpu.memref_slice %arg17[%dma_start3A_49, %dma_start3A_50] : memref<10016x64xf32, #tpu.memory_space<vmem_shared>> -> memref<16x64xf32, #tpu.memory_space<vmem_shared>>
        tpu.enqueue_dma source(%dma_start3A_51 : memref<16x64xf32, #tpu.memory_space<vmem_shared>>) target(%dma_start3A_48 : memref<16x64xf32, #tpu.memory_space<hbm>>) target_semaphore(%run_scoped3A : memref<!tpu.dma_semaphore, #tpu.memory_space<semaphore_mem>>)
        %dma_wait3A = arith.constant 9984 : i32
        %dma_wait3A_52 = arith.constant 0 : i32
        %dma_wait3A_53 = tpu.memref_slice %arg8[%arg0, %dma_wait3A, %dma_wait3A_52] : memref<2x10000x64xf32, #tpu.memory_space<hbm>> -> memref<1x16x64xf32, #tpu.memory_space<hbm>>
        %dma_wait3A_54 = tpu.memref_squeeze %dma_wait3A_53 : memref<1x16x64xf32, #tpu.memory_space<hbm>> -> memref<16x64xf32, #tpu.memory_space<hbm>>
        %dma_wait3A_55 = arith.constant 9984 : i32
        %dma_wait3A_56 = arith.constant 0 : i32
        %dma_wait3A_57 = tpu.memref_slice %arg17[%dma_wait3A_55, %dma_wait3A_56] : memref<10016x64xf32, #tpu.memory_space<vmem_shared>> -> memref<16x64xf32, #tpu.memory_space<vmem_shared>>
        tpu.wait_dma2 semaphore(%run_scoped3A : memref<!tpu.dma_semaphore, #tpu.memory_space<semaphore_mem>>) src(%dma_wait3A_57 : memref<16x64xf32, #tpu.memory_space<vmem_shared>>) dst(%dma_wait3A_54 : memref<16x64xf32, #tpu.memory_space<hbm>>)
        tpu.yield
      }) : () -> ()
    } else {
    }
    return
  }
}

#map = affine_map<(d0, d1) -> (0, 0)>
#map1 = affine_map<(d0, d1) -> (0, 0, 0)>
#map2 = affine_map<(d0, d1) -> (0)>
module attributes {stable_mosaic.version = 14 : i64} {
  func.func @_seg_sum_body(%arg0: i32, %arg1: i32, %arg2: memref<50000x64xf32, #tpu.memory_space<hbm>>, %arg3: memref<32x80x128xi32, #tpu.memory_space<hbm>>, %arg4: memref<32x80x128xi32, #tpu.memory_space<hbm>>, %arg5: memref<624x64xf32, #tpu.memory_space<hbm>>, %arg6: memref<10240x16xf32, #tpu.memory_space<hbm>>, %arg7: memref<10240xi32, #tpu.memory_space<hbm>>, %arg8: memref<2x10000x64xf32, #tpu.memory_space<hbm>>, %arg9: memref<32x2048xf32, #tpu.memory_space<hbm>>, %arg10: memref<80x128xi32, #tpu.memory_space<vmem>>, %arg11: memref<80x128xi32, #tpu.memory_space<vmem>>, %arg12: memref<128x64xf32, #tpu.memory_space<vmem>>, %arg13: memref<128x64xf32, #tpu.memory_space<vmem>>, %arg14: memref<320x16xf32, #tpu.memory_space<vmem>>, %arg15: memref<320xi32, #tpu.memory_space<vmem>>, %arg16: memref<2048xf32, #tpu.memory_space<vmem>>, %arg17: memref<10016x64xf32, #tpu.memory_space<vmem_shared>>, %arg18: memref<!tpu.dma_semaphore, #tpu.memory_space<semaphore_mem>>, %arg19: memref<!tpu.dma_semaphore, #tpu.memory_space<semaphore_mem>>) attributes {dimension_semantics = [#tpu.dimension_semantics<core_parallel>, #tpu.dimension_semantics<subcore_parallel>], iteration_bounds = array<i64: 2, 16>, scalar_prefetch = 0 : i64, scratch_operands = 10 : i64, tpu.core_type = #tpu.core_type<sc_vector_subcore>, window_params = [{transform_indices = #map}, {transform_indices = #map1}, {transform_indices = #map1}, {transform_indices = #map}, {transform_indices = #map}, {transform_indices = #map2}, {transform_indices = #map1}, {transform_indices = #map}]} {
    %mul3A = arith.constant 2 : i32
    %mul3A_0 = arith.muli %arg1, %mul3A : i32
    %add3A = arith.addi %mul3A_0, %arg0 : i32
    "tpu.region"() ({
      %run_scoped3A = tpu.sem_alloc : memref<!tpu.dma_semaphore, #tpu.memory_space<semaphore_mem>>
      %dma_start3A_45 = arith.constant 0 : i32
      %dma_start3A_46 = arith.constant 0 : i32
      %dma_start3A_47 = tpu.memref_slice %arg3[%add3A, %dma_start3A_45, %dma_start3A_46] : memref<32x80x128xi32, #tpu.memory_space<hbm>> -> memref<1x80x128xi32, #tpu.memory_space<hbm>>
      %dma_start3A_48 = tpu.memref_squeeze %dma_start3A_47 : memref<1x80x128xi32, #tpu.memory_space<hbm>> -> memref<80x128xi32, #tpu.memory_space<hbm>>
      %dma_start3A_49 = arith.constant 0 : i32
      %dma_start3A_50 = arith.constant 0 : i32
      %dma_start3A_51 = tpu.memref_slice %arg3[%add3A, %dma_start3A_49, %dma_start3A_50] : memref<32x80x128xi32, #tpu.memory_space<hbm>> -> memref<1x80x128xi32, #tpu.memory_space<hbm>>
      %dma_start3A_52 = tpu.memref_squeeze %dma_start3A_51 : memref<1x80x128xi32, #tpu.memory_space<hbm>> -> memref<80x128xi32, #tpu.memory_space<hbm>>
      tpu.enqueue_dma source(%dma_start3A_52 : memref<80x128xi32, #tpu.memory_space<hbm>>) target(%arg10 : memref<80x128xi32, #tpu.memory_space<vmem>>) target_semaphore(%run_scoped3A : memref<!tpu.dma_semaphore, #tpu.memory_space<semaphore_mem>>)
      %dma_wait3A = arith.constant 0 : i32
      %dma_wait3A_53 = arith.constant 0 : i32
      %dma_wait3A_54 = tpu.memref_slice %arg3[%add3A, %dma_wait3A, %dma_wait3A_53] : memref<32x80x128xi32, #tpu.memory_space<hbm>> -> memref<1x80x128xi32, #tpu.memory_space<hbm>>
      %dma_wait3A_55 = tpu.memref_squeeze %dma_wait3A_54 : memref<1x80x128xi32, #tpu.memory_space<hbm>> -> memref<80x128xi32, #tpu.memory_space<hbm>>
      %dma_wait3A_56 = arith.constant 0 : i32
      %dma_wait3A_57 = arith.constant 0 : i32
      %dma_wait3A_58 = tpu.memref_slice %arg3[%add3A, %dma_wait3A_56, %dma_wait3A_57] : memref<32x80x128xi32, #tpu.memory_space<hbm>> -> memref<1x80x128xi32, #tpu.memory_space<hbm>>
      %dma_wait3A_59 = tpu.memref_squeeze %dma_wait3A_58 : memref<1x80x128xi32, #tpu.memory_space<hbm>> -> memref<80x128xi32, #tpu.memory_space<hbm>>
      tpu.wait_dma2 semaphore(%run_scoped3A : memref<!tpu.dma_semaphore, #tpu.memory_space<semaphore_mem>>) src(%dma_wait3A_59 : memref<80x128xi32, #tpu.memory_space<hbm>>) dst(%arg10 : memref<80x128xi32, #tpu.memory_space<vmem>>)
      tpu.yield
    }) : () -> ()
    "tpu.region"() ({
      %run_scoped3A = tpu.sem_alloc : memref<!tpu.dma_semaphore, #tpu.memory_space<semaphore_mem>>
      %dma_start3A_45 = arith.constant 0 : i32
      %dma_start3A_46 = arith.constant 0 : i32
      %dma_start3A_47 = tpu.memref_slice %arg4[%add3A, %dma_start3A_45, %dma_start3A_46] : memref<32x80x128xi32, #tpu.memory_space<hbm>> -> memref<1x80x128xi32, #tpu.memory_space<hbm>>
      %dma_start3A_48 = tpu.memref_squeeze %dma_start3A_47 : memref<1x80x128xi32, #tpu.memory_space<hbm>> -> memref<80x128xi32, #tpu.memory_space<hbm>>
      %dma_start3A_49 = arith.constant 0 : i32
      %dma_start3A_50 = arith.constant 0 : i32
      %dma_start3A_51 = tpu.memref_slice %arg4[%add3A, %dma_start3A_49, %dma_start3A_50] : memref<32x80x128xi32, #tpu.memory_space<hbm>> -> memref<1x80x128xi32, #tpu.memory_space<hbm>>
      %dma_start3A_52 = tpu.memref_squeeze %dma_start3A_51 : memref<1x80x128xi32, #tpu.memory_space<hbm>> -> memref<80x128xi32, #tpu.memory_space<hbm>>
      tpu.enqueue_dma source(%dma_start3A_52 : memref<80x128xi32, #tpu.memory_space<hbm>>) target(%arg11 : memref<80x128xi32, #tpu.memory_space<vmem>>) target_semaphore(%run_scoped3A : memref<!tpu.dma_semaphore, #tpu.memory_space<semaphore_mem>>)
      %dma_wait3A = arith.constant 0 : i32
      %dma_wait3A_53 = arith.constant 0 : i32
      %dma_wait3A_54 = tpu.memref_slice %arg4[%add3A, %dma_wait3A, %dma_wait3A_53] : memref<32x80x128xi32, #tpu.memory_space<hbm>> -> memref<1x80x128xi32, #tpu.memory_space<hbm>>
      %dma_wait3A_55 = tpu.memref_squeeze %dma_wait3A_54 : memref<1x80x128xi32, #tpu.memory_space<hbm>> -> memref<80x128xi32, #tpu.memory_space<hbm>>
      %dma_wait3A_56 = arith.constant 0 : i32
      %dma_wait3A_57 = arith.constant 0 : i32
      %dma_wait3A_58 = tpu.memref_slice %arg4[%add3A, %dma_wait3A_56, %dma_wait3A_57] : memref<32x80x128xi32, #tpu.memory_space<hbm>> -> memref<1x80x128xi32, #tpu.memory_space<hbm>>
      %dma_wait3A_59 = tpu.memref_squeeze %dma_wait3A_58 : memref<1x80x128xi32, #tpu.memory_space<hbm>> -> memref<80x128xi32, #tpu.memory_space<hbm>>
      tpu.wait_dma2 semaphore(%run_scoped3A : memref<!tpu.dma_semaphore, #tpu.memory_space<semaphore_mem>>) src(%dma_wait3A_59 : memref<80x128xi32, #tpu.memory_space<hbm>>) dst(%arg11 : memref<80x128xi32, #tpu.memory_space<vmem>>)
      tpu.yield
    }) : () -> ()
    %mul3A_1 = arith.constant 624 : i32
    %mul3A_2 = arith.muli %arg1, %mul3A_1 : i32
    "tpu.region"() ({
      %run_scoped3A = tpu.sem_alloc : memref<!tpu.dma_semaphore, #tpu.memory_space<semaphore_mem>>
      %dma_start3A_45 = arith.constant 0 : i32
      %dma_start3A_46 = tpu.memref_slice %arg17[%mul3A_2, %dma_start3A_45] : memref<10016x64xf32, #tpu.memory_space<vmem_shared>> -> memref<624x64xf32, #tpu.memory_space<vmem_shared>>
      %dma_start3A_47 = arith.constant 0 : i32
      %dma_start3A_48 = arith.constant 0 : i32
      %dma_start3A_49 = tpu.memref_slice %arg5[%dma_start3A_47, %dma_start3A_48] : memref<624x64xf32, #tpu.memory_space<hbm>> -> memref<624x64xf32, #tpu.memory_space<hbm>>
      tpu.enqueue_dma source(%dma_start3A_49 : memref<624x64xf32, #tpu.memory_space<hbm>>) target(%dma_start3A_46 : memref<624x64xf32, #tpu.memory_space<vmem_shared>>) target_semaphore(%run_scoped3A : memref<!tpu.dma_semaphore, #tpu.memory_space<semaphore_mem>>)
      %dma_wait3A = arith.constant 0 : i32
      %dma_wait3A_50 = tpu.memref_slice %arg17[%mul3A_2, %dma_wait3A] : memref<10016x64xf32, #tpu.memory_space<vmem_shared>> -> memref<624x64xf32, #tpu.memory_space<vmem_shared>>
      %dma_wait3A_51 = arith.constant 0 : i32
      %dma_wait3A_52 = arith.constant 0 : i32
      %dma_wait3A_53 = tpu.memref_slice %arg5[%dma_wait3A_51, %dma_wait3A_52] : memref<624x64xf32, #tpu.memory_space<hbm>> -> memref<624x64xf32, #tpu.memory_space<hbm>>
      tpu.wait_dma2 semaphore(%run_scoped3A : memref<!tpu.dma_semaphore, #tpu.memory_space<semaphore_mem>>) src(%dma_wait3A_53 : memref<624x64xf32, #tpu.memory_space<hbm>>) dst(%dma_wait3A_50 : memref<624x64xf32, #tpu.memory_space<vmem_shared>>)
      tpu.yield
    }) : () -> ()
    %eq3A = arith.constant 15 : i32
    %eq3A_3 = arith.cmpi eq, %arg1, %eq3A : i32
    %convert_element_type3A = arith.extui %eq3A_3 : i1 to i32
    %cond3A = arith.constant 0 : i32
    %cond3A_4 = arith.cmpi ne, %convert_element_type3A, %cond3A : i32
    scf.if %cond3A_4 {
      "tpu.region"() ({
        %run_scoped3A = tpu.sem_alloc : memref<!tpu.dma_semaphore, #tpu.memory_space<semaphore_mem>>
        %dma_start3A_45 = arith.constant 9984 : i32
        %dma_start3A_46 = arith.constant 0 : i32
        %dma_start3A_47 = tpu.memref_slice %arg17[%dma_start3A_45, %dma_start3A_46] : memref<10016x64xf32, #tpu.memory_space<vmem_shared>> -> memref<32x64xf32, #tpu.memory_space<vmem_shared>>
        %dma_start3A_48 = arith.constant 0 : i32
        %dma_start3A_49 = arith.constant 0 : i32
        %dma_start3A_50 = tpu.memref_slice %arg5[%dma_start3A_48, %dma_start3A_49] : memref<624x64xf32, #tpu.memory_space<hbm>> -> memref<32x64xf32, #tpu.memory_space<hbm>>
        tpu.enqueue_dma source(%dma_start3A_50 : memref<32x64xf32, #tpu.memory_space<hbm>>) target(%dma_start3A_47 : memref<32x64xf32, #tpu.memory_space<vmem_shared>>) target_semaphore(%run_scoped3A : memref<!tpu.dma_semaphore, #tpu.memory_space<semaphore_mem>>)
        %dma_wait3A = arith.constant 9984 : i32
        %dma_wait3A_51 = arith.constant 0 : i32
        %dma_wait3A_52 = tpu.memref_slice %arg17[%dma_wait3A, %dma_wait3A_51] : memref<10016x64xf32, #tpu.memory_space<vmem_shared>> -> memref<32x64xf32, #tpu.memory_space<vmem_shared>>
        %dma_wait3A_53 = arith.constant 0 : i32
        %dma_wait3A_54 = arith.constant 0 : i32
        %dma_wait3A_55 = tpu.memref_slice %arg5[%dma_wait3A_53, %dma_wait3A_54] : memref<624x64xf32, #tpu.memory_space<hbm>> -> memref<32x64xf32, #tpu.memory_space<hbm>>
        tpu.wait_dma2 semaphore(%run_scoped3A : memref<!tpu.dma_semaphore, #tpu.memory_space<semaphore_mem>>) src(%dma_wait3A_55 : memref<32x64xf32, #tpu.memory_space<hbm>>) dst(%dma_wait3A_52 : memref<32x64xf32, #tpu.memory_space<vmem_shared>>)
        tpu.yield
      }) : () -> ()
    } else {
    }
    %barrier3A = arith.constant 0 : index
    tpu.barrier barrier_id(%barrier3A)
    %dma_start3A = arith.constant 0 : i32
    %dma_start3A_5 = arith.constant 0 : i32
    %dma_start3A_6 = tpu.memref_slice %arg10[%dma_start3A, %dma_start3A_5] : memref<80x128xi32, #tpu.memory_space<vmem>> -> memref<1x128xi32, #tpu.memory_space<vmem>>
    %dma_start3A_7 = tpu.memref_squeeze %dma_start3A_6 : memref<1x128xi32, #tpu.memory_space<vmem>> -> memref<128xi32, #tpu.memory_space<vmem>>
    %dma_start3A_8 = arith.constant 0 : i32
    %dma_start3A_9 = arith.constant 0 : i32
    %dma_start3A_10 = tpu.memref_slice %arg2[%dma_start3A_8, %dma_start3A_9] : memref<50000x64xf32, #tpu.memory_space<hbm>> -> memref<50000x64xf32, #tpu.memory_space<hbm>>
    tpu.enqueue_indirect_dma source(%dma_start3A_10 : memref<50000x64xf32, #tpu.memory_space<hbm>>) target(%arg12 : memref<128x64xf32, #tpu.memory_space<vmem>>) offsets(%dma_start3A_7 : memref<128xi32, #tpu.memory_space<vmem>>) semaphore(%arg18 : memref<!tpu.dma_semaphore, #tpu.memory_space<semaphore_mem>>)
    %scan3A = arith.constant 0 : i32
    %scan3A_11 = arith.constant 0 : i32
    %scan3A_12 = arith.constant 40 : i32
    %scan3A_13 = arith.addi %scan3A_11, %scan3A_12 : i32
    %scan3A_14 = arith.constant 1 : i32
    scf.for %scan3A_45 = %scan3A_11 to %scan3A_13 step %scan3A_14  : i32 {
      %mul3A_46 = arith.constant 2 : i32
      %mul3A_47 = arith.muli %mul3A_46, %scan3A_45 : i32
      %add3A_48 = arith.constant 1 : i32
      %add3A_49 = arith.addi %mul3A_47, %add3A_48 : i32
      %dma_start3A_50 = arith.constant 0 : i32
      %dma_start3A_51 = tpu.memref_slice %arg10[%add3A_49, %dma_start3A_50] : memref<80x128xi32, #tpu.memory_space<vmem>> -> memref<1x128xi32, #tpu.memory_space<vmem>>
      %dma_start3A_52 = tpu.memref_squeeze %dma_start3A_51 : memref<1x128xi32, #tpu.memory_space<vmem>> -> memref<128xi32, #tpu.memory_space<vmem>>
      %dma_start3A_53 = arith.constant 0 : i32
      %dma_start3A_54 = arith.constant 0 : i32
      %dma_start3A_55 = tpu.memref_slice %arg2[%dma_start3A_53, %dma_start3A_54] : memref<50000x64xf32, #tpu.memory_space<hbm>> -> memref<50000x64xf32, #tpu.memory_space<hbm>>
      tpu.enqueue_indirect_dma source(%dma_start3A_55 : memref<50000x64xf32, #tpu.memory_space<hbm>>) target(%arg13 : memref<128x64xf32, #tpu.memory_space<vmem>>) offsets(%dma_start3A_52 : memref<128xi32, #tpu.memory_space<vmem>>) semaphore(%arg19 : memref<!tpu.dma_semaphore, #tpu.memory_space<semaphore_mem>>)
      %dma_wait3A = arith.constant 0 : i32
      %dma_wait3A_56 = tpu.memref_slice %arg10[%mul3A_47, %dma_wait3A] : memref<80x128xi32, #tpu.memory_space<vmem>> -> memref<1x128xi32, #tpu.memory_space<vmem>>
      %dma_wait3A_57 = tpu.memref_squeeze %dma_wait3A_56 : memref<1x128xi32, #tpu.memory_space<vmem>> -> memref<128xi32, #tpu.memory_space<vmem>>
      %dma_wait3A_58 = arith.constant 0 : i32
      %dma_wait3A_59 = arith.constant 0 : i32
      %dma_wait3A_60 = tpu.memref_slice %arg2[%dma_wait3A_58, %dma_wait3A_59] : memref<50000x64xf32, #tpu.memory_space<hbm>> -> memref<50000x64xf32, #tpu.memory_space<hbm>>
      tpu.wait_indirect_dma semaphore(%arg18 : memref<!tpu.dma_semaphore, #tpu.memory_space<semaphore_mem>>) src(%dma_wait3A_60 : memref<50000x64xf32, #tpu.memory_space<hbm>>) dst(%arg12 : memref<128x64xf32, #tpu.memory_space<vmem>>)
      "tpu.region"() ({
        %run_scoped3A = tpu.sem_alloc : memref<!tpu.dma_semaphore, #tpu.memory_space<semaphore_mem>>
        %dma_start3A_75 = arith.constant 0 : i32
        %dma_start3A_76 = tpu.memref_slice %arg11[%mul3A_47, %dma_start3A_75] : memref<80x128xi32, #tpu.memory_space<vmem>> -> memref<1x128xi32, #tpu.memory_space<vmem>>
        %dma_start3A_77 = tpu.memref_squeeze %dma_start3A_76 : memref<1x128xi32, #tpu.memory_space<vmem>> -> memref<128xi32, #tpu.memory_space<vmem>>
        %dma_start3A_78 = arith.constant 0 : i32
        %dma_start3A_79 = arith.constant 0 : i32
        %dma_start3A_80 = tpu.memref_slice %arg17[%dma_start3A_78, %dma_start3A_79] : memref<10016x64xf32, #tpu.memory_space<vmem_shared>> -> memref<10016x64xf32, #tpu.memory_space<vmem_shared>>
        tpu.enqueue_indirect_dma source(%arg12 : memref<128x64xf32, #tpu.memory_space<vmem>>) target(%dma_start3A_80 : memref<10016x64xf32, #tpu.memory_space<vmem_shared>>) offsets(%dma_start3A_77 : memref<128xi32, #tpu.memory_space<vmem>>) semaphore(%run_scoped3A : memref<!tpu.dma_semaphore, #tpu.memory_space<semaphore_mem>>) {add = true}
        %dma_wait3A_81 = arith.constant 0 : i32
        %dma_wait3A_82 = tpu.memref_slice %arg11[%mul3A_47, %dma_wait3A_81] : memref<80x128xi32, #tpu.memory_space<vmem>> -> memref<1x128xi32, #tpu.memory_space<vmem>>
        %dma_wait3A_83 = tpu.memref_squeeze %dma_wait3A_82 : memref<1x128xi32, #tpu.memory_space<vmem>> -> memref<128xi32, #tpu.memory_space<vmem>>
        %dma_wait3A_84 = arith.constant 0 : i32
        %dma_wait3A_85 = arith.constant 0 : i32
        %dma_wait3A_86 = tpu.memref_slice %arg17[%dma_wait3A_84, %dma_wait3A_85] : memref<10016x64xf32, #tpu.memory_space<vmem_shared>> -> memref<10016x64xf32, #tpu.memory_space<vmem_shared>>
        tpu.wait_indirect_dma semaphore(%run_scoped3A : memref<!tpu.dma_semaphore, #tpu.memory_space<semaphore_mem>>) src(%arg12 : memref<128x64xf32, #tpu.memory_space<vmem>>) dst(%dma_wait3A_86 : memref<10016x64xf32, #tpu.memory_space<vmem_shared>>)
        tpu.yield
      }) : () -> ()
      %lt3A = arith.constant 39 : i32
      %lt3A_61 = arith.cmpi slt, %scan3A_45, %lt3A : i32
      %convert_element_type3A_62 = arith.extui %lt3A_61 : i1 to i32
      %cond3A_63 = arith.constant 0 : i32
      %cond3A_64 = arith.cmpi ne, %convert_element_type3A_62, %cond3A_63 : i32
      scf.if %cond3A_64 {
        %add3A_75 = arith.constant 2 : i32
        %add3A_76 = arith.addi %mul3A_47, %add3A_75 : i32
        %dma_start3A_77 = arith.constant 0 : i32
        %dma_start3A_78 = tpu.memref_slice %arg10[%add3A_76, %dma_start3A_77] : memref<80x128xi32, #tpu.memory_space<vmem>> -> memref<1x128xi32, #tpu.memory_space<vmem>>
        %dma_start3A_79 = tpu.memref_squeeze %dma_start3A_78 : memref<1x128xi32, #tpu.memory_space<vmem>> -> memref<128xi32, #tpu.memory_space<vmem>>
        %dma_start3A_80 = arith.constant 0 : i32
        %dma_start3A_81 = arith.constant 0 : i32
        %dma_start3A_82 = tpu.memref_slice %arg2[%dma_start3A_80, %dma_start3A_81] : memref<50000x64xf32, #tpu.memory_space<hbm>> -> memref<50000x64xf32, #tpu.memory_space<hbm>>
        tpu.enqueue_indirect_dma source(%dma_start3A_82 : memref<50000x64xf32, #tpu.memory_space<hbm>>) target(%arg12 : memref<128x64xf32, #tpu.memory_space<vmem>>) offsets(%dma_start3A_79 : memref<128xi32, #tpu.memory_space<vmem>>) semaphore(%arg18 : memref<!tpu.dma_semaphore, #tpu.memory_space<semaphore_mem>>)
      } else {
      }
      %add3A_65 = arith.constant 1 : i32
      %add3A_66 = arith.addi %mul3A_47, %add3A_65 : i32
      %dma_wait3A_67 = arith.constant 0 : i32
      %dma_wait3A_68 = tpu.memref_slice %arg10[%add3A_66, %dma_wait3A_67] : memref<80x128xi32, #tpu.memory_space<vmem>> -> memref<1x128xi32, #tpu.memory_space<vmem>>
      %dma_wait3A_69 = tpu.memref_squeeze %dma_wait3A_68 : memref<1x128xi32, #tpu.memory_space<vmem>> -> memref<128xi32, #tpu.memory_space<vmem>>
      %dma_wait3A_70 = arith.constant 0 : i32
      %dma_wait3A_71 = arith.constant 0 : i32
      %dma_wait3A_72 = tpu.memref_slice %arg2[%dma_wait3A_70, %dma_wait3A_71] : memref<50000x64xf32, #tpu.memory_space<hbm>> -> memref<50000x64xf32, #tpu.memory_space<hbm>>
      tpu.wait_indirect_dma semaphore(%arg19 : memref<!tpu.dma_semaphore, #tpu.memory_space<semaphore_mem>>) src(%dma_wait3A_72 : memref<50000x64xf32, #tpu.memory_space<hbm>>) dst(%arg13 : memref<128x64xf32, #tpu.memory_space<vmem>>)
      %add3A_73 = arith.constant 1 : i32
      %add3A_74 = arith.addi %mul3A_47, %add3A_73 : i32
      "tpu.region"() ({
        %run_scoped3A = tpu.sem_alloc : memref<!tpu.dma_semaphore, #tpu.memory_space<semaphore_mem>>
        %dma_start3A_75 = arith.constant 0 : i32
        %dma_start3A_76 = tpu.memref_slice %arg11[%add3A_74, %dma_start3A_75] : memref<80x128xi32, #tpu.memory_space<vmem>> -> memref<1x128xi32, #tpu.memory_space<vmem>>
        %dma_start3A_77 = tpu.memref_squeeze %dma_start3A_76 : memref<1x128xi32, #tpu.memory_space<vmem>> -> memref<128xi32, #tpu.memory_space<vmem>>
        %dma_start3A_78 = arith.constant 0 : i32
        %dma_start3A_79 = arith.constant 0 : i32
        %dma_start3A_80 = tpu.memref_slice %arg17[%dma_start3A_78, %dma_start3A_79] : memref<10016x64xf32, #tpu.memory_space<vmem_shared>> -> memref<10016x64xf32, #tpu.memory_space<vmem_shared>>
        tpu.enqueue_indirect_dma source(%arg13 : memref<128x64xf32, #tpu.memory_space<vmem>>) target(%dma_start3A_80 : memref<10016x64xf32, #tpu.memory_space<vmem_shared>>) offsets(%dma_start3A_77 : memref<128xi32, #tpu.memory_space<vmem>>) semaphore(%run_scoped3A : memref<!tpu.dma_semaphore, #tpu.memory_space<semaphore_mem>>) {add = true}
        %dma_wait3A_81 = arith.constant 0 : i32
        %dma_wait3A_82 = tpu.memref_slice %arg11[%add3A_74, %dma_wait3A_81] : memref<80x128xi32, #tpu.memory_space<vmem>> -> memref<1x128xi32, #tpu.memory_space<vmem>>
        %dma_wait3A_83 = tpu.memref_squeeze %dma_wait3A_82 : memref<1x128xi32, #tpu.memory_space<vmem>> -> memref<128xi32, #tpu.memory_space<vmem>>
        %dma_wait3A_84 = arith.constant 0 : i32
        %dma_wait3A_85 = arith.constant 0 : i32
        %dma_wait3A_86 = tpu.memref_slice %arg17[%dma_wait3A_84, %dma_wait3A_85] : memref<10016x64xf32, #tpu.memory_space<vmem_shared>> -> memref<10016x64xf32, #tpu.memory_space<vmem_shared>>
        tpu.wait_indirect_dma semaphore(%run_scoped3A : memref<!tpu.dma_semaphore, #tpu.memory_space<semaphore_mem>>) src(%arg13 : memref<128x64xf32, #tpu.memory_space<vmem>>) dst(%dma_wait3A_86 : memref<10016x64xf32, #tpu.memory_space<vmem_shared>>)
        tpu.yield
      }) : () -> ()
    }
    %scan3A_15 = arith.constant 40 : i32
    %mul3A_16 = arith.constant 320 : i32
    %mul3A_17 = arith.muli %add3A, %mul3A_16 : i32
    "tpu.region"() ({
      %run_scoped3A = tpu.sem_alloc : memref<!tpu.dma_semaphore, #tpu.memory_space<semaphore_mem>>
      %dma_start3A_45 = arith.constant 0 : i32
      %dma_start3A_46 = tpu.memref_slice %arg6[%mul3A_17, %dma_start3A_45] : memref<10240x16xf32, #tpu.memory_space<hbm>> -> memref<320x16xf32, #tpu.memory_space<hbm>>
      %dma_start3A_47 = arith.constant 0 : i32
      %dma_start3A_48 = tpu.memref_slice %arg6[%mul3A_17, %dma_start3A_47] : memref<10240x16xf32, #tpu.memory_space<hbm>> -> memref<320x16xf32, #tpu.memory_space<hbm>>
      tpu.enqueue_dma source(%dma_start3A_48 : memref<320x16xf32, #tpu.memory_space<hbm>>) target(%arg14 : memref<320x16xf32, #tpu.memory_space<vmem>>) target_semaphore(%run_scoped3A : memref<!tpu.dma_semaphore, #tpu.memory_space<semaphore_mem>>)
      %dma_wait3A = arith.constant 0 : i32
      %dma_wait3A_49 = tpu.memref_slice %arg6[%mul3A_17, %dma_wait3A] : memref<10240x16xf32, #tpu.memory_space<hbm>> -> memref<320x16xf32, #tpu.memory_space<hbm>>
      %dma_wait3A_50 = arith.constant 0 : i32
      %dma_wait3A_51 = tpu.memref_slice %arg6[%mul3A_17, %dma_wait3A_50] : memref<10240x16xf32, #tpu.memory_space<hbm>> -> memref<320x16xf32, #tpu.memory_space<hbm>>
      tpu.wait_dma2 semaphore(%run_scoped3A : memref<!tpu.dma_semaphore, #tpu.memory_space<semaphore_mem>>) src(%dma_wait3A_51 : memref<320x16xf32, #tpu.memory_space<hbm>>) dst(%arg14 : memref<320x16xf32, #tpu.memory_space<vmem>>)
      tpu.yield
    }) : () -> ()
    %mul3A_18 = arith.constant 320 : i32
    %mul3A_19 = arith.muli %add3A, %mul3A_18 : i32
    "tpu.region"() ({
      %run_scoped3A = tpu.sem_alloc : memref<!tpu.dma_semaphore, #tpu.memory_space<semaphore_mem>>
      %dma_start3A_45 = tpu.memref_slice %arg7[%mul3A_19] : memref<10240xi32, #tpu.memory_space<hbm>> -> memref<320xi32, #tpu.memory_space<hbm>>
      %dma_start3A_46 = tpu.memref_slice %arg7[%mul3A_19] : memref<10240xi32, #tpu.memory_space<hbm>> -> memref<320xi32, #tpu.memory_space<hbm>>
      tpu.enqueue_dma source(%dma_start3A_46 : memref<320xi32, #tpu.memory_space<hbm>>) target(%arg15 : memref<320xi32, #tpu.memory_space<vmem>>) target_semaphore(%run_scoped3A : memref<!tpu.dma_semaphore, #tpu.memory_space<semaphore_mem>>)
      %dma_wait3A = tpu.memref_slice %arg7[%mul3A_19] : memref<10240xi32, #tpu.memory_space<hbm>> -> memref<320xi32, #tpu.memory_space<hbm>>
      %dma_wait3A_47 = tpu.memref_slice %arg7[%mul3A_19] : memref<10240xi32, #tpu.memory_space<hbm>> -> memref<320xi32, #tpu.memory_space<hbm>>
      tpu.wait_dma2 semaphore(%run_scoped3A : memref<!tpu.dma_semaphore, #tpu.memory_space<semaphore_mem>>) src(%dma_wait3A_47 : memref<320xi32, #tpu.memory_space<hbm>>) dst(%arg15 : memref<320xi32, #tpu.memory_space<vmem>>)
      tpu.yield
    }) : () -> ()
    %broadcast_in_dim3A = arith.constant 0xFF800000 : f32
    %broadcast_in_dim3A_20 = vector.broadcast %broadcast_in_dim3A : f32 to vector<16xf32>
    %scan3A_21 = arith.constant 0 : i32
    %scan3A_22 = arith.constant 0 : i32
    %scan3A_23 = arith.constant 128 : i32
    %scan3A_24 = arith.addi %scan3A_22, %scan3A_23 : i32
    %scan3A_25 = arith.constant 1 : i32
    scf.for %scan3A_45 = %scan3A_22 to %scan3A_24 step %scan3A_25  : i32 {
      %mul3A_46 = arith.constant 16 : i32
      %mul3A_47 = arith.muli %scan3A_45, %mul3A_46 : i32
      %swap3A = arith.index_cast %mul3A_47 : i32 to index
      %swap3A_48 = tpu.vector_load %arg16[%swap3A] {strides = array<i32>} : memref<2048xf32, #tpu.memory_space<vmem>>, vector<16xf32>,
      tpu.vector_store %arg16[%swap3A], %broadcast_in_dim3A_20 {strides = array<i32>} : memref<2048xf32, #tpu.memory_space<vmem>>, vector<16xf32>,
    }
    %scan3A_26 = arith.constant 128 : i32
    %iota3A = tpu.iota {dimensions = array<i32: 0>} : vector<16xi32>
    %broadcast_in_dim3A_27 = arith.constant -1 : i32
    %broadcast_in_dim3A_28 = vector.broadcast %broadcast_in_dim3A_27 : i32 to vector<16xi32>
    %scan3A_29 = arith.constant 0 : i32
    %scan3A_30 = arith.constant 20 : i32
    %scan3A_31 = arith.addi %scan3A_29, %scan3A_30 : i32
    %scan3A_32 = arith.constant 1 : i32
    %scan3A_33:2 = scf.for %scan3A_45 = %scan3A_29 to %scan3A_31 step %scan3A_32 iter_args(%scan3A_46 = %broadcast_in_dim3A_28, %scan3A_47 = %broadcast_in_dim3A_20) -> (vector<16xi32>, vector<16xf32>)  : i32 {
      %mul3A_48 = arith.constant 16 : i32
      %mul3A_49 = arith.muli %scan3A_45, %mul3A_48 : i32
      %get3A = arith.index_cast %mul3A_49 : i32 to index
      %get3A_50 = tpu.vector_load %arg15[%get3A] {strides = array<i32>} : memref<320xi32, #tpu.memory_space<vmem>>, vector<16xi32>,
      %broadcast_in_dim3A_51 = arith.constant 0 : i32
      %broadcast_in_dim3A_52 = vector.broadcast %broadcast_in_dim3A_51 : i32 to vector<16xi32>
      %reshape3A = vector.shape_cast %broadcast_in_dim3A_52 : vector<16xi32> to vector<16x1xi32>
      %gather3A = vector.shape_cast %reshape3A : vector<16x1xi32> to vector<16xi32>
      %gather3A_53 = tpu.dynamic_gather %get3A_50[%gather3A] in [0] : vector<16xi32>, vector<16xi32> -> vector<16xi32>
      %mul3A_54 = arith.constant 16 : i32
      %mul3A_55 = arith.muli %scan3A_45, %mul3A_54 : i32
      %add3A_56 = arith.constant 0 : i32
      %add3A_57 = arith.addi %mul3A_55, %add3A_56 : i32
      %broadcast_in_dim3A_58 = vector.broadcast %add3A_57 : i32 to vector<16xi32>
      %gather3A_59 = tpu.vector_load_idx %arg14[%broadcast_in_dim3A_58, %iota3A] : memref<320x16xf32, #tpu.memory_space<vmem>>[vector<16xi32>, vector<16xi32>], vector<16xf32>,
      %eq3A_60 = arith.cmpi eq, %gather3A_53, %scan3A_46 : vector<16xi32>
      %max3A = arith.maximumf %scan3A_47, %gather3A_59 : vector<16xf32>
      %select_n3A = arith.select %eq3A_60, %max3A, %gather3A_59 : vector<16xi1>, vector<16xf32>
      %mul3A_61 = arith.constant 16 : i32
      %mul3A_62 = vector.broadcast %mul3A_61 : i32 to vector<16xi32>
      %mul3A_63 = arith.muli %gather3A_53, %mul3A_62 : vector<16xi32>
      %add3A_64 = arith.addi %mul3A_63, %iota3A : vector<16xi32>
      tpu.vector_store_idx %arg16[%add3A_64], %select_n3A : memref<2048xf32, #tpu.memory_space<vmem>>[vector<16xi32>], vector<16xf32>,
      %broadcast_in_dim3A_65 = arith.constant 1 : i32
      %broadcast_in_dim3A_66 = vector.broadcast %broadcast_in_dim3A_65 : i32 to vector<16xi32>
      %reshape3A_67 = vector.shape_cast %broadcast_in_dim3A_66 : vector<16xi32> to vector<16x1xi32>
      %gather3A_68 = vector.shape_cast %reshape3A_67 : vector<16x1xi32> to vector<16xi32>
      %gather3A_69 = tpu.dynamic_gather %get3A_50[%gather3A_68] in [0] : vector<16xi32>, vector<16xi32> -> vector<16xi32>
      %mul3A_70 = arith.constant 16 : i32
      %mul3A_71 = arith.muli %scan3A_45, %mul3A_70 : i32
      %add3A_72 = arith.constant 1 : i32
      %add3A_73 = arith.addi %mul3A_71, %add3A_72 : i32
      %broadcast_in_dim3A_74 = vector.broadcast %add3A_73 : i32 to vector<16xi32>
      %gather3A_75 = tpu.vector_load_idx %arg14[%broadcast_in_dim3A_74, %iota3A] : memref<320x16xf32, #tpu.memory_space<vmem>>[vector<16xi32>, vector<16xi32>], vector<16xf32>,
      %eq3A_76 = arith.cmpi eq, %gather3A_69, %gather3A_53 : vector<16xi32>
      %max3A_77 = arith.maximumf %select_n3A, %gather3A_75 : vector<16xf32>
      %select_n3A_78 = arith.select %eq3A_76, %max3A_77, %gather3A_75 : vector<16xi1>, vector<16xf32>
      %mul3A_79 = arith.constant 16 : i32
      %mul3A_80 = vector.broadcast %mul3A_79 : i32 to vector<16xi32>
      %mul3A_81 = arith.muli %gather3A_69, %mul3A_80 : vector<16xi32>
      %add3A_82 = arith.addi %mul3A_81, %iota3A : vector<16xi32>
      tpu.vector_store_idx %arg16[%add3A_82], %select_n3A_78 : memref<2048xf32, #tpu.memory_space<vmem>>[vector<16xi32>], vector<16xf32>,
      %broadcast_in_dim3A_83 = arith.constant 2 : i32
      %broadcast_in_dim3A_84 = vector.broadcast %broadcast_in_dim3A_83 : i32 to vector<16xi32>
      %reshape3A_85 = vector.shape_cast %broadcast_in_dim3A_84 : vector<16xi32> to vector<16x1xi32>
      %gather3A_86 = vector.shape_cast %reshape3A_85 : vector<16x1xi32> to vector<16xi32>
      %gather3A_87 = tpu.dynamic_gather %get3A_50[%gather3A_86] in [0] : vector<16xi32>, vector<16xi32> -> vector<16xi32>
      %mul3A_88 = arith.constant 16 : i32
      %mul3A_89 = arith.muli %scan3A_45, %mul3A_88 : i32
      %add3A_90 = arith.constant 2 : i32
      %add3A_91 = arith.addi %mul3A_89, %add3A_90 : i32
      %broadcast_in_dim3A_92 = vector.broadcast %add3A_91 : i32 to vector<16xi32>
      %gather3A_93 = tpu.vector_load_idx %arg14[%broadcast_in_dim3A_92, %iota3A] : memref<320x16xf32, #tpu.memory_space<vmem>>[vector<16xi32>, vector<16xi32>], vector<16xf32>,
      %eq3A_94 = arith.cmpi eq, %gather3A_87, %gather3A_69 : vector<16xi32>
      %max3A_95 = arith.maximumf %select_n3A_78, %gather3A_93 : vector<16xf32>
      %select_n3A_96 = arith.select %eq3A_94, %max3A_95, %gather3A_93 : vector<16xi1>, vector<16xf32>
      %mul3A_97 = arith.constant 16 : i32
      %mul3A_98 = vector.broadcast %mul3A_97 : i32 to vector<16xi32>
      %mul3A_99 = arith.muli %gather3A_87, %mul3A_98 : vector<16xi32>
      %add3A_100 = arith.addi %mul3A_99, %iota3A : vector<16xi32>
      tpu.vector_store_idx %arg16[%add3A_100], %select_n3A_96 : memref<2048xf32, #tpu.memory_space<vmem>>[vector<16xi32>], vector<16xf32>,
      %broadcast_in_dim3A_101 = arith.constant 3 : i32
      %broadcast_in_dim3A_102 = vector.broadcast %broadcast_in_dim3A_101 : i32 to vector<16xi32>
      %reshape3A_103 = vector.shape_cast %broadcast_in_dim3A_102 : vector<16xi32> to vector<16x1xi32>
      %gather3A_104 = vector.shape_cast %reshape3A_103 : vector<16x1xi32> to vector<16xi32>
      %gather3A_105 = tpu.dynamic_gather %get3A_50[%gather3A_104] in [0] : vector<16xi32>, vector<16xi32> -> vector<16xi32>
      %mul3A_106 = arith.constant 16 : i32
      %mul3A_107 = arith.muli %scan3A_45, %mul3A_106 : i32
      %add3A_108 = arith.constant 3 : i32
      %add3A_109 = arith.addi %mul3A_107, %add3A_108 : i32
      %broadcast_in_dim3A_110 = vector.broadcast %add3A_109 : i32 to vector<16xi32>
      %gather3A_111 = tpu.vector_load_idx %arg14[%broadcast_in_dim3A_110, %iota3A] : memref<320x16xf32, #tpu.memory_space<vmem>>[vector<16xi32>, vector<16xi32>], vector<16xf32>,
      %eq3A_112 = arith.cmpi eq, %gather3A_105, %gather3A_87 : vector<16xi32>
      %max3A_113 = arith.maximumf %select_n3A_96, %gather3A_111 : vector<16xf32>
      %select_n3A_114 = arith.select %eq3A_112, %max3A_113, %gather3A_111 : vector<16xi1>, vector<16xf32>
      %mul3A_115 = arith.constant 16 : i32
      %mul3A_116 = vector.broadcast %mul3A_115 : i32 to vector<16xi32>
      %mul3A_117 = arith.muli %gather3A_105, %mul3A_116 : vector<16xi32>
      %add3A_118 = arith.addi %mul3A_117, %iota3A : vector<16xi32>
      tpu.vector_store_idx %arg16[%add3A_118], %select_n3A_114 : memref<2048xf32, #tpu.memory_space<vmem>>[vector<16xi32>], vector<16xf32>,
      %broadcast_in_dim3A_119 = arith.constant 4 : i32
      %broadcast_in_dim3A_120 = vector.broadcast %broadcast_in_dim3A_119 : i32 to vector<16xi32>
      %reshape3A_121 = vector.shape_cast %broadcast_in_dim3A_120 : vector<16xi32> to vector<16x1xi32>
      %gather3A_122 = vector.shape_cast %reshape3A_121 : vector<16x1xi32> to vector<16xi32>
      %gather3A_123 = tpu.dynamic_gather %get3A_50[%gather3A_122] in [0] : vector<16xi32>, vector<16xi32> -> vector<16xi32>
      %mul3A_124 = arith.constant 16 : i32
      %mul3A_125 = arith.muli %scan3A_45, %mul3A_124 : i32
      %add3A_126 = arith.constant 4 : i32
      %add3A_127 = arith.addi %mul3A_125, %add3A_126 : i32
      %broadcast_in_dim3A_128 = vector.broadcast %add3A_127 : i32 to vector<16xi32>
      %gather3A_129 = tpu.vector_load_idx %arg14[%broadcast_in_dim3A_128, %iota3A] : memref<320x16xf32, #tpu.memory_space<vmem>>[vector<16xi32>, vector<16xi32>], vector<16xf32>,
      %eq3A_130 = arith.cmpi eq, %gather3A_123, %gather3A_105 : vector<16xi32>
      %max3A_131 = arith.maximumf %select_n3A_114, %gather3A_129 : vector<16xf32>
      %select_n3A_132 = arith.select %eq3A_130, %max3A_131, %gather3A_129 : vector<16xi1>, vector<16xf32>
      %mul3A_133 = arith.constant 16 : i32
      %mul3A_134 = vector.broadcast %mul3A_133 : i32 to vector<16xi32>
      %mul3A_135 = arith.muli %gather3A_123, %mul3A_134 : vector<16xi32>
      %add3A_136 = arith.addi %mul3A_135, %iota3A : vector<16xi32>
      tpu.vector_store_idx %arg16[%add3A_136], %select_n3A_132 : memref<2048xf32, #tpu.memory_space<vmem>>[vector<16xi32>], vector<16xf32>,
      %broadcast_in_dim3A_137 = arith.constant 5 : i32
      %broadcast_in_dim3A_138 = vector.broadcast %broadcast_in_dim3A_137 : i32 to vector<16xi32>
      %reshape3A_139 = vector.shape_cast %broadcast_in_dim3A_138 : vector<16xi32> to vector<16x1xi32>
      %gather3A_140 = vector.shape_cast %reshape3A_139 : vector<16x1xi32> to vector<16xi32>
      %gather3A_141 = tpu.dynamic_gather %get3A_50[%gather3A_140] in [0] : vector<16xi32>, vector<16xi32> -> vector<16xi32>
      %mul3A_142 = arith.constant 16 : i32
      %mul3A_143 = arith.muli %scan3A_45, %mul3A_142 : i32
      %add3A_144 = arith.constant 5 : i32
      %add3A_145 = arith.addi %mul3A_143, %add3A_144 : i32
      %broadcast_in_dim3A_146 = vector.broadcast %add3A_145 : i32 to vector<16xi32>
      %gather3A_147 = tpu.vector_load_idx %arg14[%broadcast_in_dim3A_146, %iota3A] : memref<320x16xf32, #tpu.memory_space<vmem>>[vector<16xi32>, vector<16xi32>], vector<16xf32>,
      %eq3A_148 = arith.cmpi eq, %gather3A_141, %gather3A_123 : vector<16xi32>
      %max3A_149 = arith.maximumf %select_n3A_132, %gather3A_147 : vector<16xf32>
      %select_n3A_150 = arith.select %eq3A_148, %max3A_149, %gather3A_147 : vector<16xi1>, vector<16xf32>
      %mul3A_151 = arith.constant 16 : i32
      %mul3A_152 = vector.broadcast %mul3A_151 : i32 to vector<16xi32>
      %mul3A_153 = arith.muli %gather3A_141, %mul3A_152 : vector<16xi32>
      %add3A_154 = arith.addi %mul3A_153, %iota3A : vector<16xi32>
      tpu.vector_store_idx %arg16[%add3A_154], %select_n3A_150 : memref<2048xf32, #tpu.memory_space<vmem>>[vector<16xi32>], vector<16xf32>,
      %broadcast_in_dim3A_155 = arith.constant 6 : i32
      %broadcast_in_dim3A_156 = vector.broadcast %broadcast_in_dim3A_155 : i32 to vector<16xi32>
      %reshape3A_157 = vector.shape_cast %broadcast_in_dim3A_156 : vector<16xi32> to vector<16x1xi32>
      %gather3A_158 = vector.shape_cast %reshape3A_157 : vector<16x1xi32> to vector<16xi32>
      %gather3A_159 = tpu.dynamic_gather %get3A_50[%gather3A_158] in [0] : vector<16xi32>, vector<16xi32> -> vector<16xi32>
      %mul3A_160 = arith.constant 16 : i32
      %mul3A_161 = arith.muli %scan3A_45, %mul3A_160 : i32
      %add3A_162 = arith.constant 6 : i32
      %add3A_163 = arith.addi %mul3A_161, %add3A_162 : i32
      %broadcast_in_dim3A_164 = vector.broadcast %add3A_163 : i32 to vector<16xi32>
      %gather3A_165 = tpu.vector_load_idx %arg14[%broadcast_in_dim3A_164, %iota3A] : memref<320x16xf32, #tpu.memory_space<vmem>>[vector<16xi32>, vector<16xi32>], vector<16xf32>,
      %eq3A_166 = arith.cmpi eq, %gather3A_159, %gather3A_141 : vector<16xi32>
      %max3A_167 = arith.maximumf %select_n3A_150, %gather3A_165 : vector<16xf32>
      %select_n3A_168 = arith.select %eq3A_166, %max3A_167, %gather3A_165 : vector<16xi1>, vector<16xf32>
      %mul3A_169 = arith.constant 16 : i32
      %mul3A_170 = vector.broadcast %mul3A_169 : i32 to vector<16xi32>
      %mul3A_171 = arith.muli %gather3A_159, %mul3A_170 : vector<16xi32>
      %add3A_172 = arith.addi %mul3A_171, %iota3A : vector<16xi32>
      tpu.vector_store_idx %arg16[%add3A_172], %select_n3A_168 : memref<2048xf32, #tpu.memory_space<vmem>>[vector<16xi32>], vector<16xf32>,
      %broadcast_in_dim3A_173 = arith.constant 7 : i32
      %broadcast_in_dim3A_174 = vector.broadcast %broadcast_in_dim3A_173 : i32 to vector<16xi32>
      %reshape3A_175 = vector.shape_cast %broadcast_in_dim3A_174 : vector<16xi32> to vector<16x1xi32>
      %gather3A_176 = vector.shape_cast %reshape3A_175 : vector<16x1xi32> to vector<16xi32>
      %gather3A_177 = tpu.dynamic_gather %get3A_50[%gather3A_176] in [0] : vector<16xi32>, vector<16xi32> -> vector<16xi32>
      %mul3A_178 = arith.constant 16 : i32
      %mul3A_179 = arith.muli %scan3A_45, %mul3A_178 : i32
      %add3A_180 = arith.constant 7 : i32
      %add3A_181 = arith.addi %mul3A_179, %add3A_180 : i32
      %broadcast_in_dim3A_182 = vector.broadcast %add3A_181 : i32 to vector<16xi32>
      %gather3A_183 = tpu.vector_load_idx %arg14[%broadcast_in_dim3A_182, %iota3A] : memref<320x16xf32, #tpu.memory_space<vmem>>[vector<16xi32>, vector<16xi32>], vector<16xf32>,
      %eq3A_184 = arith.cmpi eq, %gather3A_177, %gather3A_159 : vector<16xi32>
      %max3A_185 = arith.maximumf %select_n3A_168, %gather3A_183 : vector<16xf32>
      %select_n3A_186 = arith.select %eq3A_184, %max3A_185, %gather3A_183 : vector<16xi1>, vector<16xf32>
      %mul3A_187 = arith.constant 16 : i32
      %mul3A_188 = vector.broadcast %mul3A_187 : i32 to vector<16xi32>
      %mul3A_189 = arith.muli %gather3A_177, %mul3A_188 : vector<16xi32>
      %add3A_190 = arith.addi %mul3A_189, %iota3A : vector<16xi32>
      tpu.vector_store_idx %arg16[%add3A_190], %select_n3A_186 : memref<2048xf32, #tpu.memory_space<vmem>>[vector<16xi32>], vector<16xf32>,
      %broadcast_in_dim3A_191 = arith.constant 8 : i32
      %broadcast_in_dim3A_192 = vector.broadcast %broadcast_in_dim3A_191 : i32 to vector<16xi32>
      %reshape3A_193 = vector.shape_cast %broadcast_in_dim3A_192 : vector<16xi32> to vector<16x1xi32>
      %gather3A_194 = vector.shape_cast %reshape3A_193 : vector<16x1xi32> to vector<16xi32>
      %gather3A_195 = tpu.dynamic_gather %get3A_50[%gather3A_194] in [0] : vector<16xi32>, vector<16xi32> -> vector<16xi32>
      %mul3A_196 = arith.constant 16 : i32
      %mul3A_197 = arith.muli %scan3A_45, %mul3A_196 : i32
      %add3A_198 = arith.constant 8 : i32
      %add3A_199 = arith.addi %mul3A_197, %add3A_198 : i32
      %broadcast_in_dim3A_200 = vector.broadcast %add3A_199 : i32 to vector<16xi32>
      %gather3A_201 = tpu.vector_load_idx %arg14[%broadcast_in_dim3A_200, %iota3A] : memref<320x16xf32, #tpu.memory_space<vmem>>[vector<16xi32>, vector<16xi32>], vector<16xf32>,
      %eq3A_202 = arith.cmpi eq, %gather3A_195, %gather3A_177 : vector<16xi32>
      %max3A_203 = arith.maximumf %select_n3A_186, %gather3A_201 : vector<16xf32>
      %select_n3A_204 = arith.select %eq3A_202, %max3A_203, %gather3A_201 : vector<16xi1>, vector<16xf32>
      %mul3A_205 = arith.constant 16 : i32
      %mul3A_206 = vector.broadcast %mul3A_205 : i32 to vector<16xi32>
      %mul3A_207 = arith.muli %gather3A_195, %mul3A_206 : vector<16xi32>
      %add3A_208 = arith.addi %mul3A_207, %iota3A : vector<16xi32>
      tpu.vector_store_idx %arg16[%add3A_208], %select_n3A_204 : memref<2048xf32, #tpu.memory_space<vmem>>[vector<16xi32>], vector<16xf32>,
      %broadcast_in_dim3A_209 = arith.constant 9 : i32
      %broadcast_in_dim3A_210 = vector.broadcast %broadcast_in_dim3A_209 : i32 to vector<16xi32>
      %reshape3A_211 = vector.shape_cast %broadcast_in_dim3A_210 : vector<16xi32> to vector<16x1xi32>
      %gather3A_212 = vector.shape_cast %reshape3A_211 : vector<16x1xi32> to vector<16xi32>
      %gather3A_213 = tpu.dynamic_gather %get3A_50[%gather3A_212] in [0] : vector<16xi32>, vector<16xi32> -> vector<16xi32>
      %mul3A_214 = arith.constant 16 : i32
      %mul3A_215 = arith.muli %scan3A_45, %mul3A_214 : i32
      %add3A_216 = arith.constant 9 : i32
      %add3A_217 = arith.addi %mul3A_215, %add3A_216 : i32
      %broadcast_in_dim3A_218 = vector.broadcast %add3A_217 : i32 to vector<16xi32>
      %gather3A_219 = tpu.vector_load_idx %arg14[%broadcast_in_dim3A_218, %iota3A] : memref<320x16xf32, #tpu.memory_space<vmem>>[vector<16xi32>, vector<16xi32>], vector<16xf32>,
      %eq3A_220 = arith.cmpi eq, %gather3A_213, %gather3A_195 : vector<16xi32>
      %max3A_221 = arith.maximumf %select_n3A_204, %gather3A_219 : vector<16xf32>
      %select_n3A_222 = arith.select %eq3A_220, %max3A_221, %gather3A_219 : vector<16xi1>, vector<16xf32>
      %mul3A_223 = arith.constant 16 : i32
      %mul3A_224 = vector.broadcast %mul3A_223 : i32 to vector<16xi32>
      %mul3A_225 = arith.muli %gather3A_213, %mul3A_224 : vector<16xi32>
      %add3A_226 = arith.addi %mul3A_225, %iota3A : vector<16xi32>
      tpu.vector_store_idx %arg16[%add3A_226], %select_n3A_222 : memref<2048xf32, #tpu.memory_space<vmem>>[vector<16xi32>], vector<16xf32>,
      %broadcast_in_dim3A_227 = arith.constant 10 : i32
      %broadcast_in_dim3A_228 = vector.broadcast %broadcast_in_dim3A_227 : i32 to vector<16xi32>
      %reshape3A_229 = vector.shape_cast %broadcast_in_dim3A_228 : vector<16xi32> to vector<16x1xi32>
      %gather3A_230 = vector.shape_cast %reshape3A_229 : vector<16x1xi32> to vector<16xi32>
      %gather3A_231 = tpu.dynamic_gather %get3A_50[%gather3A_230] in [0] : vector<16xi32>, vector<16xi32> -> vector<16xi32>
      %mul3A_232 = arith.constant 16 : i32
      %mul3A_233 = arith.muli %scan3A_45, %mul3A_232 : i32
      %add3A_234 = arith.constant 10 : i32
      %add3A_235 = arith.addi %mul3A_233, %add3A_234 : i32
      %broadcast_in_dim3A_236 = vector.broadcast %add3A_235 : i32 to vector<16xi32>
      %gather3A_237 = tpu.vector_load_idx %arg14[%broadcast_in_dim3A_236, %iota3A] : memref<320x16xf32, #tpu.memory_space<vmem>>[vector<16xi32>, vector<16xi32>], vector<16xf32>,
      %eq3A_238 = arith.cmpi eq, %gather3A_231, %gather3A_213 : vector<16xi32>
      %max3A_239 = arith.maximumf %select_n3A_222, %gather3A_237 : vector<16xf32>
      %select_n3A_240 = arith.select %eq3A_238, %max3A_239, %gather3A_237 : vector<16xi1>, vector<16xf32>
      %mul3A_241 = arith.constant 16 : i32
      %mul3A_242 = vector.broadcast %mul3A_241 : i32 to vector<16xi32>
      %mul3A_243 = arith.muli %gather3A_231, %mul3A_242 : vector<16xi32>
      %add3A_244 = arith.addi %mul3A_243, %iota3A : vector<16xi32>
      tpu.vector_store_idx %arg16[%add3A_244], %select_n3A_240 : memref<2048xf32, #tpu.memory_space<vmem>>[vector<16xi32>], vector<16xf32>,
      %broadcast_in_dim3A_245 = arith.constant 11 : i32
      %broadcast_in_dim3A_246 = vector.broadcast %broadcast_in_dim3A_245 : i32 to vector<16xi32>
      %reshape3A_247 = vector.shape_cast %broadcast_in_dim3A_246 : vector<16xi32> to vector<16x1xi32>
      %gather3A_248 = vector.shape_cast %reshape3A_247 : vector<16x1xi32> to vector<16xi32>
      %gather3A_249 = tpu.dynamic_gather %get3A_50[%gather3A_248] in [0] : vector<16xi32>, vector<16xi32> -> vector<16xi32>
      %mul3A_250 = arith.constant 16 : i32
      %mul3A_251 = arith.muli %scan3A_45, %mul3A_250 : i32
      %add3A_252 = arith.constant 11 : i32
      %add3A_253 = arith.addi %mul3A_251, %add3A_252 : i32
      %broadcast_in_dim3A_254 = vector.broadcast %add3A_253 : i32 to vector<16xi32>
      %gather3A_255 = tpu.vector_load_idx %arg14[%broadcast_in_dim3A_254, %iota3A] : memref<320x16xf32, #tpu.memory_space<vmem>>[vector<16xi32>, vector<16xi32>], vector<16xf32>,
      %eq3A_256 = arith.cmpi eq, %gather3A_249, %gather3A_231 : vector<16xi32>
      %max3A_257 = arith.maximumf %select_n3A_240, %gather3A_255 : vector<16xf32>
      %select_n3A_258 = arith.select %eq3A_256, %max3A_257, %gather3A_255 : vector<16xi1>, vector<16xf32>
      %mul3A_259 = arith.constant 16 : i32
      %mul3A_260 = vector.broadcast %mul3A_259 : i32 to vector<16xi32>
      %mul3A_261 = arith.muli %gather3A_249, %mul3A_260 : vector<16xi32>
      %add3A_262 = arith.addi %mul3A_261, %iota3A : vector<16xi32>
      tpu.vector_store_idx %arg16[%add3A_262], %select_n3A_258 : memref<2048xf32, #tpu.memory_space<vmem>>[vector<16xi32>], vector<16xf32>,
      %broadcast_in_dim3A_263 = arith.constant 12 : i32
      %broadcast_in_dim3A_264 = vector.broadcast %broadcast_in_dim3A_263 : i32 to vector<16xi32>
      %reshape3A_265 = vector.shape_cast %broadcast_in_dim3A_264 : vector<16xi32> to vector<16x1xi32>
      %gather3A_266 = vector.shape_cast %reshape3A_265 : vector<16x1xi32> to vector<16xi32>
      %gather3A_267 = tpu.dynamic_gather %get3A_50[%gather3A_266] in [0] : vector<16xi32>, vector<16xi32> -> vector<16xi32>
      %mul3A_268 = arith.constant 16 : i32
      %mul3A_269 = arith.muli %scan3A_45, %mul3A_268 : i32
      %add3A_270 = arith.constant 12 : i32
      %add3A_271 = arith.addi %mul3A_269, %add3A_270 : i32
      %broadcast_in_dim3A_272 = vector.broadcast %add3A_271 : i32 to vector<16xi32>
      %gather3A_273 = tpu.vector_load_idx %arg14[%broadcast_in_dim3A_272, %iota3A] : memref<320x16xf32, #tpu.memory_space<vmem>>[vector<16xi32>, vector<16xi32>], vector<16xf32>,
      %eq3A_274 = arith.cmpi eq, %gather3A_267, %gather3A_249 : vector<16xi32>
      %max3A_275 = arith.maximumf %select_n3A_258, %gather3A_273 : vector<16xf32>
      %select_n3A_276 = arith.select %eq3A_274, %max3A_275, %gather3A_273 : vector<16xi1>, vector<16xf32>
      %mul3A_277 = arith.constant 16 : i32
      %mul3A_278 = vector.broadcast %mul3A_277 : i32 to vector<16xi32>
      %mul3A_279 = arith.muli %gather3A_267, %mul3A_278 : vector<16xi32>
      %add3A_280 = arith.addi %mul3A_279, %iota3A : vector<16xi32>
      tpu.vector_store_idx %arg16[%add3A_280], %select_n3A_276 : memref<2048xf32, #tpu.memory_space<vmem>>[vector<16xi32>], vector<16xf32>,
      %broadcast_in_dim3A_281 = arith.constant 13 : i32
      %broadcast_in_dim3A_282 = vector.broadcast %broadcast_in_dim3A_281 : i32 to vector<16xi32>
      %reshape3A_283 = vector.shape_cast %broadcast_in_dim3A_282 : vector<16xi32> to vector<16x1xi32>
      %gather3A_284 = vector.shape_cast %reshape3A_283 : vector<16x1xi32> to vector<16xi32>
      %gather3A_285 = tpu.dynamic_gather %get3A_50[%gather3A_284] in [0] : vector<16xi32>, vector<16xi32> -> vector<16xi32>
      %mul3A_286 = arith.constant 16 : i32
      %mul3A_287 = arith.muli %scan3A_45, %mul3A_286 : i32
      %add3A_288 = arith.constant 13 : i32
      %add3A_289 = arith.addi %mul3A_287, %add3A_288 : i32
      %broadcast_in_dim3A_290 = vector.broadcast %add3A_289 : i32 to vector<16xi32>
      %gather3A_291 = tpu.vector_load_idx %arg14[%broadcast_in_dim3A_290, %iota3A] : memref<320x16xf32, #tpu.memory_space<vmem>>[vector<16xi32>, vector<16xi32>], vector<16xf32>,
      %eq3A_292 = arith.cmpi eq, %gather3A_285, %gather3A_267 : vector<16xi32>
      %max3A_293 = arith.maximumf %select_n3A_276, %gather3A_291 : vector<16xf32>
      %select_n3A_294 = arith.select %eq3A_292, %max3A_293, %gather3A_291 : vector<16xi1>, vector<16xf32>
      %mul3A_295 = arith.constant 16 : i32
      %mul3A_296 = vector.broadcast %mul3A_295 : i32 to vector<16xi32>
      %mul3A_297 = arith.muli %gather3A_285, %mul3A_296 : vector<16xi32>
      %add3A_298 = arith.addi %mul3A_297, %iota3A : vector<16xi32>
      tpu.vector_store_idx %arg16[%add3A_298], %select_n3A_294 : memref<2048xf32, #tpu.memory_space<vmem>>[vector<16xi32>], vector<16xf32>,
      %broadcast_in_dim3A_299 = arith.constant 14 : i32
      %broadcast_in_dim3A_300 = vector.broadcast %broadcast_in_dim3A_299 : i32 to vector<16xi32>
      %reshape3A_301 = vector.shape_cast %broadcast_in_dim3A_300 : vector<16xi32> to vector<16x1xi32>
      %gather3A_302 = vector.shape_cast %reshape3A_301 : vector<16x1xi32> to vector<16xi32>
      %gather3A_303 = tpu.dynamic_gather %get3A_50[%gather3A_302] in [0] : vector<16xi32>, vector<16xi32> -> vector<16xi32>
      %mul3A_304 = arith.constant 16 : i32
      %mul3A_305 = arith.muli %scan3A_45, %mul3A_304 : i32
      %add3A_306 = arith.constant 14 : i32
      %add3A_307 = arith.addi %mul3A_305, %add3A_306 : i32
      %broadcast_in_dim3A_308 = vector.broadcast %add3A_307 : i32 to vector<16xi32>
      %gather3A_309 = tpu.vector_load_idx %arg14[%broadcast_in_dim3A_308, %iota3A] : memref<320x16xf32, #tpu.memory_space<vmem>>[vector<16xi32>, vector<16xi32>], vector<16xf32>,
      %eq3A_310 = arith.cmpi eq, %gather3A_303, %gather3A_285 : vector<16xi32>
      %max3A_311 = arith.maximumf %select_n3A_294, %gather3A_309 : vector<16xf32>
      %select_n3A_312 = arith.select %eq3A_310, %max3A_311, %gather3A_309 : vector<16xi1>, vector<16xf32>
      %mul3A_313 = arith.constant 16 : i32
      %mul3A_314 = vector.broadcast %mul3A_313 : i32 to vector<16xi32>
      %mul3A_315 = arith.muli %gather3A_303, %mul3A_314 : vector<16xi32>
      %add3A_316 = arith.addi %mul3A_315, %iota3A : vector<16xi32>
      tpu.vector_store_idx %arg16[%add3A_316], %select_n3A_312 : memref<2048xf32, #tpu.memory_space<vmem>>[vector<16xi32>], vector<16xf32>,
      %broadcast_in_dim3A_317 = arith.constant 15 : i32
      %broadcast_in_dim3A_318 = vector.broadcast %broadcast_in_dim3A_317 : i32 to vector<16xi32>
      %reshape3A_319 = vector.shape_cast %broadcast_in_dim3A_318 : vector<16xi32> to vector<16x1xi32>
      %gather3A_320 = vector.shape_cast %reshape3A_319 : vector<16x1xi32> to vector<16xi32>
      %gather3A_321 = tpu.dynamic_gather %get3A_50[%gather3A_320] in [0] : vector<16xi32>, vector<16xi32> -> vector<16xi32>
      %mul3A_322 = arith.constant 16 : i32
      %mul3A_323 = arith.muli %scan3A_45, %mul3A_322 : i32
      %add3A_324 = arith.constant 15 : i32
      %add3A_325 = arith.addi %mul3A_323, %add3A_324 : i32
      %broadcast_in_dim3A_326 = vector.broadcast %add3A_325 : i32 to vector<16xi32>
      %gather3A_327 = tpu.vector_load_idx %arg14[%broadcast_in_dim3A_326, %iota3A] : memref<320x16xf32, #tpu.memory_space<vmem>>[vector<16xi32>, vector<16xi32>], vector<16xf32>,
      %eq3A_328 = arith.cmpi eq, %gather3A_321, %gather3A_303 : vector<16xi32>
      %max3A_329 = arith.maximumf %select_n3A_312, %gather3A_327 : vector<16xf32>
      %select_n3A_330 = arith.select %eq3A_328, %max3A_329, %gather3A_327 : vector<16xi1>, vector<16xf32>
      %mul3A_331 = arith.constant 16 : i32
      %mul3A_332 = vector.broadcast %mul3A_331 : i32 to vector<16xi32>
      %mul3A_333 = arith.muli %gather3A_321, %mul3A_332 : vector<16xi32>
      %add3A_334 = arith.addi %mul3A_333, %iota3A : vector<16xi32>
      tpu.vector_store_idx %arg16[%add3A_334], %select_n3A_330 : memref<2048xf32, #tpu.memory_space<vmem>>[vector<16xi32>], vector<16xf32>,
      scf.yield %gather3A_321, %select_n3A_330 : vector<16xi32>, vector<16xf32>
    }
    %scan3A_34 = arith.constant 20 : i32
    "tpu.region"() ({
      %run_scoped3A = tpu.sem_alloc : memref<!tpu.dma_semaphore, #tpu.memory_space<semaphore_mem>>
      %dma_start3A_45 = arith.constant 0 : i32
      %dma_start3A_46 = tpu.memref_slice %arg9[%add3A, %dma_start3A_45] : memref<32x2048xf32, #tpu.memory_space<hbm>> -> memref<1x2048xf32, #tpu.memory_space<hbm>>
      %dma_start3A_47 = tpu.memref_squeeze %dma_start3A_46 : memref<1x2048xf32, #tpu.memory_space<hbm>> -> memref<2048xf32, #tpu.memory_space<hbm>>
      %dma_start3A_48 = arith.constant 0 : i32
      %dma_start3A_49 = tpu.memref_slice %arg9[%add3A, %dma_start3A_48] : memref<32x2048xf32, #tpu.memory_space<hbm>> -> memref<1x2048xf32, #tpu.memory_space<hbm>>
      %dma_start3A_50 = tpu.memref_squeeze %dma_start3A_49 : memref<1x2048xf32, #tpu.memory_space<hbm>> -> memref<2048xf32, #tpu.memory_space<hbm>>
      tpu.enqueue_dma source(%arg16 : memref<2048xf32, #tpu.memory_space<vmem>>) target(%dma_start3A_50 : memref<2048xf32, #tpu.memory_space<hbm>>) target_semaphore(%run_scoped3A : memref<!tpu.dma_semaphore, #tpu.memory_space<semaphore_mem>>)
      %dma_wait3A = arith.constant 0 : i32
      %dma_wait3A_51 = tpu.memref_slice %arg9[%add3A, %dma_wait3A] : memref<32x2048xf32, #tpu.memory_space<hbm>> -> memref<1x2048xf32, #tpu.memory_space<hbm>>
      %dma_wait3A_52 = tpu.memref_squeeze %dma_wait3A_51 : memref<1x2048xf32, #tpu.memory_space<hbm>> -> memref<2048xf32, #tpu.memory_space<hbm>>
      %dma_wait3A_53 = arith.constant 0 : i32
      %dma_wait3A_54 = tpu.memref_slice %arg9[%add3A, %dma_wait3A_53] : memref<32x2048xf32, #tpu.memory_space<hbm>> -> memref<1x2048xf32, #tpu.memory_space<hbm>>
      %dma_wait3A_55 = tpu.memref_squeeze %dma_wait3A_54 : memref<1x2048xf32, #tpu.memory_space<hbm>> -> memref<2048xf32, #tpu.memory_space<hbm>>
      tpu.wait_dma2 semaphore(%run_scoped3A : memref<!tpu.dma_semaphore, #tpu.memory_space<semaphore_mem>>) src(%arg16 : memref<2048xf32, #tpu.memory_space<vmem>>) dst(%dma_wait3A_55 : memref<2048xf32, #tpu.memory_space<hbm>>)
      tpu.yield
    }) : () -> ()
    %barrier3A_35 = arith.constant 0 : index
    tpu.barrier barrier_id(%barrier3A_35)
    %mul3A_36 = arith.constant 624 : i32
    %mul3A_37 = arith.muli %arg1, %mul3A_36 : i32
    %mul3A_38 = arith.constant 624 : i32
    %mul3A_39 = arith.muli %arg1, %mul3A_38 : i32
    "tpu.region"() ({
      %run_scoped3A = tpu.sem_alloc : memref<!tpu.dma_semaphore, #tpu.memory_space<semaphore_mem>>
      %dma_start3A_45 = arith.constant 0 : i32
      %dma_start3A_46 = tpu.memref_slice %arg8[%arg0, %mul3A_39, %dma_start3A_45] : memref<2x10000x64xf32, #tpu.memory_space<hbm>> -> memref<1x624x64xf32, #tpu.memory_space<hbm>>
      %dma_start3A_47 = tpu.memref_squeeze %dma_start3A_46 : memref<1x624x64xf32, #tpu.memory_space<hbm>> -> memref<624x64xf32, #tpu.memory_space<hbm>>
      %dma_start3A_48 = arith.constant 0 : i32
      %dma_start3A_49 = tpu.memref_slice %arg17[%mul3A_37, %dma_start3A_48] : memref<10016x64xf32, #tpu.memory_space<vmem_shared>> -> memref<624x64xf32, #tpu.memory_space<vmem_shared>>
      tpu.enqueue_dma source(%dma_start3A_49 : memref<624x64xf32, #tpu.memory_space<vmem_shared>>) target(%dma_start3A_47 : memref<624x64xf32, #tpu.memory_space<hbm>>) target_semaphore(%run_scoped3A : memref<!tpu.dma_semaphore, #tpu.memory_space<semaphore_mem>>)
      %dma_wait3A = arith.constant 0 : i32
      %dma_wait3A_50 = tpu.memref_slice %arg8[%arg0, %mul3A_39, %dma_wait3A] : memref<2x10000x64xf32, #tpu.memory_space<hbm>> -> memref<1x624x64xf32, #tpu.memory_space<hbm>>
      %dma_wait3A_51 = tpu.memref_squeeze %dma_wait3A_50 : memref<1x624x64xf32, #tpu.memory_space<hbm>> -> memref<624x64xf32, #tpu.memory_space<hbm>>
      %dma_wait3A_52 = arith.constant 0 : i32
      %dma_wait3A_53 = tpu.memref_slice %arg17[%mul3A_37, %dma_wait3A_52] : memref<10016x64xf32, #tpu.memory_space<vmem_shared>> -> memref<624x64xf32, #tpu.memory_space<vmem_shared>>
      tpu.wait_dma2 semaphore(%run_scoped3A : memref<!tpu.dma_semaphore, #tpu.memory_space<semaphore_mem>>) src(%dma_wait3A_53 : memref<624x64xf32, #tpu.memory_space<vmem_shared>>) dst(%dma_wait3A_51 : memref<624x64xf32, #tpu.memory_space<hbm>>)
      tpu.yield
    }) : () -> ()
    %eq3A_40 = arith.constant 15 : i32
    %eq3A_41 = arith.cmpi eq, %arg1, %eq3A_40 : i32
    %convert_element_type3A_42 = arith.extui %eq3A_41 : i1 to i32
    %cond3A_43 = arith.constant 0 : i32
    %cond3A_44 = arith.cmpi ne, %convert_element_type3A_42, %cond3A_43 : i32
    scf.if %cond3A_44 {
      "tpu.region"() ({
        %run_scoped3A = tpu.sem_alloc : memref<!tpu.dma_semaphore, #tpu.memory_space<semaphore_mem>>
        %dma_start3A_45 = arith.constant 9984 : i32
        %dma_start3A_46 = arith.constant 0 : i32
        %dma_start3A_47 = tpu.memref_slice %arg8[%arg0, %dma_start3A_45, %dma_start3A_46] : memref<2x10000x64xf32, #tpu.memory_space<hbm>> -> memref<1x16x64xf32, #tpu.memory_space<hbm>>
        %dma_start3A_48 = tpu.memref_squeeze %dma_start3A_47 : memref<1x16x64xf32, #tpu.memory_space<hbm>> -> memref<16x64xf32, #tpu.memory_space<hbm>>
        %dma_start3A_49 = arith.constant 9984 : i32
        %dma_start3A_50 = arith.constant 0 : i32
        %dma_start3A_51 = tpu.memref_slice %arg17[%dma_start3A_49, %dma_start3A_50] : memref<10016x64xf32, #tpu.memory_space<vmem_shared>> -> memref<16x64xf32, #tpu.memory_space<vmem_shared>>
        tpu.enqueue_dma source(%dma_start3A_51 : memref<16x64xf32, #tpu.memory_space<vmem_shared>>) target(%dma_start3A_48 : memref<16x64xf32, #tpu.memory_space<hbm>>) target_semaphore(%run_scoped3A : memref<!tpu.dma_semaphore, #tpu.memory_space<semaphore_mem>>)
        %dma_wait3A = arith.constant 9984 : i32
        %dma_wait3A_52 = arith.constant 0 : i32
        %dma_wait3A_53 = tpu.memref_slice %arg8[%arg0, %dma_wait3A, %dma_wait3A_52] : memref<2x10000x64xf32, #tpu.memory_space<hbm>> -> memref<1x16x64xf32, #tpu.memory_space<hbm>>
        %dma_wait3A_54 = tpu.memref_squeeze %dma_wait3A_53 : memref<1x16x64xf32, #tpu.memory_space<hbm>> -> memref<16x64xf32, #tpu.memory_space<hbm>>
        %dma_wait3A_55 = arith.constant 9984 : i32
        %dma_wait3A_56 = arith.constant 0 : i32
        %dma_wait3A_57 = tpu.memref_slice %arg17[%dma_wait3A_55, %dma_wait3A_56] : memref<10016x64xf32, #tpu.memory_space<vmem_shared>> -> memref<16x64xf32, #tpu.memory_space<vmem_shared>>
        tpu.wait_dma2 semaphore(%run_scoped3A : memref<!tpu.dma_semaphore, #tpu.memory_space<semaphore_mem>>) src(%dma_wait3A_57 : memref<16x64xf32, #tpu.memory_space<vmem_shared>>) dst(%dma_wait3A_54 : memref<16x64xf32, #tpu.memory_space<hbm>>)
        tpu.yield
      }) : () -> ()
    } else {
    }
    return
  }
}

module attributes {stable_mosaic.version = 14 : i64} {
  func.func @_mlp_kernel(%arg0: memref<10000x128xf32, #tpu.memory_space<vmem>>, %arg1: memref<128x64xf32, #tpu.memory_space<vmem>>, %arg2: memref<1x64xf32, #tpu.memory_space<vmem>>, %arg3: memref<64x64xf32, #tpu.memory_space<vmem>>, %arg4: memref<1x64xf32, #tpu.memory_space<vmem>>, %arg5: memref<10000x64xf32, #tpu.memory_space<vmem>>) attributes {dimension_semantics = [], scalar_prefetch = 0 : i64, scratch_operands = 0 : i64, tpu.core_type = #tpu.core_type<tc>} {
    %get3A = arith.constant 0 : index
    %get3A_0 = arith.constant 0 : index
    %get3A_1 = vector.load %arg0[%get3A, %get3A_0] : memref<10000x128xf32, #tpu.memory_space<vmem>>, vector<10000x128xf32>
    %get3A_2 = arith.constant 0 : index
    %get3A_3 = arith.constant 0 : index
    %get3A_4 = vector.load %arg1[%get3A_2, %get3A_3] : memref<128x64xf32, #tpu.memory_space<vmem>>, vector<128x64xf32>
    %dot_general3A = arith.constant dense<0.000000e+00> : vector<10000x64xf32>
    %dot_general3A_5 = tpu.matmul %get3A_1, %get3A_4, %dot_general3A {dimension_numbers = #tpu.dot_dimension_numbers<[1], [0], [0], [1], [0, 0, 1, 1], [], []>, transpose_lhs_hint = false} : vector<10000x128xf32>, vector<128x64xf32>, vector<10000x64xf32> -> vector<10000x64xf32>
    %get3A_6 = arith.constant 0 : index
    %get3A_7 = arith.constant 0 : index
    %get3A_8 = vector.load %arg2[%get3A_6, %get3A_7] : memref<1x64xf32, #tpu.memory_space<vmem>>, vector<1x64xf32>
    %add3A = vector.broadcast %get3A_8 : vector<1x64xf32> to vector<10000x64xf32>
    %add3A_9 = arith.addf %dot_general3A_5, %add3A : vector<10000x64xf32>
    %reduce_sum3A = arith.constant dense<0.000000e+00> : vector<64xf32>
    %reduce_sum3A_10 = vector.multi_reduction <add>, %add3A_9, %reduce_sum3A [0] : vector<10000x64xf32> to vector<64xf32>
    %broadcast_in_dim3A = vector.shape_cast %reduce_sum3A_10 : vector<64xf32> to vector<1x64xf32>
    %div3A = arith.constant 1.000000e+04 : f32
    %div3A_11 = vector.broadcast %div3A : f32 to vector<1x64xf32>
    %div3A_12 = arith.divf %broadcast_in_dim3A, %div3A_11 : vector<1x64xf32>
    %mul3A = arith.mulf %add3A_9, %add3A_9 : vector<10000x64xf32>
    %reduce_sum3A_13 = arith.constant dense<0.000000e+00> : vector<64xf32>
    %reduce_sum3A_14 = vector.multi_reduction <add>, %mul3A, %reduce_sum3A_13 [0] : vector<10000x64xf32> to vector<64xf32>
    %broadcast_in_dim3A_15 = vector.shape_cast %reduce_sum3A_14 : vector<64xf32> to vector<1x64xf32>
    %div3A_16 = arith.constant 1.000000e+04 : f32
    %div3A_17 = vector.broadcast %div3A_16 : f32 to vector<1x64xf32>
    %div3A_18 = arith.divf %broadcast_in_dim3A_15, %div3A_17 : vector<1x64xf32>
    %mul3A_19 = arith.mulf %div3A_12, %div3A_12 : vector<1x64xf32>
    %sub3A = arith.subf %div3A_18, %mul3A_19 : vector<1x64xf32>
    %sub3A_20 = vector.broadcast %div3A_12 : vector<1x64xf32> to vector<10000x64xf32>
    %sub3A_21 = arith.subf %add3A_9, %sub3A_20 : vector<10000x64xf32>
    %add3A_22 = arith.constant 9.99999974E-6 : f32
    %add3A_23 = vector.broadcast %add3A_22 : f32 to vector<1x64xf32>
    %add3A_24 = arith.addf %sub3A, %add3A_23 : vector<1x64xf32>
    %sqrt3A = math.sqrt %add3A_24 : vector<1x64xf32>
    %div3A_25 = vector.broadcast %sqrt3A : vector<1x64xf32> to vector<10000x64xf32>
    %div3A_26 = arith.divf %sub3A_21, %div3A_25 : vector<10000x64xf32>
    %max3A = arith.constant 0.000000e+00 : f32
    %max3A_27 = vector.broadcast %max3A : f32 to vector<10000x64xf32>
    %max3A_28 = arith.maximumf %div3A_26, %max3A_27 : vector<10000x64xf32>
    %get3A_29 = arith.constant 0 : index
    %get3A_30 = arith.constant 0 : index
    %get3A_31 = vector.load %arg3[%get3A_29, %get3A_30] : memref<64x64xf32, #tpu.memory_space<vmem>>, vector<64x64xf32>
    %dot_general3A_32 = arith.constant dense<0.000000e+00> : vector<10000x64xf32>
    %dot_general3A_33 = tpu.matmul %max3A_28, %get3A_31, %dot_general3A_32 {dimension_numbers = #tpu.dot_dimension_numbers<[1], [0], [0], [1], [0, 0, 1, 1], [], []>, transpose_lhs_hint = false} : vector<10000x64xf32>, vector<64x64xf32>, vector<10000x64xf32> -> vector<10000x64xf32>
    %get3A_34 = arith.constant 0 : index
    %get3A_35 = arith.constant 0 : index
    %get3A_36 = vector.load %arg4[%get3A_34, %get3A_35] : memref<1x64xf32, #tpu.memory_space<vmem>>, vector<1x64xf32>
    %add3A_37 = vector.broadcast %get3A_36 : vector<1x64xf32> to vector<10000x64xf32>
    %add3A_38 = arith.addf %dot_general3A_33, %add3A_37 : vector<10000x64xf32>
    %reduce_sum3A_39 = arith.constant dense<0.000000e+00> : vector<64xf32>
    %reduce_sum3A_40 = vector.multi_reduction <add>, %add3A_38, %reduce_sum3A_39 [0] : vector<10000x64xf32> to vector<64xf32>
    %broadcast_in_dim3A_41 = vector.shape_cast %reduce_sum3A_40 : vector<64xf32> to vector<1x64xf32>
    %div3A_42 = arith.constant 1.000000e+04 : f32
    %div3A_43 = vector.broadcast %div3A_42 : f32 to vector<1x64xf32>
    %div3A_44 = arith.divf %broadcast_in_dim3A_41, %div3A_43 : vector<1x64xf32>
    %mul3A_45 = arith.mulf %add3A_38, %add3A_38 : vector<10000x64xf32>
    %reduce_sum3A_46 = arith.constant dense<0.000000e+00> : vector<64xf32>
    %reduce_sum3A_47 = vector.multi_reduction <add>, %mul3A_45, %reduce_sum3A_46 [0] : vector<10000x64xf32> to vector<64xf32>
    %broadcast_in_dim3A_48 = vector.shape_cast %reduce_sum3A_47 : vector<64xf32> to vector<1x64xf32>
    %div3A_49 = arith.constant 1.000000e+04 : f32
    %div3A_50 = vector.broadcast %div3A_49 : f32 to vector<1x64xf32>
    %div3A_51 = arith.divf %broadcast_in_dim3A_48, %div3A_50 : vector<1x64xf32>
    %mul3A_52 = arith.mulf %div3A_44, %div3A_44 : vector<1x64xf32>
    %sub3A_53 = arith.subf %div3A_51, %mul3A_52 : vector<1x64xf32>
    %sub3A_54 = vector.broadcast %div3A_44 : vector<1x64xf32> to vector<10000x64xf32>
    %sub3A_55 = arith.subf %add3A_38, %sub3A_54 : vector<10000x64xf32>
    %add3A_56 = arith.constant 9.99999974E-6 : f32
    %add3A_57 = vector.broadcast %add3A_56 : f32 to vector<1x64xf32>
    %add3A_58 = arith.addf %sub3A_53, %add3A_57 : vector<1x64xf32>
    %sqrt3A_59 = math.sqrt %add3A_58 : vector<1x64xf32>
    %div3A_60 = vector.broadcast %sqrt3A_59 : vector<1x64xf32> to vector<10000x64xf32>
    %div3A_61 = arith.divf %sub3A_55, %div3A_60 : vector<10000x64xf32>
    %max3A_62 = arith.constant 0.000000e+00 : f32
    %max3A_63 = vector.broadcast %max3A_62 : f32 to vector<10000x64xf32>
    %max3A_64 = arith.maximumf %div3A_61, %max3A_63 : vector<10000x64xf32>
    %swap3A = arith.constant 0 : index
    %swap3A_65 = arith.constant 0 : index
    %swap3A_66 = vector.load %arg5[%swap3A, %swap3A_65] : memref<10000x64xf32, #tpu.memory_space<vmem>>, vector<10000x64xf32>
    tpu.vector_store %arg5[%swap3A, %swap3A_65], %max3A_64 {strides = array<i32>} : memref<10000x64xf32, #tpu.memory_space<vmem>>, vector<10000x64xf32>,
    return
  }
}

module attributes {stable_mosaic.version = 14 : i64} {
  func.func @_htab_kernel(%arg0: memref<10000x64xf32, #tpu.memory_space<vmem>>, %arg1: memref<5x1xf32, #tpu.memory_space<vmem>>, %arg2: memref<50000x64xf32, #tpu.memory_space<vmem>>) attributes {dimension_semantics = [], scalar_prefetch = 0 : i64, scratch_operands = 0 : i64, tpu.core_type = #tpu.core_type<tc>} {
    %get3A = arith.constant 0 : index
    %get3A_0 = arith.constant 0 : index
    %get3A_1 = vector.load %arg0[%get3A, %get3A_0] : memref<10000x64xf32, #tpu.memory_space<vmem>>, vector<10000x64xf32>
    %get3A_2 = arith.constant 0 : index
    %get3A_3 = arith.constant 0 : index
    %get3A_4 = vector.load %arg1[%get3A_2, %get3A_3] : memref<5x1xf32, #tpu.memory_space<vmem>>, vector<1x1xf32>
    %get3A_5 = vector.extract %get3A_4[0, 0] : f32 from vector<1x1xf32>
    %mul3A = vector.broadcast %get3A_5 : f32 to vector<10000x64xf32>
    %mul3A_6 = arith.mulf %get3A_1, %mul3A : vector<10000x64xf32>
    %swap3A = arith.constant 0 : index
    %swap3A_7 = arith.constant 0 : index
    %swap3A_8 = vector.load %arg2[%swap3A, %swap3A_7] : memref<50000x64xf32, #tpu.memory_space<vmem>>, vector<10000x64xf32>
    tpu.vector_store %arg2[%swap3A, %swap3A_7], %mul3A_6 {strides = array<i32>} : memref<50000x64xf32, #tpu.memory_space<vmem>>, vector<10000x64xf32>,
    %get3A_9 = arith.constant 1 : index
    %get3A_10 = arith.constant 0 : index
    %get3A_11 = vector.load %arg1[%get3A_9, %get3A_10] : memref<5x1xf32, #tpu.memory_space<vmem>>, vector<1x1xf32>
    %get3A_12 = vector.extract %get3A_11[0, 0] : f32 from vector<1x1xf32>
    %mul3A_13 = vector.broadcast %get3A_12 : f32 to vector<10000x64xf32>
    %mul3A_14 = arith.mulf %get3A_1, %mul3A_13 : vector<10000x64xf32>
    %swap3A_15 = arith.constant 10000 : index
    %swap3A_16 = arith.constant 0 : index
    %swap3A_17 = vector.load %arg2[%swap3A_15, %swap3A_16] : memref<50000x64xf32, #tpu.memory_space<vmem>>, vector<10000x64xf32>
    tpu.vector_store %arg2[%swap3A_15, %swap3A_16], %mul3A_14 {strides = array<i32>} : memref<50000x64xf32, #tpu.memory_space<vmem>>, vector<10000x64xf32>,
    %get3A_18 = arith.constant 2 : index
    %get3A_19 = arith.constant 0 : index
    %get3A_20 = vector.load %arg1[%get3A_18, %get3A_19] : memref<5x1xf32, #tpu.memory_space<vmem>>, vector<1x1xf32>
    %get3A_21 = vector.extract %get3A_20[0, 0] : f32 from vector<1x1xf32>
    %mul3A_22 = vector.broadcast %get3A_21 : f32 to vector<10000x64xf32>
    %mul3A_23 = arith.mulf %get3A_1, %mul3A_22 : vector<10000x64xf32>
    %swap3A_24 = arith.constant 20000 : index
    %swap3A_25 = arith.constant 0 : index
    %swap3A_26 = vector.load %arg2[%swap3A_24, %swap3A_25] : memref<50000x64xf32, #tpu.memory_space<vmem>>, vector<10000x64xf32>
    tpu.vector_store %arg2[%swap3A_24, %swap3A_25], %mul3A_23 {strides = array<i32>} : memref<50000x64xf32, #tpu.memory_space<vmem>>, vector<10000x64xf32>,
    %get3A_27 = arith.constant 3 : index
    %get3A_28 = arith.constant 0 : index
    %get3A_29 = vector.load %arg1[%get3A_27, %get3A_28] : memref<5x1xf32, #tpu.memory_space<vmem>>, vector<1x1xf32>
    %get3A_30 = vector.extract %get3A_29[0, 0] : f32 from vector<1x1xf32>
    %mul3A_31 = vector.broadcast %get3A_30 : f32 to vector<10000x64xf32>
    %mul3A_32 = arith.mulf %get3A_1, %mul3A_31 : vector<10000x64xf32>
    %swap3A_33 = arith.constant 30000 : index
    %swap3A_34 = arith.constant 0 : index
    %swap3A_35 = vector.load %arg2[%swap3A_33, %swap3A_34] : memref<50000x64xf32, #tpu.memory_space<vmem>>, vector<10000x64xf32>
    tpu.vector_store %arg2[%swap3A_33, %swap3A_34], %mul3A_32 {strides = array<i32>} : memref<50000x64xf32, #tpu.memory_space<vmem>>, vector<10000x64xf32>,
    %get3A_36 = arith.constant 4 : index
    %get3A_37 = arith.constant 0 : index
    %get3A_38 = vector.load %arg1[%get3A_36, %get3A_37] : memref<5x1xf32, #tpu.memory_space<vmem>>, vector<1x1xf32>
    %get3A_39 = vector.extract %get3A_38[0, 0] : f32 from vector<1x1xf32>
    %mul3A_40 = vector.broadcast %get3A_39 : f32 to vector<10000x64xf32>
    %mul3A_41 = arith.mulf %get3A_1, %mul3A_40 : vector<10000x64xf32>
    %swap3A_42 = arith.constant 40000 : index
    %swap3A_43 = arith.constant 0 : index
    %swap3A_44 = vector.load %arg2[%swap3A_42, %swap3A_43] : memref<50000x64xf32, #tpu.memory_space<vmem>>, vector<10000x64xf32>
    tpu.vector_store %arg2[%swap3A_42, %swap3A_43], %mul3A_41 {strides = array<i32>} : memref<50000x64xf32, #tpu.memory_space<vmem>>, vector<10000x64xf32>,
    return
  }
}

</mosaic_0001>

<sc_bundles>
// kernel: kernel.10.cloned.1.call-start
scs
__scs_entry_jumppad:
0x0: {  	(pc) =	sbr.rel $0x88, $3  }
0x1: {  	(tag) =	ssettag $0x0;
	lr =	simm.s32 $0x1  }
0x2: {  	[smem:$0x3F89] =	sst lr;
	_ =	strace $0xD0000000  }
0x3: {  	_ = 	snop  }
0x4: {  	_ = 	snop  }
0x5: {  	_ = 	snop  }
0x6: {  	_ = 	snop  }
0x7: {  	_ = 	snop  }
__scs_overlays_trampoline_lowered:
0x8: {  	[smem:$0x3F98] =	sst s0  }
0x9: {  	[smem:$0x3F99] =	sst s1  }
0xa: {  	[smem:$0x3F9A] =	sst s2  }
0xb: {  	[smem:$0x3F9B] =	sst s3  }
0xc: {  	[smem:$0x3F9C] =	sst s4  }
0xd: {  	[smem:$0x3F9D] =	sst s5  }
0xe: {  	[smem:$0x3F9E] =	sst s6  }
0xf: {  	[smem:$0x3F9F] =	sst s7  }
0x10: {  	[smem:$0x3FA0] =	sst s8  }
0x11: {  	[smem:$0x3FA1] =	sst s9;
	s0 =	simm.s32 @!p0 $0x0  }
0x12: {  	s1 =	sld [smem:$0x3F87];
	s0 =	simm.s32 @p0 $0x1  }
0x13: {  	[smem:$0x3FA2] =	sst s0;
	s0 =	simm.s32 @!p1 $0x0  }
0x14: {  	s2 =	sld [smem:$0x3F86];
	s0 =	simm.s32 @p1 $0x1  }
0x15: {  	[smem:$0x3FA3] =	sst s0;
	s0 =	simm.s32 @!p2 $0x0  }
0x16: {  	s3 =	sld [smem:$0x3FDB];
	s0 =	simm.s32 @p2 $0x1  }
0x17: {  	s4 =	simm.s32 $0x1BF5;
	[smem:$0x3FA5] =	sst s0  }
0x18: {  	s0 =	sld [smem:$0x3F88];
	_ =	swait.ge [sflag:s4], $0x0  }
0x19: {  	s7 =	sld [smem:$0x3F89]  }
0x1a: {  	s8 =	sadd.s32 $0xFFFFE003, lr  }
0x1b: {  	s9 =	sadd.s32 $0xFFFFFEF7, lr;
	s5 =	simm.s32 $0xFFFFFFFF;
	p2 =	slt.u32 s8, $0xFFFFF086  }
0x1c: {  	p1 =	slt.u32 s9, $0xF7A;
	s5 =	simm.s32 @!p2 $0x0  }
0x1d: {  	s5 =	simm.s32 @p1 $0x1;
	p0 =	seq.s32 s7, s2  }
0x1e: {  	s7 =	smul.u32 @!p0 $0xF7A, s2;
	p2 =	seq.s32 @!p0 s5, $0x0  }
0x1f: {  	s9 =	smul.u32 $0xF7A, s1;
	s8 =	simm.s32 @!p0 $0x1BF5;
	p2 =	por !p2, p0  }
0x20: {  	[sflag:s8] =	ssyncset.s32 @!p0 $0xFFFFF086;
	s6 =	sadd.s32 @!p0 s3, s7;
	s7 =	simm.s32 @!p0 $0x108  }
0x21: {  	s3 =	sadd.s32 s3, s9;
	s6 =	sadd.s32 @!p0 $0x88, s6;
	s7 =	simm.s32 @p2 $0x1082  }
0x22: {  	[simem:s7], [sflag:s8] =	dma.local @!p0 [hbm:s6], $0xF7A  }
0x23: {  	s9 =	sor.u32 $0xD0000000, s2;
	s6 =	simm.s32 $0x108;
	_ =	swait.ge @!p0 [sflag:s8], $0x0  }
0x24: {  	s3 =	sadd.s32 $0x88, s3;
	s6 =	simm.s32 @!p1 $0x1082;
	[sflag:s4] =	ssyncset.s32 $0xFFFFF086  }
0x25: {  	[simem:s6], [sflag:s4] =	dma.local [hbm:s3], $0xF7A  }
0x26: {  	[smem:$0x3F89] =	sst s1;
	(tag) =	ssettag s2;
	_ =	strace s9  }
0x27: {  	s1 =	sld [smem:$0x3F99]  }
0x28: {  	s2 =	sld [smem:$0x3F9A]  }
0x29: {  	s4 =	sld [smem:$0x3F9C]  }
0x2a: {  	p0 =	seq.s32 s5, $0x0;
	s5 =	sld [smem:$0x3F9D]  }
0x2b: {  	s6 =	sld [smem:$0x3F9E]  }
0x2c: {  	s7 =	sld [smem:$0x3F9F]  }
0x2d: {  	s3 =	simm.s32 $0x108;
	s8 =	sld [smem:$0x3FA0]  }
0x2e: {  	s3 =	simm.s32 @!p0 $0x1082;
	s9 =	sld [smem:$0x3FA1]  }
0x2f: {  	lr =	sadd.s32 s0, s3;
	s0 =	sld [smem:$0x3F98]  }
0x30: {  	s3 =	sld [smem:$0x3F9B]  }
0x31: {  	[smem:$0x3FA4] =	sst s10  }
0x32: {  	s10 =	sld [smem:$0x3FA2];
	_ =	sdelay $0x3  }
0x33: {  	p0 =	seq.s32 s10, $0x1;
	s10 =	sld [smem:$0x3FA4];
	_ =	sdelay $0x3  }
0x34: {  	[smem:$0x3FA4] =	sst s10  }
0x35: {  	s10 =	sld [smem:$0x3FA3];
	_ =	sdelay $0x3  }
0x36: {  	p1 =	seq.s32 s10, $0x1;
	s10 =	sld [smem:$0x3FA4];
	_ =	sdelay $0x3  }
0x37: {  	[smem:$0x3FA4] =	sst s10  }
0x38: {  	s10 =	sld [smem:$0x3FA5]  }
0x39: {  	_ = 	snop;
	(pc) =	sbr.ind lr, $3  }
0x3a: {  	_ = 	snop  }
0x3b: {  	_ = 	snop  }
0x3c: {  	p2 =	seq.s32 s10, $0x1;
	s10 =	sld [smem:$0x3FA4]  }
0x3d: {  	_ =	shalt  }
0x3e: {  	_ =	shalt  }
0x3f: {  	_ =	shalt  }
0x40: {  	_ =	shalt  }
0x41: {  	_ =	shalt  }
0x42: {  	_ =	shalt  }
0x43: {  	_ =	shalt  }
0x44: {  	_ =	shalt  }
0x45: {  	_ =	shalt  }
0x46: {  	_ =	shalt  }
0x47: {  	_ =	shalt  }
0x48: {  	_ =	shalt  }
0x49: {  	_ =	shalt  }
0x4a: {  	_ =	shalt  }
0x4b: {  	_ =	shalt  }
0x4c: {  	_ =	shalt  }
0x4d: {  	_ =	shalt  }
0x4e: {  	_ =	shalt  }
0x4f: {  	_ =	shalt  }
0x50: {  	_ =	shalt  }
0x51: {  	_ =	shalt  }
0x52: {  	_ =	shalt  }
0x53: {  	_ =	shalt  }
0x54: {  	_ =	shalt  }
0x55: {  	_ =	shalt  }
0x56: {  	_ =	shalt  }
0x57: {  	_ =	shalt  }
0x58: {  	_ =	shalt  }
0x59: {  	_ =	shalt  }
0x5a: {  	_ =	shalt  }
0x5b: {  	_ =	shalt  }
0x5c: {  	_ =	shalt  }
0x5d: {  	_ =	shalt  }
0x5e: {  	_ =	shalt  }
0x5f: {  	_ =	shalt  }
0x60: {  	_ =	shalt  }
0x61: {  	_ =	shalt  }
0x62: {  	_ =	shalt  }
0x63: {  	_ =	shalt  }
0x64: {  	_ =	shalt  }
0x65: {  	_ =	shalt  }
0x66: {  	_ =	shalt  }
0x67: {  	_ =	shalt  }
0x68: {  	_ =	shalt  }
0x69: {  	_ =	shalt  }
0x6a: {  	_ =	shalt  }
0x6b: {  	_ =	shalt  }
0x6c: {  	_ =	shalt  }
0x6d: {  	_ =	shalt  }
0x6e: {  	_ =	shalt  }
0x6f: {  	_ =	shalt  }
0x70: {  	_ =	shalt  }
0x71: {  	_ =	shalt  }
0x72: {  	_ =	shalt  }
0x73: {  	_ =	shalt  }
0x74: {  	_ =	shalt  }
0x75: {  	_ =	shalt  }
0x76: {  	_ =	shalt  }
0x77: {  	_ =	shalt  }
0x78: {  	_ =	shalt  }
0x79: {  	_ =	shalt  }
0x7a: {  	_ =	shalt  }
0x7b: {  	_ =	shalt  }
0x7c: {  	_ =	shalt  }
0x7d: {  	_ =	shalt  }
0x7e: {  	_ =	shalt  }
0x7f: {  	_ =	shalt  }
0x80: {  	_ =	shalt  }
0x81: {  	_ =	shalt  }
0x82: {  	_ =	shalt  }
0x83: {  	_ =	shalt  }
0x84: {  	_ =	shalt  }
0x85: {  	_ =	shalt  }
0x86: {  	_ =	shalt  }
0x87: {  	_ =	shalt  }
.Lfunc_end0:
.L_simem_size_0:
called_computation.2_lowered:
.L_overlay_start_0:
0x88: {  	s2 =	sld [smem:$0x3FD9]  }
0x89: {  	s3 =	sld [smem:$0x3FFE];
	_ =	sdelay $0x1  }
0x8a: {  	s1 =	srdreg.scid  }
0x8b: {  	s0 =	sand.u32 $0x1, s1  }
0x8c: {  	s16 =	sshll.u32 s0, $0xA;
	s2 =	sadd.s32 s3, s2  }
0x8d: {  	s2 =	sadd.s32 s2, s16  }
0x8e: {  	[smem:$0x3FB0] =	sst s2  }
0x8f: {  	_ = 	snop  }
0x90: {  	(tm) =	ssettm $0x1  }
0x91: {  	s17 =	sld [smem:$0x3FFB];
	_ =	sdelay $0x3  }
0x92: {  	_ =	strace s17  }
0x93: {  	s2 =	sld [smem:$0x3FFC];
	_ =	sdelay $0x3  }
0x94: {  	_ =	strace s2  }
0x95: {  	s2 =	sld [smem:$0x3FFD];
	_ =	sdelay $0x3  }
0x96: {  	_ =	strace s2  }
0x97: {  	_ =	strace $0x8FFFFFFF  }
0x98: {  	s18 =	sld [smem:$0x3FDB];
	_ =	sdelay $0x1  }
0x99: {  	s19 =	simm.s32 $_scs_section_size  }
0x9a: {  	s4 =	simm.s32 $_size__tile_overlayer_lowered;
	s5 =	simm.s32 $_tile_overlayer_lowered  }
0x9b: {  	s22 =	simm.s32 $0x1BFF;
	s21 =	sshll.u32 s5, $0x1;
	s2 =	sadd.s32 s19, s18  }
0x9c: {  	s6 =	simm.s32 $0x0;
	s20 =	sshll.u32 s4, $0x1;
	s4 =	sadd.s32 s21, s2  }
0x9d: {  	[timem:s6], [sflag:s22] =	dma.local [hbm:s4], s20  }
0x9e: {  	_ =	swait.ge [sflag:s22], s20  }
0x9f: {  	s3 =	ssub.s32 $0x0, s20;
	[sflag:s22] =	ssyncset.done $0x0  }
0xa0: {  	[sflag:s22] =	ssyncadd.s32 s3;
	_ =	sdelay $0x1  }
0xa1: {  	s23 =	simm.s32 $0x1B8B  }
0xa2: {  	_ =	swait.ge [sflag:s23], $0x1  }
0xa3: {  	[sflag:s23] =	ssyncset.done $0x0  }
0xa4: {  	s25 =	simm.s32 $0x1B8E;
	s24 =	sld [smem:$0x3FFE];
	[sflag:s23] =	ssyncadd.s32 $0xFFFFFFFF  }
0xa5: {  	s26 =	simm.s32 $execute0_lowered;
	[smem:$0x3FD2] =	sst s25  }
0xa6: {  	s4 =	sshll.u32 s26, $0x1;
	_ =	strace $0x80000049;
	[dreg:$0x1] =	wrdreg $0xFFFFFFFF  }
0xa7: {  	s28 =	simm.s32 $_size_execute0_lowered;
	s2 =	sadd.s32 s2, s4;
	[dreg:$0x0] =	wrdreg $0x0  }
0xa8: {  	s4 =	sshll.u32 s28, $0x1;
	[dreg:$0x2] =	wrdreg s2  }
0xa9: {  	[dreg:$0x3] =	wrdreg s4  }
0xaa: {  	[dreg:$0x4] =	wrdreg $0xC0  }
0xab: {  	_ =	task [dreg:s6], $0x5FFFF  }
0xac: {  	[dreg:$0x1] =	wrdreg $0xFFFFFFFF  }
0xad: {  	[dreg:$0x0] =	wrdreg $0x60  }
0xae: {  	[dreg:$0x2] =	wrdreg s24  }
0xaf: {  	[dreg:$0x3] =	wrdreg $0xAD400  }
0xb0: {  	[dreg:$0x4] =	wrdreg $0x9  }
0xb1: {  	_ =	task.clear_ibuf [dreg:s6], $0x5FFFF;
	_ =	strace $0x90000049  }
0xb2: {  	s29 =	simm.s32 $0x9;
	_ =	strace $0x8000004B  }
0xb3: {  	_ =	swait.ge [sflag:s29], $0x1  }
0xb4: {  	[sflag:s29] =	ssyncadd.s32 $0xFFFFFFFF  }
0xb5: {  	_ =	strace $0x9000004B  }
0xb6: {  	_ =	sfence  }
0xb7: {  	s30 =	sld [smem:$0x0];
	_ =	sdelay $0x2  }
0xb8: {  	s31 =	sshll.u32 s1, $0xD;
	s1 =	sshrl.u32 s1, $0x2  }
0xb9: {  	s3 =	sand.u32 $0x4000, s31;
	s1 =	sadd.s32 s1, s30  }
0xba: {  	s0 =	sor.u32 s3, s0;
	s1 =	sshll.u32 s1, $0x11  }
0xbb: {  	s0 =	sor.u32 s1, s0  }
0xbc: {  	s0 =	sadd.s32 $0x8F2B, s0  }
0xbd: {  	[sflag:s0] =	ssyncadd.remote.s32 $0x1  }
0xbe: {  	_ =	sfence.sel $0xFFFF  }
0xbf: {  	[dreg:$0x0] =	wrdreg $0xFFFFFFFF;
	(pc) =	sbr.abs _section_cstart, $3  }
0xc0: {  	[dreg:$0x1] =	wrdreg $0xFFFFFFFF  }
0xc1: {  	_ =	task.clear_ibuf [dreg:s6], $0x2FFFF;
	_ =	strace $0x9FFFFFFF  }
0xc2: {  	(tm) =	ssettm $0x7FFFFFFF  }
0xc3: {  	_ =	shalt  }
tec
execute0_lowered:
.L_overlay_start_1:
0x0: {  	(tag) =	ssettag $0x1  }
0x1: {  	s0 =	srdreg.scid  }
0x2: {  	s16 =	stileid.u32;
	s1 =	rddreg [dreg:$0x0]  }
0x3: {  	s2 =	rddreg [dreg:$0x1];
	s19 =	simm.s32 $0x80;
	s20 =	simm.s32 $0x5000  }
0x4: {  	s21 =	simm.s32 $0x7000;
	s22 =	simm.s32 $0x1;
	s23 =	simm.s32 $0x2  }
0x5: {  	s28 =	simm.s32 $0x9000;
	s29 =	simm.s32 $0xA400;
	s30 =	simm.s32 $0xA540  }
0x6: {  	s31 =	simm.s32 $0x0;
	s0 =	sand.u32 $0x1, s0;
	s3 =	sshll.u32 s16, $0x1  }
0x7: {  	s4 =	sadd.s32 $0x107800, s1;
	s12 =	sadd.s32 $0x1B000, s1;
	s10 =	smul.u32 $0x9C00, s16  }
0x8: {  	s18 =	sadd.s32 $0x9C000, s2;
	p0 =	sne.s32 s16, $0xF;
	s26 =	sshll.u32 s16, $0x6  }
0x9: {  	s6 =	sor.u32 s0, s3;
	s24 =	ssub.s32 $0x2, s0;
	s0 =	smul.u32 $0x9C400, s0  }
0xa: {  	s3 =	simm.s32 $0x0;
	s16 =	sor.u32 $0x1C03, s26;
	s5 =	smul.u32 $0x500, s6  }
0xb: {  	s18 =	sshrl.u32 @!p0 s18, $0x3;
	[smem:$0x7FF] =	sst s3;
	s7 =	smul.u32 $0x28, s6  }
0xc: {  	s11 =	sshll.u32 s6, $0x8;
	s13 =	sshrl.u32 s24, $0x1;
	s14 =	smul.u32 $0x280, s6  }
0xd: {  	s15 =	sadd.s32 s10, s2;
	_ =	strace $0x8000004A;
	s11 =	sadd.s32 s11, s1  }
0xe: {  	v0 =	vimm.s32 $0x0;
	v1 =	vlaneseq.u32;
	s13 =	ssub.s32 s24, s13;
	s25 =	sadd.s32 s10, s0;
	s0 =	sshrl.u32 s0, $0x3  }
0xf: {  	v2 =	vimm.s32 $0x4;
	v3 =	vimm.s32 $0x1;
	v4 =	vimm.s32 $0x2;
	s17 =	sshrl.u32 s15, $0x3;
	s8 =	sadd.s32 s5, s1;
	s5 =	sadd.s32 $0x19C00, s1  }
0x10: {  	v5 =	vimm.s32 $0x3;
	v6 =	vimm.s32 $0x5;
	v7 =	vimm.s32 $0x6;
	s9 =	sadd.s32 s7, s1;
	s10 =	sadd.s32 $0x44200, s11;
	s0 =	sadd.s32 s12, s0  }
0x11: {  	v8 =	vimm.s32 $0x7;
	v9 =	vimm.s32 $0x8;
	v10 =	vimm.s32 $0x9;
	s13 =	smax.u32 s13, $0x1;
	s6 =	sadd.s32 $0x5600, s8;
	s7 =	sadd.s32 $0xF600, s8  }
0x12: {  	v11 =	vimm.s32 $0xA;
	v12 =	vimm.s32 $0xB;
	v13 =	vimm.s32 $0xC;
	s8 =	sadd.s32 s1, s14;
	s9 =	sadd.s32 $0x19600, s9;
	s1 =	sshrl.u32 s25, $0x3  }
0x13: {  	v14 =	vimm.s32 $0xD;
	v15 =	vimm.s32 $0xE;
	v16 =	vimm.s32 $0xF;
	s14 =	simm.s32 $0x3;
	s11 =	sadd.s32 s12, s1;
	s12 =	sadd.s32 $0x13800, s0  }
.LBB2_1:
0x14: {  	[tilespmem:s3], [sflag:$0x3] =	stream.linear.gather [hbm4b:s6+s3], $0x2800, $0x38;
	[tilespmem:$0x149C0] =	vst v63  }
0x15: {  	_ =	swait.ge [sflag:s14], $0x2800  }
0x16: {  	[sflag:s14] =	ssyncset.done $0x0  }
0x17: {  	s0 =	simm.s32 $0x2800;
	[sflag:s14] =	ssyncadd.s32 $0xFFFFD800  }
0x18: {  	[tilespmem:s0], [sflag:$0x3] =	stream.linear.gather [hbm4b:s7+s3], $0x2800, $0x38;
	[tilespmem:$0x149C0] =	vst v63  }
0x19: {  	_ =	swait.ge [sflag:s14], $0x2800  }
0x1a: {  	[sflag:s14] =	ssyncset.done $0x0  }
0x1b: {  	[sflag:s14] =	ssyncadd.s32 $0xFFFFD800  }
0x1c: {  	[spmem:s17], [sflag:s16] =	dma.local [hbm:s5], $0x1380  }
0x1d: {  	_ =	swait.ge [sflag:s14], $0x1380  }
0x1e: {  	[sflag:s14] =	ssyncset.done $0x0  }
0x1f: {  	s0 =	simm.s32 @!p0 $0x3;
	[sflag:s14] =	ssyncadd.s32 $0xFFFFEC80  }
0x20: {  	[spmem:s18], [sflag:s16] =	dma.local @!p0 [hbm:s5], $0x100  }
0x21: {  	_ =	swait.ge @!p0 [sflag:s0], $0x100  }
0x22: {  	[sflag:s0] =	ssyncset.done @!p0 $0x0  }
0x23: {  	[sflag:s0] =	ssyncadd.s32 @!p0 $0xFFFFFF00  }
0x24: {  	[bflag:$0x0] =	sbarrier.arrive $0xFFFF  }
0x25: {  	[tilespmem:s20], [sflag:$0x1] =	stream.indirect.gather [hbm4b:s4+s19], $0x40, s3, s19, $0xb8;
	[tilespmem:$0x149C0] =	vst v63  }
0x26: {  	s15 =	simm.s32 $0x80  }
0x27: {  	[tilespmem:s21], [sflag:$0x2] =	stream.indirect.gather [hbm4b:s4+s19], $0x40, s15, s19, $0xb8;
	[tilespmem:$0x149C0] =	vst v63  }
0x28: {  	_ =	swait.ge [sflag:s22], $0x2000  }
0x29: {  	[sflag:s22] =	ssyncset.done $0x0  }
0x2a: {  	s24 =	simm.s32 $0x2800;
	[sflag:s22] =	ssyncadd.s32 $0xFFFFE000  }
0x2b: {  	[spmem:s2] =	stream.indirect.scatter.add.f32 [tilespmem:s20], [sflag:$0x3], $0x40, s24, s19, $0xb8;
	[tilespmem:$0x149C0] =	vst v63  }
0x2c: {  	_ =	swait.ge [sflag:s14], $0x2000  }
0x2d: {  	[sflag:s14] =	ssyncset.done $0x0  }
0x2e: {  	s25 =	simm.s32 $0x100;
	[sflag:s14] =	ssyncadd.s32 $0xFFFFE000  }
0x2f: {  	[tilespmem:s20], [sflag:$0x1] =	stream.indirect.gather [hbm4b:s4+s19], $0x40, s25, s19, $0xb8;
	[tilespmem:$0x149C0] =	vst v63  }
0x30: {  	_ =	swait.ge [sflag:s23], $0x2000  }
0x31: {  	[sflag:s23] =	ssyncset.done $0x0  }
0x32: {  	s26 =	simm.s32 $0x2880;
	[sflag:s23] =	ssyncadd.s32 $0xFFFFE000  }
0x33: {  	[spmem:s2] =	stream.indirect.scatter.add.f32 [tilespmem:s21], [sflag:$0x3], $0x40, s26, s19, $0xb8;
	[tilespmem:$0x149C0] =	vst v63  }
0x34: {  	_ =	swait.ge [sflag:s14], $0x2000  }
0x35: {  	s1 =	simm.s32 $0x800;
	s0 =	simm.s32 $0x100;
	[sflag:s14] =	ssyncset.done $0x0  }
.LBB2_2:
0x36: {  	s15 =	sadd.s32 $0x80, s0  }
0x37: {  	[sflag:s14] =	ssyncadd.s32 $0xFFFFE000;
	s24 =	smov.u32 s1;
	s25 =	sadd.s32 $0x400, s1  }
0x38: {  	[tilespmem:s21], [sflag:$0x2] =	stream.indirect.gather [hbm4b:s4+s19], $0x40, s15, s19, $0xb8;
	[tilespmem:$0x149C0] =	vst v63  }
0x39: {  	p1 =	sne.s32 s1, $0x9800;
	_ =	swait.ge [sflag:s22], $0x2000  }
0x3a: {  	[sflag:s22] =	ssyncset.done $0x0  }
0x3b: {  	s1 =	sadd.s32 $0x2800, s0;
	[sflag:s22] =	ssyncadd.s32 $0xFFFFE000  }
0x3c: {  	[spmem:s2] =	stream.indirect.scatter.add.f32 [tilespmem:s20], [sflag:$0x3], $0x40, s1, s19, $0xb8;
	[tilespmem:$0x149C0] =	vst v63  }
0x3d: {  	_ =	swait.ge [sflag:s14], $0x2000  }
0x3e: {  	[sflag:s14] =	ssyncset.done $0x0  }
0x3f: {  	s1 =	sadd.s32 $0x100, s0;
	[sflag:s14] =	ssyncadd.s32 $0xFFFFE000  }
0x40: {  	[tilespmem:s20], [sflag:$0x1] =	stream.indirect.gather [hbm4b:s4+s19], $0x40, s1, s19, $0xb8;
	[tilespmem:$0x149C0] =	vst v63  }
0x41: {  	_ =	swait.ge [sflag:s23], $0x2000  }
.Ltmp0:
0x42: {  	[sflag:s23] =	ssyncset.done $0x0;
	(pc) =	sbr.rel @p1 .LBB2_2-.Ltmp0, $4  }
0x43: {  	s0 =	sadd.s32 $0x2880, s0;
	[sflag:s23] =	ssyncadd.s32 $0xFFFFE000  }
0x44: {  	[spmem:s2] =	stream.indirect.scatter.add.f32 [tilespmem:s21], [sflag:$0x3], $0x40, s0, s19, $0xb8;
	[tilespmem:$0x149C0] =	vst v63  }
0x45: {  	_ =	swait.ge [sflag:s14], $0x2000  }
0x46: {  	s1 =	smov.u32 s25;
	s0 =	sshra.s32 s24, $0x2;
	[sflag:s14] =	ssyncset.done $0x0  }
0x47: {  	s1 =	sadd.s32 $0x80, s0;
	[sflag:s14] =	ssyncadd.s32 $0xFFFFE000  }
0x48: {  	[tilespmem:s21], [sflag:$0x2] =	stream.indirect.gather [hbm4b:s4+s19], $0x40, s1, s19, $0xb8;
	[tilespmem:$0x149C0] =	vst v63  }
0x49: {  	_ =	swait.ge [sflag:s22], $0x2000  }
0x4a: {  	[sflag:s22] =	ssyncset.done $0x0  }
0x4b: {  	s25 =	sadd.s32 $0x2800, s0;
	[sflag:s22] =	ssyncadd.s32 $0xFFFFE000  }
0x4c: {  	[spmem:s2] =	stream.indirect.scatter.add.f32 [tilespmem:s20], [sflag:$0x3], $0x40, s25, s19, $0xb8;
	[tilespmem:$0x149C0] =	vst v63  }
0x4d: {  	_ =	swait.ge [sflag:s14], $0x2000  }
0x4e: {  	[sflag:s14] =	ssyncset.done $0x0  }
0x4f: {  	s26 =	sadd.s32 $0x100, s0;
	[sflag:s14] =	ssyncadd.s32 $0xFFFFE000  }
0x50: {  	[tilespmem:s20], [sflag:$0x1] =	stream.indirect.gather [hbm4b:s4+s19], $0x40, s26, s19, $0xb8;
	[tilespmem:$0x149C0] =	vst v63  }
0x51: {  	_ =	swait.ge [sflag:s23], $0x2000  }
0x52: {  	[sflag:s23] =	ssyncset.done $0x0  }
0x53: {  	s15 =	sadd.s32 $0x2880, s0;
	[sflag:s23] =	ssyncadd.s32 $0xFFFFE000  }
0x54: {  	[spmem:s2] =	stream.indirect.scatter.add.f32 [tilespmem:s21], [sflag:$0x3], $0x40, s15, s19, $0xb8;
	[tilespmem:$0x149C0] =	vst v63  }
0x55: {  	_ =	swait.ge [sflag:s14], $0x2000  }
0x56: {  	[sflag:s14] =	ssyncset.done $0x0  }
0x57: {  	s24 =	simm.s32 $0x2780;
	[sflag:s14] =	ssyncadd.s32 $0xFFFFE000  }
0x58: {  	[tilespmem:s21], [sflag:$0x2] =	stream.indirect.gather [hbm4b:s4+s19], $0x40, s24, s19, $0xb8;
	[tilespmem:$0x149C0] =	vst v63  }
0x59: {  	_ =	swait.ge [sflag:s22], $0x2000  }
0x5a: {  	[sflag:s22] =	ssyncset.done $0x0  }
0x5b: {  	s25 =	simm.s32 $0x4F00;
	[sflag:s22] =	ssyncadd.s32 $0xFFFFE000  }
0x5c: {  	[spmem:s2] =	stream.indirect.scatter.add.f32 [tilespmem:s20], [sflag:$0x3], $0x40, s25, s19, $0xb8;
	[tilespmem:$0x149C0] =	vst v63  }
0x5d: {  	_ =	swait.ge [sflag:s14], $0x2000  }
0x5e: {  	[sflag:s14] =	ssyncset.done $0x0  }
0x5f: {  	[sflag:s14] =	ssyncadd.s32 $0xFFFFE000  }
0x60: {  	_ =	swait.ge [sflag:s23], $0x2000  }
0x61: {  	[sflag:s23] =	ssyncset.done $0x0  }
0x62: {  	s26 =	simm.s32 $0x4F80;
	[sflag:s23] =	ssyncadd.s32 $0xFFFFE000  }
0x63: {  	[spmem:s2] =	stream.indirect.scatter.add.f32 [tilespmem:s21], [sflag:$0x3], $0x40, s26, s19, $0xb8;
	[tilespmem:$0x149C0] =	vst v63  }
0x64: {  	_ =	swait.ge [sflag:s14], $0x2000  }
0x65: {  	[sflag:s14] =	ssyncset.done $0x0  }
0x66: {  	s0 =	simm.s32 $0x0;
	[sflag:s14] =	ssyncadd.s32 $0xFFFFE000  }
0x67: {  	[tilespmem:s28], [sflag:$0x3] =	stream.linear.gather [hbm4b:s8+s0], $0x1400, $0x38;
	[tilespmem:$0x149C0] =	vst v63  }
0x68: {  	_ =	swait.ge [sflag:s14], $0x1400  }
0x69: {  	[sflag:s14] =	ssyncset.done $0x0  }
0x6a: {  	[sflag:s14] =	ssyncadd.s32 $0xFFFFEC00  }
0x6b: {  	[tilespmem:s29], [sflag:$0x3] =	stream.linear.gather [hbm4b:s9+s0], $0x140, $0x38;
	[tilespmem:$0x149C0] =	vst v63  }
0x6c: {  	_ =	swait.ge [sflag:s14], $0x140  }
0x6d: {  	[sflag:s14] =	ssyncset.done $0x0  }
0x6e: {  	[sflag:s14] =	ssyncadd.s32 $0xFFFFFEC0  }
.LBB2_4:
0x6f: {  	p1 =	sne.s32 s0, $0x1FC0  }
.Ltmp1:
0x70: {  	_ = 	snop;
	(pc) =	sbr.rel @p1 .LBB2_4-.Ltmp1, $3  }
0x71: {  	_ =	sdelay $0x1  }
0x72: {  	s1 =	sshra.s32 s0, $0x2;
	v18 =	vimm.f32 $-Inf  }
0x73: {  	s0 =	sadd.s32 $0x40, s0;
	[tilespmem:s1+$0xA540] =	vst v18  }
0x74: {  	s1 =	simm.s32 $0xA400  }
0x75: {  	s0 =	simm.s32 $0x0;
	v17 =	vld [tilespmem:s1+$0x0]  }
0x76: {  	v19 =	vor.u32 s0, v1;
	_ =	sdelay $0x3  }
0x77: {  	v20 =	vperm.xlane v17, v0  }
0x78: {  	v19 =	vld.idx.msk [tilespmem:v19+s28+$0x0], $0xffff  }
0x79: {  	v21 =	vshll.u32 v20, $0x4  }
0x7a: {  	s24 =	simm.s32 $0x10;
	v21 =	vor.u32 v1, v21  }
0x7b: {  	v22 =	vor.u32 s24, v1  }
0x7c: {  	v23 =	vimm.s32 $0xFFFFFFFF  }
0x7d: {  	vm0 =	veq.s32 v20, v23;
	v18 =	vmax.f32 v18, v19  }
0x7e: {  	v18 =	vsel vm0, v18, v19  }
0x7f: {  	v19 =	vperm.xlane v17, v3;
	[tilespmem:v21+s30+$0x0] =	vst.idx.msk $0xffff, v18  }
0x80: {  	v21 =	vld.idx.msk [tilespmem:v22+s28+$0x0], $0xffff  }
0x81: {  	v62 =	vshll.u32 v19, $0x4  }
0x82: {  	s25 =	simm.s32 $0x20;
	v22 =	vor.u32 v1, v62  }
0x83: {  	v63 =	vor.u32 s25, v1;
	_ =	sdelay $0x1  }
0x84: {  	vm13 =	veq.s32 v19, v20;
	v18 =	vmax.f32 v18, v21  }
0x85: {  	v18 =	vsel vm13, v18, v21  }
0x86: {  	v20 =	vperm.xlane v17, v4;
	[tilespmem:v22+s30+$0x0] =	vst.idx.msk $0xffff, v18  }
0x87: {  	v24 =	vld.idx.msk [tilespmem:v63+s28+$0x0], $0xffff  }
0x88: {  	v25 =	vshll.u32 v20, $0x4  }
0x89: {  	s26 =	simm.s32 $0x30;
	v22 =	vor.u32 v1, v25  }
0x8a: {  	v26 =	vor.u32 s26, v1;
	_ =	sdelay $0x1  }
0x8b: {  	vm14 =	veq.s32 v20, v19;
	v18 =	vmax.f32 v18, v24  }
0x8c: {  	v18 =	vsel vm14, v18, v24  }
0x8d: {  	v19 =	vperm.xlane v17, v5;
	[tilespmem:v22+s30+$0x0] =	vst.idx.msk $0xffff, v18  }
0x8e: {  	v27 =	vld.idx.msk [tilespmem:v26+s28+$0x0], $0xffff  }
0x8f: {  	v28 =	vshll.u32 v19, $0x4  }
0x90: {  	s15 =	simm.s32 $0x40;
	v22 =	vor.u32 v1, v28  }
0x91: {  	v29 =	vor.u32 s15, v1;
	_ =	sdelay $0x1  }
0x92: {  	vm15 =	veq.s32 v19, v20;
	v18 =	vmax.f32 v18, v27  }
0x93: {  	v18 =	vsel vm15, v18, v27  }
0x94: {  	v20 =	vperm.xlane v17, v2;
	[tilespmem:v22+s30+$0x0] =	vst.idx.msk $0xffff, v18  }
0x95: {  	v30 =	vld.idx.msk [tilespmem:v29+s28+$0x0], $0xffff  }
0x96: {  	v31 =	vshll.u32 v20, $0x4  }
0x97: {  	s24 =	simm.s32 $0x50;
	v22 =	vor.u32 v1, v31  }
0x98: {  	v32 =	vor.u32 s24, v1;
	_ =	sdelay $0x1  }
0x99: {  	vm4 =	veq.s32 v20, v19;
	v18 =	vmax.f32 v18, v30  }
0x9a: {  	v18 =	vsel vm4, v18, v30  }
0x9b: {  	v19 =	vperm.xlane v17, v6;
	[tilespmem:v22+s30+$0x0] =	vst.idx.msk $0xffff, v18  }
0x9c: {  	v33 =	vld.idx.msk [tilespmem:v32+s28+$0x0], $0xffff  }
0x9d: {  	v34 =	vshll.u32 v19, $0x4  }
0x9e: {  	s25 =	simm.s32 $0x60;
	v22 =	vor.u32 v1, v34  }
0x9f: {  	v35 =	vor.u32 s25, v1;
	_ =	sdelay $0x1  }
0xa0: {  	vm5 =	veq.s32 v19, v20;
	v18 =	vmax.f32 v18, v33  }
0xa1: {  	v18 =	vsel vm5, v18, v33  }
0xa2: {  	v20 =	vperm.xlane v17, v7;
	[tilespmem:v22+s30+$0x0] =	vst.idx.msk $0xffff, v18  }
0xa3: {  	v36 =	vld.idx.msk [tilespmem:v35+s28+$0x0], $0xffff  }
0xa4: {  	v37 =	vshll.u32 v20, $0x4  }
0xa5: {  	s26 =	simm.s32 $0x70;
	v22 =	vor.u32 v1, v37  }
0xa6: {  	v38 =	vor.u32 s26, v1;
	_ =	sdelay $0x1  }
0xa7: {  	vm6 =	veq.s32 v20, v19;
	v18 =	vmax.f32 v18, v36  }
0xa8: {  	v18 =	vsel vm6, v18, v36  }
0xa9: {  	v19 =	vperm.xlane v17, v8;
	[tilespmem:v22+s30+$0x0] =	vst.idx.msk $0xffff, v18  }
0xaa: {  	v39 =	vld.idx.msk [tilespmem:v38+s28+$0x0], $0xffff  }
0xab: {  	v40 =	vshll.u32 v19, $0x4  }
0xac: {  	s15 =	simm.s32 $0x80;
	v22 =	vor.u32 v1, v40  }
0xad: {  	v41 =	vor.u32 s15, v1;
	_ =	sdelay $0x1  }
0xae: {  	vm7 =	veq.s32 v19, v20;
	v18 =	vmax.f32 v18, v39  }
0xaf: {  	v18 =	vsel vm7, v18, v39  }
0xb0: {  	v20 =	vperm.xlane v17, v9;
	[tilespmem:v22+s30+$0x0] =	vst.idx.msk $0xffff, v18  }
0xb1: {  	v42 =	vld.idx.msk [tilespmem:v41+s28+$0x0], $0xffff  }
0xb2: {  	v43 =	vshll.u32 v20, $0x4  }
0xb3: {  	s24 =	simm.s32 $0x90;
	v22 =	vor.u32 v1, v43  }
0xb4: {  	v44 =	vor.u32 s24, v1;
	_ =	sdelay $0x1  }
0xb5: {  	vm8 =	veq.s32 v20, v19;
	v18 =	vmax.f32 v18, v42  }
0xb6: {  	v18 =	vsel vm8, v18, v42  }
0xb7: {  	v19 =	vperm.xlane v17, v10;
	[tilespmem:v22+s30+$0x0] =	vst.idx.msk $0xffff, v18  }
0xb8: {  	v45 =	vld.idx.msk [tilespmem:v44+s28+$0x0], $0xffff  }
0xb9: {  	v46 =	vshll.u32 v19, $0x4  }
0xba: {  	s25 =	simm.s32 $0xA0;
	v22 =	vor.u32 v1, v46  }
0xbb: {  	v47 =	vor.u32 s25, v1;
	_ =	sdelay $0x1  }
0xbc: {  	vm9 =	veq.s32 v19, v20;
	v18 =	vmax.f32 v18, v45  }
0xbd: {  	v18 =	vsel vm9, v18, v45  }
0xbe: {  	v20 =	vperm.xlane v17, v11;
	[tilespmem:v22+s30+$0x0] =	vst.idx.msk $0xffff, v18  }
0xbf: {  	v48 =	vld.idx.msk [tilespmem:v47+s28+$0x0], $0xffff  }
0xc0: {  	v49 =	vshll.u32 v20, $0x4  }
0xc1: {  	s26 =	simm.s32 $0xB0;
	v22 =	vor.u32 v1, v49  }
0xc2: {  	v50 =	vor.u32 s26, v1;
	_ =	sdelay $0x1  }
0xc3: {  	vm10 =	veq.s32 v20, v19;
	v18 =	vmax.f32 v18, v48  }
0xc4: {  	v18 =	vsel vm10, v18, v48  }
0xc5: {  	v19 =	vperm.xlane v17, v12;
	[tilespmem:v22+s30+$0x0] =	vst.idx.msk $0xffff, v18  }
0xc6: {  	v51 =	vld.idx.msk [tilespmem:v50+s28+$0x0], $0xffff  }
0xc7: {  	v52 =	vshll.u32 v19, $0x4  }
0xc8: {  	s15 =	simm.s32 $0xC0;
	v22 =	vor.u32 v1, v52  }
0xc9: {  	v53 =	vor.u32 s15, v1;
	_ =	sdelay $0x1  }
0xca: {  	vm11 =	veq.s32 v19, v20;
	v18 =	vmax.f32 v18, v51  }
0xcb: {  	v18 =	vsel vm11, v18, v51  }
0xcc: {  	v20 =	vperm.xlane v17, v13;
	[tilespmem:v22+s30+$0x0] =	vst.idx.msk $0xffff, v18  }
0xcd: {  	v54 =	vld.idx.msk [tilespmem:v53+s28+$0x0], $0xffff  }
0xce: {  	v55 =	vshll.u32 v20, $0x4  }
0xcf: {  	s24 =	simm.s32 $0xD0;
	v22 =	vor.u32 v1, v55  }
0xd0: {  	v56 =	vor.u32 s24, v1;
	_ =	sdelay $0x1  }
0xd1: {  	vm12 =	veq.s32 v20, v19;
	v18 =	vmax.f32 v18, v54  }
0xd2: {  	v18 =	vsel vm12, v18, v54  }
0xd3: {  	v19 =	vperm.xlane v17, v14;
	[tilespmem:v22+s30+$0x0] =	vst.idx.msk $0xffff, v18  }
0xd4: {  	v57 =	vld.idx.msk [tilespmem:v56+s28+$0x0], $0xffff  }
0xd5: {  	v58 =	vshll.u32 v19, $0x4  }
0xd6: {  	s25 =	simm.s32 $0xE0;
	v22 =	vor.u32 v1, v58  }
0xd7: {  	v59 =	vor.u32 s25, v1;
	_ =	sdelay $0x1  }
0xd8: {  	vm13 =	veq.s32 v19, v20;
	v18 =	vmax.f32 v18, v57  }
0xd9: {  	v18 =	vsel vm13, v18, v57  }
0xda: {  	v20 =	vperm.xlane v17, v15;
	[tilespmem:v22+s30+$0x0] =	vst.idx.msk $0xffff, v18  }
0xdb: {  	v60 =	vld.idx.msk [tilespmem:v59+s28+$0x0], $0xffff  }
0xdc: {  	v61 =	vshll.u32 v20, $0x4  }
0xdd: {  	s26 =	simm.s32 $0xF0;
	v22 =	vor.u32 v1, v61  }
0xde: {  	v62 =	vor.u32 s26, v1;
	_ =	sdelay $0x1  }
0xdf: {  	vm14 =	veq.s32 v20, v19;
	v18 =	vmax.f32 v18, v60  }
0xe0: {  	v18 =	vsel vm14, v18, v60  }
0xe1: {  	[tilespmem:v22+s30+$0x0] =	vst.idx.msk $0xffff, v18  }
0xe2: {  	v19 =	vld.idx.msk [tilespmem:v62+s28+$0x0], $0xffff;
	_ =	sdelay $0x1  }
0xe3: {  	v17 =	vperm.xlane v17, v16;
	_ =	sdelay $0x1  }
0xe4: {  	v63 =	vshll.u32 v17, $0x4  }
0xe5: {  	vm15 =	veq.s32 v17, v20;
	v20 =	vmax.f32 v18, v19;
	v18 =	vor.u32 v1, v63;
	_ =	sdelay $0x2  }
0xe6: {  	s0 =	simm.s32 $0x1F0;
	s15 =	simm.s32 $0x2F;
	v19 =	vsel vm15, v20, v19  }
.LBB2_6:
0xe7: {  	s26 =	sadd.s32 $0xFFFFFF10, s0  }
0xe8: {  	[tilespmem:v18+s30+$0x0] =	vst.idx.msk $0xffff, v19;
	s1 =	sadd.s32 $0x10, s1;
	s24 =	smov.u32 s15;
	s25 =	sadd.s32 $0x10, s15  }
0xe9: {  	p1 =	sne.s32 s15, $0x13F;
	v18 =	vld [tilespmem:s1+$0x0];
	v20 =	vor.u32 s26, v1;
	_ =	sdelay $0x4  }
0xea: {  	v21 =	vperm.xlane v18, v0;
	v20 =	vld.idx.msk [tilespmem:v20+s28+$0x0], $0xffff;
	v22 =	vperm.xlane v18, v3  }
0xeb: {  	v23 =	vperm.xlane v18, v4;
	v24 =	vperm.xlane v18, v5  }
0xec: {  	v25 =	vshll.u32 v21, $0x4;
	vm5 =	veq.s32 v22, v21;
	v26 =	vshll.u32 v22, $0x4  }
0xed: {  	s15 =	sadd.s32 $0xFFFFFF20, s0;
	vm4 =	veq.s32 v23, v22;
	v27 =	vshll.u32 v23, $0x4;
	v25 =	vor.u32 v1, v25  }
0xee: {  	v22 =	vor.u32 s15, v1;
	vm3 =	veq.s32 v24, v23;
	v28 =	vshll.u32 v24, $0x4  }
0xef: {  	v29 =	vperm.xlane v18, v6;
	v23 =	vperm.xlane v18, v2  }
0xf0: {  	v30 =	vperm.xlane v18, v7;
	vm0 =	veq.s32 v21, v17;
	v17 =	vmax.f32 v19, v20  }
0xf1: {  	vm2 =	veq.s32 v23, v24;
	v24 =	vshll.u32 v23, $0x4;
	v31 =	vsel vm0, v17, v20  }
0xf2: {  	v32 =	vshll.u32 v30, $0x4;
	vm1 =	veq.s32 v29, v23;
	[tilespmem:v25+s30+$0x0] =	vst.idx.msk $0xffff, v31;
	v25 =	vshll.u32 v29, $0x4  }
0xf3: {  	vm0 =	veq.s32 v30, v29;
	v20 =	vperm.xlane v18, v13;
	v33 =	vld.idx.msk [tilespmem:v22+s28+$0x0], $0xffff;
	v22 =	vperm.xlane v18, v10  }
0xf4: {  	v17 =	vperm.xlane v18, v16  }
0xf5: {  	v21 =	vshll.u32 v20, $0x4;
	v23 =	vshll.u32 v22, $0x4  }
0xf6: {  	s15 =	sadd.s32 $0xFFFFFF30, s0;
	v26 =	vor.u32 v1, v26;
	v19 =	vshll.u32 v17, $0x4  }
0xf7: {  	v29 =	vor.u32 s15, v1;
	_ =	sdelay $0x1  }
0xf8: {  	v31 =	vmax.f32 v31, v33  }
0xf9: {  	v31 =	vsel vm5, v31, v33  }
0xfa: {  	[tilespmem:v26+s30+$0x0] =	vst.idx.msk $0xffff, v31  }
0xfb: {  	v26 =	vld.idx.msk [tilespmem:v29+s28+$0x0], $0xffff;
	_ =	sdelay $0x2  }
0xfc: {  	v27 =	vor.u32 v1, v27;
	s15 =	sadd.s32 $0xFFFFFF40, s0  }
0xfd: {  	v29 =	vor.u32 s15, v1;
	_ =	sdelay $0x1  }
0xfe: {  	v31 =	vmax.f32 v31, v26  }
0xff: {  	v26 =	vsel vm4, v31, v26  }
0x100: {  	[tilespmem:v27+s30+$0x0] =	vst.idx.msk $0xffff, v26  }
0x101: {  	v27 =	vld.idx.msk [tilespmem:v29+s28+$0x0], $0xffff;
	_ =	sdelay $0x2  }
0x102: {  	v28 =	vor.u32 v1, v28;
	s15 =	sadd.s32 $0xFFFFFF50, s0  }
0x103: {  	v29 =	vor.u32 s15, v1;
	_ =	sdelay $0x1  }
0x104: {  	v26 =	vmax.f32 v26, v27  }
0x105: {  	v26 =	vsel vm3, v26, v27  }
0x106: {  	[tilespmem:v28+s30+$0x0] =	vst.idx.msk $0xffff, v26  }
0x107: {  	v27 =	vld.idx.msk [tilespmem:v29+s28+$0x0], $0xffff;
	_ =	sdelay $0x2  }
0x108: {  	v24 =	vor.u32 v1, v24;
	s15 =	sadd.s32 $0xFFFFFF60, s0  }
0x109: {  	v28 =	vor.u32 s15, v1;
	_ =	sdelay $0x1  }
0x10a: {  	v26 =	vmax.f32 v26, v27  }
0x10b: {  	v26 =	vsel vm2, v26, v27  }
0x10c: {  	[tilespmem:v24+s30+$0x0] =	vst.idx.msk $0xffff, v26  }
0x10d: {  	v24 =	vld.idx.msk [tilespmem:v28+s28+$0x0], $0xffff;
	_ =	sdelay $0x2  }
0x10e: {  	v25 =	vor.u32 v1, v25;
	s15 =	sadd.s32 $0xFFFFFF70, s0  }
0x10f: {  	v27 =	vor.u32 s15, v1;
	_ =	sdelay $0x1  }
0x110: {  	v26 =	vmax.f32 v26, v24  }
0x111: {  	v24 =	vsel vm1, v26, v24  }
0x112: {  	[tilespmem:v25+s30+$0x0] =	vst.idx.msk $0xffff, v24  }
0x113: {  	v25 =	vld.idx.msk [tilespmem:v27+s28+$0x0], $0xffff;
	_ =	sdelay $0x2  }
0x114: {  	s15 =	sadd.s32 $0xFFFFFF80, s0;
	v26 =	vor.u32 v1, v32  }
0x115: {  	v27 =	vor.u32 s15, v1;
	_ =	sdelay $0x1  }
0x116: {  	v24 =	vmax.f32 v24, v25  }
0x117: {  	v24 =	vsel vm0, v24, v25  }
0x118: {  	[tilespmem:v26+s30+$0x0] =	vst.idx.msk $0xffff, v24  }
0x119: {  	v25 =	vperm.xlane v18, v8;
	v26 =	vld.idx.msk [tilespmem:v27+s28+$0x0], $0xffff;
	_ =	sdelay $0x1  }
0x11a: {  	v27 =	vshll.u32 v25, $0x4  }
0x11b: {  	s15 =	sadd.s32 $0xFFFFFF90, s0;
	v27 =	vor.u32 v1, v27  }
0x11c: {  	v28 =	vor.u32 s15, v1;
	_ =	sdelay $0x1  }
0x11d: {  	vm0 =	veq.s32 v25, v30;
	v24 =	vmax.f32 v24, v26  }
0x11e: {  	v24 =	vsel vm0, v24, v26  }
0x11f: {  	[tilespmem:v27+s30+$0x0] =	vst.idx.msk $0xffff, v24  }
0x120: {  	v26 =	vperm.xlane v18, v9;
	v27 =	vld.idx.msk [tilespmem:v28+s28+$0x0], $0xffff;
	_ =	sdelay $0x1  }
0x121: {  	vm0 =	veq.s32 v22, v26;
	v28 =	vshll.u32 v26, $0x4  }
0x122: {  	s15 =	sadd.s32 $0xFFFFFFA0, s0;
	v28 =	vor.u32 v1, v28  }
0x123: {  	v29 =	vor.u32 s15, v1;
	_ =	sdelay $0x1  }
0x124: {  	vm1 =	veq.s32 v26, v25;
	v24 =	vmax.f32 v24, v27  }
0x125: {  	v24 =	vsel vm1, v24, v27  }
0x126: {  	[tilespmem:v28+s30+$0x0] =	vst.idx.msk $0xffff, v24  }
0x127: {  	v25 =	vld.idx.msk [tilespmem:v29+s28+$0x0], $0xffff;
	_ =	sdelay $0x2  }
0x128: {  	v23 =	vor.u32 v1, v23;
	s15 =	sadd.s32 $0xFFFFFFB0, s0  }
0x129: {  	v26 =	vor.u32 s15, v1;
	_ =	sdelay $0x1  }
0x12a: {  	v24 =	vmax.f32 v24, v25  }
0x12b: {  	v24 =	vsel vm0, v24, v25  }
0x12c: {  	[tilespmem:v23+s30+$0x0] =	vst.idx.msk $0xffff, v24  }
0x12d: {  	v23 =	vperm.xlane v18, v11;
	v25 =	vld.idx.msk [tilespmem:v26+s28+$0x0], $0xffff;
	_ =	sdelay $0x1  }
0x12e: {  	v26 =	vshll.u32 v23, $0x4  }
0x12f: {  	s15 =	sadd.s32 $0xFFFFFFC0, s0;
	v26 =	vor.u32 v1, v26  }
0x130: {  	v27 =	vor.u32 s15, v1;
	_ =	sdelay $0x1  }
0x131: {  	vm0 =	veq.s32 v23, v22;
	v22 =	vmax.f32 v24, v25  }
0x132: {  	v22 =	vsel vm0, v22, v25  }
0x133: {  	[tilespmem:v26+s30+$0x0] =	vst.idx.msk $0xffff, v22  }
0x134: {  	v24 =	vperm.xlane v18, v12;
	v25 =	vld.idx.msk [tilespmem:v27+s28+$0x0], $0xffff;
	_ =	sdelay $0x1  }
0x135: {  	vm0 =	veq.s32 v20, v24;
	v26 =	vshll.u32 v24, $0x4  }
0x136: {  	s15 =	sadd.s32 $0xFFFFFFD0, s0;
	v26 =	vor.u32 v1, v26  }
0x137: {  	v27 =	vor.u32 s15, v1;
	_ =	sdelay $0x1  }
0x138: {  	vm1 =	veq.s32 v24, v23;
	v22 =	vmax.f32 v22, v25  }
0x139: {  	v22 =	vsel vm1, v22, v25  }
0x13a: {  	[tilespmem:v26+s30+$0x0] =	vst.idx.msk $0xffff, v22  }
0x13b: {  	v23 =	vld.idx.msk [tilespmem:v27+s28+$0x0], $0xffff;
	_ =	sdelay $0x2  }
0x13c: {  	v21 =	vor.u32 v1, v21;
	s15 =	sadd.s32 $0xFFFFFFE0, s0  }
0x13d: {  	v24 =	vor.u32 s15, v1;
	_ =	sdelay $0x1  }
0x13e: {  	v22 =	vmax.f32 v22, v23  }
0x13f: {  	v22 =	vsel vm0, v22, v23  }
0x140: {  	[tilespmem:v21+s30+$0x0] =	vst.idx.msk $0xffff, v22  }
0x141: {  	v21 =	vperm.xlane v18, v14;
	v23 =	vld.idx.msk [tilespmem:v24+s28+$0x0], $0xffff;
	_ =	sdelay $0x1  }
0x142: {  	v24 =	vshll.u32 v21, $0x4  }
0x143: {  	s15 =	sadd.s32 $0xFFFFFFF0, s0;
	v24 =	vor.u32 v1, v24  }
0x144: {  	v25 =	vor.u32 s15, v1;
	_ =	sdelay $0x1  }
0x145: {  	vm0 =	veq.s32 v21, v20;
	v20 =	vmax.f32 v22, v23  }
0x146: {  	v20 =	vsel vm0, v20, v23  }
0x147: {  	[tilespmem:v24+s30+$0x0] =	vst.idx.msk $0xffff, v20  }
0x148: {  	v18 =	vperm.xlane v18, v15;
	v22 =	vld.idx.msk [tilespmem:v25+s28+$0x0], $0xffff;
	_ =	sdelay $0x1  }
0x149: {  	v23 =	vshll.u32 v18, $0x4;
	vm0 =	veq.s32 v17, v18  }
0x14a: {  	v23 =	vor.u32 v1, v23  }
0x14b: {  	v24 =	vor.u32 s0, v1;
	_ =	sdelay $0x1  }
0x14c: {  	vm1 =	veq.s32 v18, v21;
	v18 =	vmax.f32 v20, v22  }
0x14d: {  	v20 =	vsel vm1, v18, v22  }
0x14e: {  	[tilespmem:v23+s30+$0x0] =	vst.idx.msk $0xffff, v20  }
0x14f: {  	v21 =	vld.idx.msk [tilespmem:v24+s28+$0x0], $0xffff;
	_ =	sdelay $0x2  }
.Ltmp2:
0x150: {  	v18 =	vor.u32 v1, v19;
	(pc) =	sbr.rel @p1 .LBB2_6-.Ltmp2, $3  }
0x151: {  	_ =	sdelay $0x1  }
0x152: {  	v19 =	vmax.f32 v20, v21  }
0x153: {  	s15 =	smov.u32 s25;
	s0 =	sshll.u32 s24, $0x4;
	v19 =	vsel vm0, v19, v21  }
0x154: {  	_ =	sdelay $0x3  }
0x155: {  	[tilespmem:v18+s30+$0x0] =	vst.idx.msk $0xffff, v19;
	s1 =	sadd.s32 $0x10, s1  }
0x156: {  	s15 =	sadd.s32 $0xFFFFFF10, s0;
	v18 =	vld [tilespmem:s1+$0x0]  }
0x157: {  	v20 =	vor.u32 s15, v1;
	_ =	sdelay $0x3  }
0x158: {  	v21 =	vperm.xlane v18, v0  }
0x159: {  	v20 =	vld.idx.msk [tilespmem:v20+s28+$0x0], $0xffff  }
0x15a: {  	v22 =	vshll.u32 v21, $0x4  }
0x15b: {  	s25 =	sadd.s32 $0xFFFFFF20, s0;
	v22 =	vor.u32 v1, v22  }
0x15c: {  	v23 =	vor.u32 s25, v1;
	_ =	sdelay $0x1  }
0x15d: {  	vm0 =	veq.s32 v21, v17;
	v17 =	vmax.f32 v19, v20  }
0x15e: {  	v17 =	vsel vm0, v17, v20  }
0x15f: {  	v19 =	vperm.xlane v18, v3;
	[tilespmem:v22+s30+$0x0] =	vst.idx.msk $0xffff, v17  }
0x160: {  	v54 =	vld.idx.msk [tilespmem:v23+s28+$0x0], $0xffff  }
0x161: {  	v55 =	vshll.u32 v19, $0x4  }
0x162: {  	s26 =	sadd.s32 $0xFFFFFF30, s0;
	v22 =	vor.u32 v1, v55  }
0x163: {  	v56 =	vor.u32 s26, v1;
	_ =	sdelay $0x1  }
0x164: {  	vm13 =	veq.s32 v19, v21;
	v17 =	vmax.f32 v17, v54  }
0x165: {  	v17 =	vsel vm13, v17, v54  }
0x166: {  	v57 =	vperm.xlane v18, v4;
	[tilespmem:v22+s30+$0x0] =	vst.idx.msk $0xffff, v17  }
0x167: {  	v58 =	vld.idx.msk [tilespmem:v56+s28+$0x0], $0xffff  }
0x168: {  	v59 =	vshll.u32 v57, $0x4  }
0x169: {  	s15 =	sadd.s32 $0xFFFFFF40, s0;
	v22 =	vor.u32 v1, v59  }
0x16a: {  	v60 =	vor.u32 s15, v1;
	_ =	sdelay $0x1  }
0x16b: {  	vm14 =	veq.s32 v57, v19;
	v17 =	vmax.f32 v17, v58  }
0x16c: {  	v17 =	vsel vm14, v17, v58  }
0x16d: {  	v19 =	vperm.xlane v18, v5;
	[tilespmem:v22+s30+$0x0] =	vst.idx.msk $0xffff, v17  }
0x16e: {  	v61 =	vld.idx.msk [tilespmem:v60+s28+$0x0], $0xffff  }
0x16f: {  	v62 =	vshll.u32 v19, $0x4  }
0x170: {  	s24 =	sadd.s32 $0xFFFFFF50, s0;
	v22 =	vor.u32 v1, v62  }
0x171: {  	v63 =	vor.u32 s24, v1;
	_ =	sdelay $0x1  }
0x172: {  	vm15 =	veq.s32 v19, v57;
	v17 =	vmax.f32 v17, v61  }
0x173: {  	v17 =	vsel vm15, v17, v61  }
0x174: {  	v24 =	vperm.xlane v18, v2;
	[tilespmem:v22+s30+$0x0] =	vst.idx.msk $0xffff, v17  }
0x175: {  	v25 =	vld.idx.msk [tilespmem:v63+s28+$0x0], $0xffff  }
0x176: {  	v26 =	vshll.u32 v24, $0x4  }
0x177: {  	s25 =	sadd.s32 $0xFFFFFF60, s0;
	v22 =	vor.u32 v1, v26  }
0x178: {  	v27 =	vor.u32 s25, v1;
	_ =	sdelay $0x1  }
0x179: {  	vm4 =	veq.s32 v24, v19;
	v17 =	vmax.f32 v17, v25  }
0x17a: {  	v17 =	vsel vm4, v17, v25  }
0x17b: {  	v19 =	vperm.xlane v18, v6;
	[tilespmem:v22+s30+$0x0] =	vst.idx.msk $0xffff, v17  }
0x17c: {  	v28 =	vld.idx.msk [tilespmem:v27+s28+$0x0], $0xffff  }
0x17d: {  	v29 =	vshll.u32 v19, $0x4  }
0x17e: {  	s26 =	sadd.s32 $0xFFFFFF70, s0;
	v22 =	vor.u32 v1, v29  }
0x17f: {  	v30 =	vor.u32 s26, v1;
	_ =	sdelay $0x1  }
0x180: {  	vm5 =	veq.s32 v19, v24;
	v17 =	vmax.f32 v17, v28  }
0x181: {  	v17 =	vsel vm5, v17, v28  }
0x182: {  	v31 =	vperm.xlane v18, v7;
	[tilespmem:v22+s30+$0x0] =	vst.idx.msk $0xffff, v17  }
0x183: {  	v32 =	vld.idx.msk [tilespmem:v30+s28+$0x0], $0xffff  }
0x184: {  	v33 =	vshll.u32 v31, $0x4  }
0x185: {  	s15 =	sadd.s32 $0xFFFFFF80, s0;
	v22 =	vor.u32 v1, v33  }
0x186: {  	v34 =	vor.u32 s15, v1;
	_ =	sdelay $0x1  }
0x187: {  	vm6 =	veq.s32 v31, v19;
	v17 =	vmax.f32 v17, v32  }
0x188: {  	v17 =	vsel vm6, v17, v32  }
0x189: {  	v19 =	vperm.xlane v18, v8;
	[tilespmem:v22+s30+$0x0] =	vst.idx.msk $0xffff, v17  }
0x18a: {  	v35 =	vld.idx.msk [tilespmem:v34+s28+$0x0], $0xffff  }
0x18b: {  	v36 =	vshll.u32 v19, $0x4  }
0x18c: {  	s24 =	sadd.s32 $0xFFFFFF90, s0;
	v22 =	vor.u32 v1, v36  }
0x18d: {  	v37 =	vor.u32 s24, v1;
	_ =	sdelay $0x1  }
0x18e: {  	vm7 =	veq.s32 v19, v31;
	v17 =	vmax.f32 v17, v35  }
0x18f: {  	v17 =	vsel vm7, v17, v35  }
0x190: {  	v38 =	vperm.xlane v18, v9;
	[tilespmem:v22+s30+$0x0] =	vst.idx.msk $0xffff, v17  }
0x191: {  	v39 =	vld.idx.msk [tilespmem:v37+s28+$0x0], $0xffff  }
0x192: {  	v40 =	vshll.u32 v38, $0x4  }
0x193: {  	s25 =	sadd.s32 $0xFFFFFFA0, s0;
	v22 =	vor.u32 v1, v40  }
0x194: {  	v41 =	vor.u32 s25, v1;
	_ =	sdelay $0x1  }
0x195: {  	vm8 =	veq.s32 v38, v19;
	v17 =	vmax.f32 v17, v39  }
0x196: {  	v17 =	vsel vm8, v17, v39  }
0x197: {  	v19 =	vperm.xlane v18, v10;
	[tilespmem:v22+s30+$0x0] =	vst.idx.msk $0xffff, v17  }
0x198: {  	v42 =	vld.idx.msk [tilespmem:v41+s28+$0x0], $0xffff  }
0x199: {  	v43 =	vshll.u32 v19, $0x4  }
0x19a: {  	s26 =	sadd.s32 $0xFFFFFFB0, s0;
	v22 =	vor.u32 v1, v43  }
0x19b: {  	v44 =	vor.u32 s26, v1;
	_ =	sdelay $0x1  }
0x19c: {  	vm9 =	veq.s32 v19, v38;
	v17 =	vmax.f32 v17, v42  }
0x19d: {  	v17 =	vsel vm9, v17, v42  }
0x19e: {  	v45 =	vperm.xlane v18, v11;
	[tilespmem:v22+s30+$0x0] =	vst.idx.msk $0xffff, v17  }
0x19f: {  	v46 =	vld.idx.msk [tilespmem:v44+s28+$0x0], $0xffff  }
0x1a0: {  	v47 =	vshll.u32 v45, $0x4  }
0x1a1: {  	s15 =	sadd.s32 $0xFFFFFFC0, s0;
	v22 =	vor.u32 v1, v47  }
0x1a2: {  	v48 =	vor.u32 s15, v1;
	_ =	sdelay $0x1  }
0x1a3: {  	vm10 =	veq.s32 v45, v19;
	v17 =	vmax.f32 v17, v46  }
0x1a4: {  	v17 =	vsel vm10, v17, v46  }
0x1a5: {  	v19 =	vperm.xlane v18, v12;
	[tilespmem:v22+s30+$0x0] =	vst.idx.msk $0xffff, v17  }
0x1a6: {  	v49 =	vld.idx.msk [tilespmem:v48+s28+$0x0], $0xffff  }
0x1a7: {  	v50 =	vshll.u32 v19, $0x4  }
0x1a8: {  	s24 =	sadd.s32 $0xFFFFFFD0, s0;
	v22 =	vor.u32 v1, v50  }
0x1a9: {  	v51 =	vor.u32 s24, v1;
	_ =	sdelay $0x1  }
0x1aa: {  	vm11 =	veq.s32 v19, v45;
	v17 =	vmax.f32 v17, v49  }
0x1ab: {  	v17 =	vsel vm11, v17, v49  }
0x1ac: {  	v52 =	vperm.xlane v18, v13;
	[tilespmem:v22+s30+$0x0] =	vst.idx.msk $0xffff, v17  }
0x1ad: {  	v53 =	vld.idx.msk [tilespmem:v51+s28+$0x0], $0xffff  }
0x1ae: {  	v54 =	vshll.u32 v52, $0x4  }
0x1af: {  	s25 =	sadd.s32 $0xFFFFFFE0, s0;
	v22 =	vor.u32 v1, v54  }
0x1b0: {  	v55 =	vor.u32 s25, v1;
	_ =	sdelay $0x1  }
0x1b1: {  	vm12 =	veq.s32 v52, v19;
	v17 =	vmax.f32 v17, v53  }
0x1b2: {  	v17 =	vsel vm12, v17, v53  }
0x1b3: {  	v19 =	vperm.xlane v18, v14;
	[tilespmem:v22+s30+$0x0] =	vst.idx.msk $0xffff, v17  }
0x1b4: {  	v56 =	vld.idx.msk [tilespmem:v55+s28+$0x0], $0xffff  }
0x1b5: {  	v57 =	vshll.u32 v19, $0x4  }
0x1b6: {  	s26 =	sadd.s32 $0xFFFFFFF0, s0;
	v22 =	vor.u32 v1, v57  }
0x1b7: {  	v58 =	vor.u32 s26, v1;
	_ =	sdelay $0x1  }
0x1b8: {  	vm13 =	veq.s32 v19, v52;
	v17 =	vmax.f32 v17, v56  }
0x1b9: {  	v17 =	vsel vm13, v17, v56  }
0x1ba: {  	v59 =	vperm.xlane v18, v15;
	[tilespmem:v22+s30+$0x0] =	vst.idx.msk $0xffff, v17  }
0x1bb: {  	v60 =	vld.idx.msk [tilespmem:v58+s28+$0x0], $0xffff  }
0x1bc: {  	v61 =	vshll.u32 v59, $0x4  }
0x1bd: {  	v22 =	vor.u32 v1, v61  }
0x1be: {  	v62 =	vor.u32 s0, v1;
	_ =	sdelay $0x1  }
0x1bf: {  	vm14 =	veq.s32 v59, v19;
	v17 =	vmax.f32 v17, v60  }
0x1c0: {  	v17 =	vsel vm14, v17, v60  }
0x1c1: {  	v18 =	vperm.xlane v18, v16;
	[tilespmem:v22+s30+$0x0] =	vst.idx.msk $0xffff, v17  }
0x1c2: {  	v19 =	vld.idx.msk [tilespmem:v62+s28+$0x0], $0xffff  }
0x1c3: {  	v63 =	vshll.u32 v18, $0x4  }
0x1c4: {  	v21 =	vor.u32 v1, v63;
	_ =	sdelay $0x2  }
0x1c5: {  	vm15 =	veq.s32 v18, v59;
	v17 =	vmax.f32 v17, v19  }
0x1c6: {  	v17 =	vsel vm15, v17, v19  }
0x1c7: {  	[tilespmem:v21+s30+$0x0] =	vst.idx.msk $0xffff, v17  }
0x1c8: {  	[hbm4b:s10+s3] =	stream.linear.scatter [tilespmem:s30], [sflag:$0x3], $0x800, $0x38;
	[tilespmem:$0x149C0] =	vst v63  }
0x1c9: {  	_ =	swait.ge [sflag:s14], $0x800  }
0x1ca: {  	[sflag:s14] =	ssyncset.done $0x0  }
0x1cb: {  	[sflag:s14] =	ssyncadd.s32 $0xFFFFF800  }
0x1cc: {  	[bflag:$0x0] =	sbarrier.arrive $0xFFFF  }
0x1cd: {  	[hbm:s11], [sflag:s16] =	dma.local [spmem:s17], $0x1380  }
0x1ce: {  	s31 =	sadd.s32 $0x1, s31;
	_ =	swait.ge [sflag:s14], $0x1380  }
0x1cf: {  	p1 =	sne.s32 s31, s13;
	[sflag:s14] =	ssyncset.done $0x0  }
.Ltmp3:
0x1d0: {  	s0 =	simm.s32 @!p0 $0x3;
	[sflag:s14] =	ssyncadd.s32 $0xFFFFEC80;
	(pc) =	sbr.rel @p1 .LBB2_1-.Ltmp3, $4  }
0x1d1: {  	[hbm:s12], [sflag:s16] =	dma.local @!p0 [spmem:s18], $0x80  }
0x1d2: {  	_ =	swait.ge @!p0 [sflag:s0], $0x80  }
0x1d3: {  	[sflag:s0] =	ssyncset.done @!p0 $0x0  }
0x1d4: {  	[sflag:s0] =	ssyncadd.s32 @!p0 $0xFFFFFF80  }
0x1d5: {  	_ =	sfence.sel $0x180000  }
0x1d6: {  	[bflag:$0x0] =	sbarrier.arrive $0xFFFF  }
0x1d7: {  	_ =	strace $0x9000004A  }
0x1d8: {  	s0 =	stileid.u32;
	[bflag:$0x2] =	sbarrier.arrive $0xFFFF  }
0x1d9: {  	p0 =	sne.s32 s0, $0x0;
	s0 =	rddreg [dreg:$0x2]  }
0x1da: {  	s0 =	sadd.s32 @!p0 $0x100000, s0  }
0x1db: {  	[sflag:s0] =	ssyncadd.tile.s32 @!p0 $0x1;
	_ =	shalt  }
.Lfunc_end2:
_tile_overlayer_lowered:
.L_overlay_start_2:
0x1dc: {  	(tag) =	ssettag $0x2  }
0x1dd: {  	s0 =	rddreg [dreg:$0x0];
	s2 =	stileid.u32  }
0x1de: {  	s1 =	rddreg [dreg:$0x1];
	p0 =	sne.s32 s2, $0x0  }
0x1df: {  	s3 =	rddreg [dreg:$0x2];
	[bflag:$0x3] =	sbarrier.arrive $0xFFFF;
	s2 =	simm.s32 @!p0 $0x1C03  }
0x1e0: {  	[timem:s3], [sflag:s2] =	dma.local @!p0 [hbm:s0], s1  }
0x1e1: {  	s0 =	simm.s32 @!p0 $0x3  }
0x1e2: {  	_ =	swait.ge @!p0 [sflag:s0], s1  }
0x1e3: {  	s1 =	ssub.s32 @!p0 $0x0, s1;
	[sflag:s0] =	ssyncset.done @!p0 $0x0  }
0x1e4: {  	[sflag:s0] =	ssyncadd.s32 @!p0 s1  }
0x1e5: {  	[bflag:$0x3] =	sbarrier.arrive $0xFFFF  }
0x1e6: {  	_ =	shalt  }

// kernel: kernel.7.cloned.1.call-start
scs
__scs_entry_jumppad:
0x0: {  	(pc) =	sbr.rel $0x88, $3  }
0x1: {  	(tag) =	ssettag $0x0;
	lr =	simm.s32 $0x1  }
0x2: {  	[smem:$0x3F89] =	sst lr;
	_ =	strace $0xD0000000  }
0x3: {  	_ = 	snop  }
0x4: {  	_ = 	snop  }
0x5: {  	_ = 	snop  }
0x6: {  	_ = 	snop  }
0x7: {  	_ = 	snop  }
__scs_overlays_trampoline_lowered:
0x8: {  	[smem:$0x3F98] =	sst s0  }
0x9: {  	[smem:$0x3F99] =	sst s1  }
0xa: {  	[smem:$0x3F9A] =	sst s2  }
0xb: {  	[smem:$0x3F9B] =	sst s3  }
0xc: {  	[smem:$0x3F9C] =	sst s4  }
0xd: {  	[smem:$0x3F9D] =	sst s5  }
0xe: {  	[smem:$0x3F9E] =	sst s6  }
0xf: {  	[smem:$0x3F9F] =	sst s7  }
0x10: {  	[smem:$0x3FA0] =	sst s8  }
0x11: {  	[smem:$0x3FA1] =	sst s9;
	s0 =	simm.s32 @!p0 $0x0  }
0x12: {  	s1 =	sld [smem:$0x3F87];
	s0 =	simm.s32 @p0 $0x1  }
0x13: {  	[smem:$0x3FA2] =	sst s0;
	s0 =	simm.s32 @!p1 $0x0  }
0x14: {  	s2 =	sld [smem:$0x3F86];
	s0 =	simm.s32 @p1 $0x1  }
0x15: {  	[smem:$0x3FA3] =	sst s0;
	s0 =	simm.s32 @!p2 $0x0  }
0x16: {  	s3 =	sld [smem:$0x3FDB];
	s0 =	simm.s32 @p2 $0x1  }
0x17: {  	s4 =	simm.s32 $0x1BF5;
	[smem:$0x3FA5] =	sst s0  }
0x18: {  	s0 =	sld [smem:$0x3F88];
	_ =	swait.ge [sflag:s4], $0x0  }
0x19: {  	s7 =	sld [smem:$0x3F89]  }
0x1a: {  	s8 =	sadd.s32 $0xFFFFE003, lr  }
0x1b: {  	s9 =	sadd.s32 $0xFFFFFEF7, lr;
	s5 =	simm.s32 $0xFFFFFFFF;
	p2 =	slt.u32 s8, $0xFFFFF086  }
0x1c: {  	p1 =	slt.u32 s9, $0xF7A;
	s5 =	simm.s32 @!p2 $0x0  }
0x1d: {  	s5 =	simm.s32 @p1 $0x1;
	p0 =	seq.s32 s7, s2  }
0x1e: {  	s7 =	smul.u32 @!p0 $0xF7A, s2;
	p2 =	seq.s32 @!p0 s5, $0x0  }
0x1f: {  	s9 =	smul.u32 $0xF7A, s1;
	s8 =	simm.s32 @!p0 $0x1BF5;
	p2 =	por !p2, p0  }
0x20: {  	[sflag:s8] =	ssyncset.s32 @!p0 $0xFFFFF086;
	s6 =	sadd.s32 @!p0 s3, s7;
	s7 =	simm.s32 @!p0 $0x108  }
0x21: {  	s3 =	sadd.s32 s3, s9;
	s6 =	sadd.s32 @!p0 $0x88, s6;
	s7 =	simm.s32 @p2 $0x1082  }
0x22: {  	[simem:s7], [sflag:s8] =	dma.local @!p0 [hbm:s6], $0xF7A  }
0x23: {  	s9 =	sor.u32 $0xD0000000, s2;
	s6 =	simm.s32 $0x108;
	_ =	swait.ge @!p0 [sflag:s8], $0x0  }
0x24: {  	s3 =	sadd.s32 $0x88, s3;
	s6 =	simm.s32 @!p1 $0x1082;
	[sflag:s4] =	ssyncset.s32 $0xFFFFF086  }
0x25: {  	[simem:s6], [sflag:s4] =	dma.local [hbm:s3], $0xF7A  }
0x26: {  	[smem:$0x3F89] =	sst s1;
	(tag) =	ssettag s2;
	_ =	strace s9  }
0x27: {  	s1 =	sld [smem:$0x3F99]  }
0x28: {  	s2 =	sld [smem:$0x3F9A]  }
0x29: {  	s4 =	sld [smem:$0x3F9C]  }
0x2a: {  	p0 =	seq.s32 s5, $0x0;
	s5 =	sld [smem:$0x3F9D]  }
0x2b: {  	s6 =	sld [smem:$0x3F9E]  }
0x2c: {  	s7 =	sld [smem:$0x3F9F]  }
0x2d: {  	s3 =	simm.s32 $0x108;
	s8 =	sld [smem:$0x3FA0]  }
0x2e: {  	s3 =	simm.s32 @!p0 $0x1082;
	s9 =	sld [smem:$0x3FA1]  }
0x2f: {  	lr =	sadd.s32 s0, s3;
	s0 =	sld [smem:$0x3F98]  }
0x30: {  	s3 =	sld [smem:$0x3F9B]  }
0x31: {  	[smem:$0x3FA4] =	sst s10  }
0x32: {  	s10 =	sld [smem:$0x3FA2];
	_ =	sdelay $0x3  }
0x33: {  	p0 =	seq.s32 s10, $0x1;
	s10 =	sld [smem:$0x3FA4];
	_ =	sdelay $0x3  }
0x34: {  	[smem:$0x3FA4] =	sst s10  }
0x35: {  	s10 =	sld [smem:$0x3FA3];
	_ =	sdelay $0x3  }
0x36: {  	p1 =	seq.s32 s10, $0x1;
	s10 =	sld [smem:$0x3FA4];
	_ =	sdelay $0x3  }
0x37: {  	[smem:$0x3FA4] =	sst s10  }
0x38: {  	s10 =	sld [smem:$0x3FA5]  }
0x39: {  	_ = 	snop;
	(pc) =	sbr.ind lr, $3  }
0x3a: {  	_ = 	snop  }
0x3b: {  	_ = 	snop  }
0x3c: {  	p2 =	seq.s32 s10, $0x1;
	s10 =	sld [smem:$0x3FA4]  }
0x3d: {  	_ =	shalt  }
0x3e: {  	_ =	shalt  }
0x3f: {  	_ =	shalt  }
0x40: {  	_ =	shalt  }
0x41: {  	_ =	shalt  }
0x42: {  	_ =	shalt  }
0x43: {  	_ =	shalt  }
0x44: {  	_ =	shalt  }
0x45: {  	_ =	shalt  }
0x46: {  	_ =	shalt  }
0x47: {  	_ =	shalt  }
0x48: {  	_ =	shalt  }
0x49: {  	_ =	shalt  }
0x4a: {  	_ =	shalt  }
0x4b: {  	_ =	shalt  }
0x4c: {  	_ =	shalt  }
0x4d: {  	_ =	shalt  }
0x4e: {  	_ =	shalt  }
0x4f: {  	_ =	shalt  }
0x50: {  	_ =	shalt  }
0x51: {  	_ =	shalt  }
0x52: {  	_ =	shalt  }
0x53: {  	_ =	shalt  }
0x54: {  	_ =	shalt  }
0x55: {  	_ =	shalt  }
0x56: {  	_ =	shalt  }
0x57: {  	_ =	shalt  }
0x58: {  	_ =	shalt  }
0x59: {  	_ =	shalt  }
0x5a: {  	_ =	shalt  }
0x5b: {  	_ =	shalt  }
0x5c: {  	_ =	shalt  }
0x5d: {  	_ =	shalt  }
0x5e: {  	_ =	shalt  }
0x5f: {  	_ =	shalt  }
0x60: {  	_ =	shalt  }
0x61: {  	_ =	shalt  }
0x62: {  	_ =	shalt  }
0x63: {  	_ =	shalt  }
0x64: {  	_ =	shalt  }
0x65: {  	_ =	shalt  }
0x66: {  	_ =	shalt  }
0x67: {  	_ =	shalt  }
0x68: {  	_ =	shalt  }
0x69: {  	_ =	shalt  }
0x6a: {  	_ =	shalt  }
0x6b: {  	_ =	shalt  }
0x6c: {  	_ =	shalt  }
0x6d: {  	_ =	shalt  }
0x6e: {  	_ =	shalt  }
0x6f: {  	_ =	shalt  }
0x70: {  	_ =	shalt  }
0x71: {  	_ =	shalt  }
0x72: {  	_ =	shalt  }
0x73: {  	_ =	shalt  }
0x74: {  	_ =	shalt  }
0x75: {  	_ =	shalt  }
0x76: {  	_ =	shalt  }
0x77: {  	_ =	shalt  }
0x78: {  	_ =	shalt  }
0x79: {  	_ =	shalt  }
0x7a: {  	_ =	shalt  }
0x7b: {  	_ =	shalt  }
0x7c: {  	_ =	shalt  }
0x7d: {  	_ =	shalt  }
0x7e: {  	_ =	shalt  }
0x7f: {  	_ =	shalt  }
0x80: {  	_ =	shalt  }
0x81: {  	_ =	shalt  }
0x82: {  	_ =	shalt  }
0x83: {  	_ =	shalt  }
0x84: {  	_ =	shalt  }
0x85: {  	_ =	shalt  }
0x86: {  	_ =	shalt  }
0x87: {  	_ =	shalt  }
.Lfunc_end0:
.L_simem_size_0:
called_computation.1_lowered:
.L_overlay_start_0:
0x88: {  	s2 =	sld [smem:$0x3FD9]  }
0x89: {  	s3 =	sld [smem:$0x3FFE];
	_ =	sdelay $0x1  }
0x8a: {  	s1 =	srdreg.scid  }
0x8b: {  	s0 =	sand.u32 $0x1, s1  }
0x8c: {  	s16 =	sshll.u32 s0, $0xA;
	s2 =	sadd.s32 s3, s2  }
0x8d: {  	s2 =	sadd.s32 s2, s16  }
0x8e: {  	[smem:$0x3FB0] =	sst s2  }
0x8f: {  	_ = 	snop  }
0x90: {  	(tm) =	ssettm $0x1  }
0x91: {  	s17 =	sld [smem:$0x3FFB];
	_ =	sdelay $0x3  }
0x92: {  	_ =	strace s17  }
0x93: {  	s2 =	sld [smem:$0x3FFC];
	_ =	sdelay $0x3  }
0x94: {  	_ =	strace s2  }
0x95: {  	s2 =	sld [smem:$0x3FFD];
	_ =	sdelay $0x3  }
0x96: {  	_ =	strace s2  }
0x97: {  	_ =	strace $0x8FFFFFFF  }
0x98: {  	s18 =	sld [smem:$0x3FDB];
	_ =	sdelay $0x1  }
0x99: {  	s19 =	simm.s32 $_scs_section_size  }
0x9a: {  	s4 =	simm.s32 $_size__tile_overlayer_lowered;
	s5 =	simm.s32 $_tile_overlayer_lowered  }
0x9b: {  	s22 =	simm.s32 $0x1BFF;
	s21 =	sshll.u32 s5, $0x1;
	s2 =	sadd.s32 s19, s18  }
0x9c: {  	s6 =	simm.s32 $0x0;
	s20 =	sshll.u32 s4, $0x1;
	s4 =	sadd.s32 s21, s2  }
0x9d: {  	[timem:s6], [sflag:s22] =	dma.local [hbm:s4], s20  }
0x9e: {  	_ =	swait.ge [sflag:s22], s20  }
0x9f: {  	s3 =	ssub.s32 $0x0, s20;
	[sflag:s22] =	ssyncset.done $0x0  }
0xa0: {  	[sflag:s22] =	ssyncadd.s32 s3;
	_ =	sdelay $0x1  }
0xa1: {  	s23 =	simm.s32 $0x1B8B  }
0xa2: {  	_ =	swait.ge [sflag:s23], $0x1  }
0xa3: {  	[sflag:s23] =	ssyncset.done $0x0  }
0xa4: {  	s25 =	simm.s32 $0x1B8E;
	s24 =	sld [smem:$0x3FFE];
	[sflag:s23] =	ssyncadd.s32 $0xFFFFFFFF  }
0xa5: {  	s26 =	simm.s32 $execute0_lowered;
	[smem:$0x3FD2] =	sst s25  }
0xa6: {  	s4 =	sshll.u32 s26, $0x1;
	_ =	strace $0x80000046;
	[dreg:$0x1] =	wrdreg $0xFFFFFFFF  }
0xa7: {  	s28 =	simm.s32 $_size_execute0_lowered;
	s2 =	sadd.s32 s2, s4;
	[dreg:$0x0] =	wrdreg $0x0  }
0xa8: {  	s4 =	sshll.u32 s28, $0x1;
	[dreg:$0x2] =	wrdreg s2  }
0xa9: {  	[dreg:$0x3] =	wrdreg s4  }
0xaa: {  	[dreg:$0x4] =	wrdreg $0xC0  }
0xab: {  	_ =	task [dreg:s6], $0x5FFFF  }
0xac: {  	[dreg:$0x1] =	wrdreg $0xFFFFFFFF  }
0xad: {  	[dreg:$0x0] =	wrdreg $0x60  }
0xae: {  	[dreg:$0x2] =	wrdreg s24  }
0xaf: {  	[dreg:$0x3] =	wrdreg $0xAD400  }
0xb0: {  	[dreg:$0x4] =	wrdreg $0x9  }
0xb1: {  	_ =	task.clear_ibuf [dreg:s6], $0x5FFFF;
	_ =	strace $0x90000046  }
0xb2: {  	s29 =	simm.s32 $0x9;
	_ =	strace $0x80000048  }
0xb3: {  	_ =	swait.ge [sflag:s29], $0x1  }
0xb4: {  	[sflag:s29] =	ssyncadd.s32 $0xFFFFFFFF  }
0xb5: {  	_ =	strace $0x90000048  }
0xb6: {  	_ =	sfence  }
0xb7: {  	s30 =	sld [smem:$0x0];
	_ =	sdelay $0x2  }
0xb8: {  	s31 =	sshll.u32 s1, $0xD;
	s1 =	sshrl.u32 s1, $0x2  }
0xb9: {  	s3 =	sand.u32 $0x4000, s31;
	s1 =	sadd.s32 s1, s30  }
0xba: {  	s0 =	sor.u32 s3, s0;
	s1 =	sshll.u32 s1, $0x11  }
0xbb: {  	s0 =	sor.u32 s1, s0  }
0xbc: {  	s0 =	sadd.s32 $0x8F2B, s0  }
0xbd: {  	[sflag:s0] =	ssyncadd.remote.s32 $0x1  }
0xbe: {  	_ =	sfence.sel $0xFFFF  }
0xbf: {  	[dreg:$0x0] =	wrdreg $0xFFFFFFFF;
	(pc) =	sbr.abs _section_cstart, $3  }
0xc0: {  	[dreg:$0x1] =	wrdreg $0xFFFFFFFF  }
0xc1: {  	_ =	task.clear_ibuf [dreg:s6], $0x2FFFF;
	_ =	strace $0x9FFFFFFF  }
0xc2: {  	(tm) =	ssettm $0x7FFFFFFF  }
0xc3: {  	_ =	shalt  }
tec
execute0_lowered:
.L_overlay_start_1:
0x0: {  	(tag) =	ssettag $0x1  }
0x1: {  	s0 =	srdreg.scid;
	s1 =	rddreg [dreg:$0x0]  }
0x2: {  	s16 =	stileid.u32;
	s2 =	rddreg [dreg:$0x1]  }
0x3: {  	s19 =	simm.s32 $0x80;
	s20 =	simm.s32 $0x5000;
	s21 =	simm.s32 $0x7000  }
0x4: {  	s28 =	simm.s32 $0x9000;
	s29 =	simm.s32 $0xA400;
	s30 =	simm.s32 $0xA540  }
0x5: {  	s31 =	simm.s32 $0x0;
	s0 =	sand.u32 $0x1, s0;
	s3 =	sshll.u32 s16, $0x1  }
0x6: {  	s4 =	sadd.s32 $0xC3C00, s1;
	s12 =	sadd.s32 $0x1B000, s1;
	s13 =	smul.u32 $0x9C00, s16  }
0x7: {  	s18 =	sadd.s32 $0x9C000, s2;
	p0 =	sne.s32 s16, $0xF;
	s26 =	sshll.u32 s16, $0x6  }
0x8: {  	s6 =	sor.u32 s0, s3;
	s22 =	ssub.s32 $0x2, s0;
	s0 =	smul.u32 $0x9C400, s0  }
0x9: {  	s3 =	simm.s32 $0x0;
	s16 =	sor.u32 $0x1C03, s26;
	s5 =	smul.u32 $0x500, s6  }
0xa: {  	s18 =	sshrl.u32 @!p0 s18, $0x3;
	[smem:$0x7FF] =	sst s3;
	s7 =	smul.u32 $0x280, s6  }
0xb: {  	s8 =	smul.u32 $0x28, s6;
	s6 =	sshll.u32 s6, $0x8;
	s23 =	sshrl.u32 s22, $0x1  }
0xc: {  	s15 =	sadd.s32 s13, s2;
	_ =	strace $0x80000047;
	s14 =	ssub.s32 s22, s23  }
0xd: {  	s24 =	sadd.s32 s13, s0;
	s0 =	sshrl.u32 s0, $0x3;
	s17 =	sshrl.u32 s15, $0x3  }
0xe: {  	v0 =	vimm.s32 $0x0;
	v1 =	vlaneseq.u32;
	s22 =	simm.s32 $0x1;
	s23 =	simm.s32 $0x2;
	s9 =	sadd.s32 s5, s1  }
0xf: {  	v2 =	vimm.s32 $0x4;
	v3 =	vimm.s32 $0x1;
	v4 =	vimm.s32 $0x2;
	s5 =	sadd.s32 $0x19C00, s1;
	s10 =	sadd.s32 s7, s1;
	s11 =	sadd.s32 s8, s1  }
0x10: {  	v5 =	vimm.s32 $0x3;
	v6 =	vimm.s32 $0x5;
	v7 =	vimm.s32 $0x6;
	s1 =	sadd.s32 s6, s1;
	s25 =	sshrl.u32 s24, $0x3;
	s0 =	sadd.s32 s12, s0  }
0x11: {  	v8 =	vimm.s32 $0x7;
	v9 =	vimm.s32 $0x8;
	v10 =	vimm.s32 $0x9;
	s13 =	smax.u32 s14, $0x1;
	s14 =	simm.s32 $0x3;
	s6 =	sadd.s32 $0x5600, s9  }
0x12: {  	v11 =	vimm.s32 $0xA;
	v12 =	vimm.s32 $0xB;
	v13 =	vimm.s32 $0xC;
	s7 =	sadd.s32 $0xF600, s9;
	s8 =	sadd.s32 $0x600, s10;
	s9 =	sadd.s32 $0x19600, s11  }
0x13: {  	v14 =	vimm.s32 $0xD;
	v15 =	vimm.s32 $0xE;
	v16 =	vimm.s32 $0xF;
	s10 =	sadd.s32 $0x42200, s1;
	s11 =	sadd.s32 s12, s25;
	s12 =	sadd.s32 $0x13800, s0  }
.LBB2_1:
0x14: {  	[tilespmem:s3], [sflag:$0x3] =	stream.linear.gather [hbm4b:s6+s3], $0x2800, $0x38;
	[tilespmem:$0x149C0] =	vst v63  }
0x15: {  	_ =	swait.ge [sflag:s14], $0x2800  }
0x16: {  	[sflag:s14] =	ssyncset.done $0x0  }
0x17: {  	s0 =	simm.s32 $0x2800;
	[sflag:s14] =	ssyncadd.s32 $0xFFFFD800  }
0x18: {  	[tilespmem:s0], [sflag:$0x3] =	stream.linear.gather [hbm4b:s7+s3], $0x2800, $0x38;
	[tilespmem:$0x149C0] =	vst v63  }
0x19: {  	_ =	swait.ge [sflag:s14], $0x2800  }
0x1a: {  	[sflag:s14] =	ssyncset.done $0x0  }
0x1b: {  	[sflag:s14] =	ssyncadd.s32 $0xFFFFD800  }
0x1c: {  	[spmem:s17], [sflag:s16] =	dma.local [hbm:s5], $0x1380  }
0x1d: {  	_ =	swait.ge [sflag:s14], $0x1380  }
0x1e: {  	[sflag:s14] =	ssyncset.done $0x0  }
0x1f: {  	s0 =	simm.s32 @!p0 $0x3;
	[sflag:s14] =	ssyncadd.s32 $0xFFFFEC80  }
0x20: {  	[spmem:s18], [sflag:s16] =	dma.local @!p0 [hbm:s5], $0x100  }
0x21: {  	_ =	swait.ge @!p0 [sflag:s0], $0x100  }
0x22: {  	[sflag:s0] =	ssyncset.done @!p0 $0x0  }
0x23: {  	[sflag:s0] =	ssyncadd.s32 @!p0 $0xFFFFFF00  }
0x24: {  	[bflag:$0x0] =	sbarrier.arrive $0xFFFF  }
0x25: {  	[tilespmem:s20], [sflag:$0x1] =	stream.indirect.gather [hbm4b:s4+s19], $0x40, s3, s19, $0xb8;
	[tilespmem:$0x149C0] =	vst v63  }
0x26: {  	s15 =	simm.s32 $0x80  }
0x27: {  	[tilespmem:s21], [sflag:$0x2] =	stream.indirect.gather [hbm4b:s4+s19], $0x40, s15, s19, $0xb8;
	[tilespmem:$0x149C0] =	vst v63  }
0x28: {  	_ =	swait.ge [sflag:s22], $0x2000  }
0x29: {  	[sflag:s22] =	ssyncset.done $0x0  }
0x2a: {  	s24 =	simm.s32 $0x2800;
	[sflag:s22] =	ssyncadd.s32 $0xFFFFE000  }
0x2b: {  	[spmem:s2] =	stream.indirect.scatter.add.f32 [tilespmem:s20], [sflag:$0x3], $0x40, s24, s19, $0xb8;
	[tilespmem:$0x149C0] =	vst v63  }
0x2c: {  	_ =	swait.ge [sflag:s14], $0x2000  }
0x2d: {  	[sflag:s14] =	ssyncset.done $0x0  }
0x2e: {  	s25 =	simm.s32 $0x100;
	[sflag:s14] =	ssyncadd.s32 $0xFFFFE000  }
0x2f: {  	[tilespmem:s20], [sflag:$0x1] =	stream.indirect.gather [hbm4b:s4+s19], $0x40, s25, s19, $0xb8;
	[tilespmem:$0x149C0] =	vst v63  }
0x30: {  	_ =	swait.ge [sflag:s23], $0x2000  }
0x31: {  	[sflag:s23] =	ssyncset.done $0x0  }
0x32: {  	s26 =	simm.s32 $0x2880;
	[sflag:s23] =	ssyncadd.s32 $0xFFFFE000  }
0x33: {  	[spmem:s2] =	stream.indirect.scatter.add.f32 [tilespmem:s21], [sflag:$0x3], $0x40, s26, s19, $0xb8;
	[tilespmem:$0x149C0] =	vst v63  }
0x34: {  	_ =	swait.ge [sflag:s14], $0x2000  }
0x35: {  	s1 =	simm.s32 $0x800;
	s0 =	simm.s32 $0x100;
	[sflag:s14] =	ssyncset.done $0x0  }
.LBB2_2:
0x36: {  	s15 =	sadd.s32 $0x80, s0  }
0x37: {  	[sflag:s14] =	ssyncadd.s32 $0xFFFFE000;
	s24 =	smov.u32 s1;
	s25 =	sadd.s32 $0x400, s1  }
0x38: {  	[tilespmem:s21], [sflag:$0x2] =	stream.indirect.gather [hbm4b:s4+s19], $0x40, s15, s19, $0xb8;
	[tilespmem:$0x149C0] =	vst v63  }
0x39: {  	p1 =	sne.s32 s1, $0x9800;
	_ =	swait.ge [sflag:s22], $0x2000  }
0x3a: {  	[sflag:s22] =	ssyncset.done $0x0  }
0x3b: {  	s1 =	sadd.s32 $0x2800, s0;
	[sflag:s22] =	ssyncadd.s32 $0xFFFFE000  }
0x3c: {  	[spmem:s2] =	stream.indirect.scatter.add.f32 [tilespmem:s20], [sflag:$0x3], $0x40, s1, s19, $0xb8;
	[tilespmem:$0x149C0] =	vst v63  }
0x3d: {  	_ =	swait.ge [sflag:s14], $0x2000  }
0x3e: {  	[sflag:s14] =	ssyncset.done $0x0  }
0x3f: {  	s1 =	sadd.s32 $0x100, s0;
	[sflag:s14] =	ssyncadd.s32 $0xFFFFE000  }
0x40: {  	[tilespmem:s20], [sflag:$0x1] =	stream.indirect.gather [hbm4b:s4+s19], $0x40, s1, s19, $0xb8;
	[tilespmem:$0x149C0] =	vst v63  }
0x41: {  	_ =	swait.ge [sflag:s23], $0x2000  }
.Ltmp0:
0x42: {  	[sflag:s23] =	ssyncset.done $0x0;
	(pc) =	sbr.rel @p1 .LBB2_2-.Ltmp0, $4  }
0x43: {  	s0 =	sadd.s32 $0x2880, s0;
	[sflag:s23] =	ssyncadd.s32 $0xFFFFE000  }
0x44: {  	[spmem:s2] =	stream.indirect.scatter.add.f32 [tilespmem:s21], [sflag:$0x3], $0x40, s0, s19, $0xb8;
	[tilespmem:$0x149C0] =	vst v63  }
0x45: {  	_ =	swait.ge [sflag:s14], $0x2000  }
0x46: {  	s1 =	smov.u32 s25;
	s0 =	sshra.s32 s24, $0x2;
	[sflag:s14] =	ssyncset.done $0x0  }
0x47: {  	s1 =	sadd.s32 $0x80, s0;
	[sflag:s14] =	ssyncadd.s32 $0xFFFFE000  }
0x48: {  	[tilespmem:s21], [sflag:$0x2] =	stream.indirect.gather [hbm4b:s4+s19], $0x40, s1, s19, $0xb8;
	[tilespmem:$0x149C0] =	vst v63  }
0x49: {  	_ =	swait.ge [sflag:s22], $0x2000  }
0x4a: {  	[sflag:s22] =	ssyncset.done $0x0  }
0x4b: {  	s25 =	sadd.s32 $0x2800, s0;
	[sflag:s22] =	ssyncadd.s32 $0xFFFFE000  }
0x4c: {  	[spmem:s2] =	stream.indirect.scatter.add.f32 [tilespmem:s20], [sflag:$0x3], $0x40, s25, s19, $0xb8;
	[tilespmem:$0x149C0] =	vst v63  }
0x4d: {  	_ =	swait.ge [sflag:s14], $0x2000  }
0x4e: {  	[sflag:s14] =	ssyncset.done $0x0  }
0x4f: {  	s26 =	sadd.s32 $0x100, s0;
	[sflag:s14] =	ssyncadd.s32 $0xFFFFE000  }
0x50: {  	[tilespmem:s20], [sflag:$0x1] =	stream.indirect.gather [hbm4b:s4+s19], $0x40, s26, s19, $0xb8;
	[tilespmem:$0x149C0] =	vst v63  }
0x51: {  	_ =	swait.ge [sflag:s23], $0x2000  }
0x52: {  	[sflag:s23] =	ssyncset.done $0x0  }
0x53: {  	s15 =	sadd.s32 $0x2880, s0;
	[sflag:s23] =	ssyncadd.s32 $0xFFFFE000  }
0x54: {  	[spmem:s2] =	stream.indirect.scatter.add.f32 [tilespmem:s21], [sflag:$0x3], $0x40, s15, s19, $0xb8;
	[tilespmem:$0x149C0] =	vst v63  }
0x55: {  	_ =	swait.ge [sflag:s14], $0x2000  }
0x56: {  	[sflag:s14] =	ssyncset.done $0x0  }
0x57: {  	s24 =	simm.s32 $0x2780;
	[sflag:s14] =	ssyncadd.s32 $0xFFFFE000  }
0x58: {  	[tilespmem:s21], [sflag:$0x2] =	stream.indirect.gather [hbm4b:s4+s19], $0x40, s24, s19, $0xb8;
	[tilespmem:$0x149C0] =	vst v63  }
0x59: {  	_ =	swait.ge [sflag:s22], $0x2000  }
0x5a: {  	[sflag:s22] =	ssyncset.done $0x0  }
0x5b: {  	s25 =	simm.s32 $0x4F00;
	[sflag:s22] =	ssyncadd.s32 $0xFFFFE000  }
0x5c: {  	[spmem:s2] =	stream.indirect.scatter.add.f32 [tilespmem:s20], [sflag:$0x3], $0x40, s25, s19, $0xb8;
	[tilespmem:$0x149C0] =	vst v63  }
0x5d: {  	_ =	swait.ge [sflag:s14], $0x2000  }
0x5e: {  	[sflag:s14] =	ssyncset.done $0x0  }
0x5f: {  	[sflag:s14] =	ssyncadd.s32 $0xFFFFE000  }
0x60: {  	_ =	swait.ge [sflag:s23], $0x2000  }
0x61: {  	[sflag:s23] =	ssyncset.done $0x0  }
0x62: {  	s26 =	simm.s32 $0x4F80;
	[sflag:s23] =	ssyncadd.s32 $0xFFFFE000  }
0x63: {  	[spmem:s2] =	stream.indirect.scatter.add.f32 [tilespmem:s21], [sflag:$0x3], $0x40, s26, s19, $0xb8;
	[tilespmem:$0x149C0] =	vst v63  }
0x64: {  	_ =	swait.ge [sflag:s14], $0x2000  }
0x65: {  	[sflag:s14] =	ssyncset.done $0x0  }
0x66: {  	s0 =	simm.s32 $0x0;
	[sflag:s14] =	ssyncadd.s32 $0xFFFFE000  }
0x67: {  	[tilespmem:s28], [sflag:$0x3] =	stream.linear.gather [hbm4b:s8+s0], $0x1400, $0x38;
	[tilespmem:$0x149C0] =	vst v63  }
0x68: {  	_ =	swait.ge [sflag:s14], $0x1400  }
0x69: {  	[sflag:s14] =	ssyncset.done $0x0  }
0x6a: {  	[sflag:s14] =	ssyncadd.s32 $0xFFFFEC00  }
0x6b: {  	[tilespmem:s29], [sflag:$0x3] =	stream.linear.gather [hbm4b:s9+s0], $0x140, $0x38;
	[tilespmem:$0x149C0] =	vst v63  }
0x6c: {  	_ =	swait.ge [sflag:s14], $0x140  }
0x6d: {  	[sflag:s14] =	ssyncset.done $0x0  }
0x6e: {  	[sflag:s14] =	ssyncadd.s32 $0xFFFFFEC0  }
.LBB2_4:
0x6f: {  	p1 =	sne.s32 s0, $0x1FC0  }
.Ltmp1:
0x70: {  	_ = 	snop;
	(pc) =	sbr.rel @p1 .LBB2_4-.Ltmp1, $3  }
0x71: {  	_ =	sdelay $0x1  }
0x72: {  	s1 =	sshra.s32 s0, $0x2;
	v18 =	vimm.f32 $-Inf  }
0x73: {  	s0 =	sadd.s32 $0x40, s0;
	[tilespmem:s1+$0xA540] =	vst v18  }
0x74: {  	s1 =	simm.s32 $0xA400  }
0x75: {  	s0 =	simm.s32 $0x0;
	v17 =	vld [tilespmem:s1+$0x0]  }
0x76: {  	v19 =	vor.u32 s0, v1;
	_ =	sdelay $0x3  }
0x77: {  	v20 =	vperm.xlane v17, v0  }
0x78: {  	v19 =	vld.idx.msk [tilespmem:v19+s28+$0x0], $0xffff  }
0x79: {  	v21 =	vshll.u32 v20, $0x4  }
0x7a: {  	s24 =	simm.s32 $0x10;
	v21 =	vor.u32 v1, v21  }
0x7b: {  	v22 =	vor.u32 s24, v1  }
0x7c: {  	v23 =	vimm.s32 $0xFFFFFFFF  }
0x7d: {  	vm0 =	veq.s32 v20, v23;
	v18 =	vmax.f32 v18, v19  }
0x7e: {  	v18 =	vsel vm0, v18, v19  }
0x7f: {  	v19 =	vperm.xlane v17, v3;
	[tilespmem:v21+s30+$0x0] =	vst.idx.msk $0xffff, v18  }
0x80: {  	v21 =	vld.idx.msk [tilespmem:v22+s28+$0x0], $0xffff  }
0x81: {  	v62 =	vshll.u32 v19, $0x4  }
0x82: {  	s25 =	simm.s32 $0x20;
	v22 =	vor.u32 v1, v62  }
0x83: {  	v63 =	vor.u32 s25, v1;
	_ =	sdelay $0x1  }
0x84: {  	vm13 =	veq.s32 v19, v20;
	v18 =	vmax.f32 v18, v21  }
0x85: {  	v18 =	vsel vm13, v18, v21  }
0x86: {  	v20 =	vperm.xlane v17, v4;
	[tilespmem:v22+s30+$0x0] =	vst.idx.msk $0xffff, v18  }
0x87: {  	v24 =	vld.idx.msk [tilespmem:v63+s28+$0x0], $0xffff  }
0x88: {  	v25 =	vshll.u32 v20, $0x4  }
0x89: {  	s26 =	simm.s32 $0x30;
	v22 =	vor.u32 v1, v25  }
0x8a: {  	v26 =	vor.u32 s26, v1;
	_ =	sdelay $0x1  }
0x8b: {  	vm14 =	veq.s32 v20, v19;
	v18 =	vmax.f32 v18, v24  }
0x8c: {  	v18 =	vsel vm14, v18, v24  }
0x8d: {  	v19 =	vperm.xlane v17, v5;
	[tilespmem:v22+s30+$0x0] =	vst.idx.msk $0xffff, v18  }
0x8e: {  	v27 =	vld.idx.msk [tilespmem:v26+s28+$0x0], $0xffff  }
0x8f: {  	v28 =	vshll.u32 v19, $0x4  }
0x90: {  	s15 =	simm.s32 $0x40;
	v22 =	vor.u32 v1, v28  }
0x91: {  	v29 =	vor.u32 s15, v1;
	_ =	sdelay $0x1  }
0x92: {  	vm15 =	veq.s32 v19, v20;
	v18 =	vmax.f32 v18, v27  }
0x93: {  	v18 =	vsel vm15, v18, v27  }
0x94: {  	v20 =	vperm.xlane v17, v2;
	[tilespmem:v22+s30+$0x0] =	vst.idx.msk $0xffff, v18  }
0x95: {  	v30 =	vld.idx.msk [tilespmem:v29+s28+$0x0], $0xffff  }
0x96: {  	v31 =	vshll.u32 v20, $0x4  }
0x97: {  	s24 =	simm.s32 $0x50;
	v22 =	vor.u32 v1, v31  }
0x98: {  	v32 =	vor.u32 s24, v1;
	_ =	sdelay $0x1  }
0x99: {  	vm4 =	veq.s32 v20, v19;
	v18 =	vmax.f32 v18, v30  }
0x9a: {  	v18 =	vsel vm4, v18, v30  }
0x9b: {  	v19 =	vperm.xlane v17, v6;
	[tilespmem:v22+s30+$0x0] =	vst.idx.msk $0xffff, v18  }
0x9c: {  	v33 =	vld.idx.msk [tilespmem:v32+s28+$0x0], $0xffff  }
0x9d: {  	v34 =	vshll.u32 v19, $0x4  }
0x9e: {  	s25 =	simm.s32 $0x60;
	v22 =	vor.u32 v1, v34  }
0x9f: {  	v35 =	vor.u32 s25, v1;
	_ =	sdelay $0x1  }
0xa0: {  	vm5 =	veq.s32 v19, v20;
	v18 =	vmax.f32 v18, v33  }
0xa1: {  	v18 =	vsel vm5, v18, v33  }
0xa2: {  	v20 =	vperm.xlane v17, v7;
	[tilespmem:v22+s30+$0x0] =	vst.idx.msk $0xffff, v18  }
0xa3: {  	v36 =	vld.idx.msk [tilespmem:v35+s28+$0x0], $0xffff  }
0xa4: {  	v37 =	vshll.u32 v20, $0x4  }
0xa5: {  	s26 =	simm.s32 $0x70;
	v22 =	vor.u32 v1, v37  }
0xa6: {  	v38 =	vor.u32 s26, v1;
	_ =	sdelay $0x1  }
0xa7: {  	vm6 =	veq.s32 v20, v19;
	v18 =	vmax.f32 v18, v36  }
0xa8: {  	v18 =	vsel vm6, v18, v36  }
0xa9: {  	v19 =	vperm.xlane v17, v8;
	[tilespmem:v22+s30+$0x0] =	vst.idx.msk $0xffff, v18  }
0xaa: {  	v39 =	vld.idx.msk [tilespmem:v38+s28+$0x0], $0xffff  }
0xab: {  	v40 =	vshll.u32 v19, $0x4  }
0xac: {  	s15 =	simm.s32 $0x80;
	v22 =	vor.u32 v1, v40  }
0xad: {  	v41 =	vor.u32 s15, v1;
	_ =	sdelay $0x1  }
0xae: {  	vm7 =	veq.s32 v19, v20;
	v18 =	vmax.f32 v18, v39  }
0xaf: {  	v18 =	vsel vm7, v18, v39  }
0xb0: {  	v20 =	vperm.xlane v17, v9;
	[tilespmem:v22+s30+$0x0] =	vst.idx.msk $0xffff, v18  }
0xb1: {  	v42 =	vld.idx.msk [tilespmem:v41+s28+$0x0], $0xffff  }
0xb2: {  	v43 =	vshll.u32 v20, $0x4  }
0xb3: {  	s24 =	simm.s32 $0x90;
	v22 =	vor.u32 v1, v43  }
0xb4: {  	v44 =	vor.u32 s24, v1;
	_ =	sdelay $0x1  }
0xb5: {  	vm8 =	veq.s32 v20, v19;
	v18 =	vmax.f32 v18, v42  }
0xb6: {  	v18 =	vsel vm8, v18, v42  }
0xb7: {  	v19 =	vperm.xlane v17, v10;
	[tilespmem:v22+s30+$0x0] =	vst.idx.msk $0xffff, v18  }
0xb8: {  	v45 =	vld.idx.msk [tilespmem:v44+s28+$0x0], $0xffff  }
0xb9: {  	v46 =	vshll.u32 v19, $0x4  }
0xba: {  	s25 =	simm.s32 $0xA0;
	v22 =	vor.u32 v1, v46  }
0xbb: {  	v47 =	vor.u32 s25, v1;
	_ =	sdelay $0x1  }
0xbc: {  	vm9 =	veq.s32 v19, v20;
	v18 =	vmax.f32 v18, v45  }
0xbd: {  	v18 =	vsel vm9, v18, v45  }
0xbe: {  	v20 =	vperm.xlane v17, v11;
	[tilespmem:v22+s30+$0x0] =	vst.idx.msk $0xffff, v18  }
0xbf: {  	v48 =	vld.idx.msk [tilespmem:v47+s28+$0x0], $0xffff  }
0xc0: {  	v49 =	vshll.u32 v20, $0x4  }
0xc1: {  	s26 =	simm.s32 $0xB0;
	v22 =	vor.u32 v1, v49  }
0xc2: {  	v50 =	vor.u32 s26, v1;
	_ =	sdelay $0x1  }
0xc3: {  	vm10 =	veq.s32 v20, v19;
	v18 =	vmax.f32 v18, v48  }
0xc4: {  	v18 =	vsel vm10, v18, v48  }
0xc5: {  	v19 =	vperm.xlane v17, v12;
	[tilespmem:v22+s30+$0x0] =	vst.idx.msk $0xffff, v18  }
0xc6: {  	v51 =	vld.idx.msk [tilespmem:v50+s28+$0x0], $0xffff  }
0xc7: {  	v52 =	vshll.u32 v19, $0x4  }
0xc8: {  	s15 =	simm.s32 $0xC0;
	v22 =	vor.u32 v1, v52  }
0xc9: {  	v53 =	vor.u32 s15, v1;
	_ =	sdelay $0x1  }
0xca: {  	vm11 =	veq.s32 v19, v20;
	v18 =	vmax.f32 v18, v51  }
0xcb: {  	v18 =	vsel vm11, v18, v51  }
0xcc: {  	v20 =	vperm.xlane v17, v13;
	[tilespmem:v22+s30+$0x0] =	vst.idx.msk $0xffff, v18  }
0xcd: {  	v54 =	vld.idx.msk [tilespmem:v53+s28+$0x0], $0xffff  }
0xce: {  	v55 =	vshll.u32 v20, $0x4  }
0xcf: {  	s24 =	simm.s32 $0xD0;
	v22 =	vor.u32 v1, v55  }
0xd0: {  	v56 =	vor.u32 s24, v1;
	_ =	sdelay $0x1  }
0xd1: {  	vm12 =	veq.s32 v20, v19;
	v18 =	vmax.f32 v18, v54  }
0xd2: {  	v18 =	vsel vm12, v18, v54  }
0xd3: {  	v19 =	vperm.xlane v17, v14;
	[tilespmem:v22+s30+$0x0] =	vst.idx.msk $0xffff, v18  }
0xd4: {  	v57 =	vld.idx.msk [tilespmem:v56+s28+$0x0], $0xffff  }
0xd5: {  	v58 =	vshll.u32 v19, $0x4  }
0xd6: {  	s25 =	simm.s32 $0xE0;
	v22 =	vor.u32 v1, v58  }
0xd7: {  	v59 =	vor.u32 s25, v1;
	_ =	sdelay $0x1  }
0xd8: {  	vm13 =	veq.s32 v19, v20;
	v18 =	vmax.f32 v18, v57  }
0xd9: {  	v18 =	vsel vm13, v18, v57  }
0xda: {  	v20 =	vperm.xlane v17, v15;
	[tilespmem:v22+s30+$0x0] =	vst.idx.msk $0xffff, v18  }
0xdb: {  	v60 =	vld.idx.msk [tilespmem:v59+s28+$0x0], $0xffff  }
0xdc: {  	v61 =	vshll.u32 v20, $0x4  }
0xdd: {  	s26 =	simm.s32 $0xF0;
	v22 =	vor.u32 v1, v61  }
0xde: {  	v62 =	vor.u32 s26, v1;
	_ =	sdelay $0x1  }
0xdf: {  	vm14 =	veq.s32 v20, v19;
	v18 =	vmax.f32 v18, v60  }
0xe0: {  	v18 =	vsel vm14, v18, v60  }
0xe1: {  	[tilespmem:v22+s30+$0x0] =	vst.idx.msk $0xffff, v18  }
0xe2: {  	v19 =	vld.idx.msk [tilespmem:v62+s28+$0x0], $0xffff;
	_ =	sdelay $0x1  }
0xe3: {  	v17 =	vperm.xlane v17, v16;
	_ =	sdelay $0x1  }
0xe4: {  	v63 =	vshll.u32 v17, $0x4  }
0xe5: {  	vm15 =	veq.s32 v17, v20;
	v20 =	vmax.f32 v18, v19;
	v18 =	vor.u32 v1, v63;
	_ =	sdelay $0x2  }
0xe6: {  	s0 =	simm.s32 $0x1F0;
	s15 =	simm.s32 $0x2F;
	v19 =	vsel vm15, v20, v19  }
.LBB2_6:
0xe7: {  	s26 =	sadd.s32 $0xFFFFFF10, s0  }
0xe8: {  	[tilespmem:v18+s30+$0x0] =	vst.idx.msk $0xffff, v19;
	s1 =	sadd.s32 $0x10, s1;
	s24 =	smov.u32 s15;
	s25 =	sadd.s32 $0x10, s15  }
0xe9: {  	p1 =	sne.s32 s15, $0x13F;
	v18 =	vld [tilespmem:s1+$0x0];
	v20 =	vor.u32 s26, v1;
	_ =	sdelay $0x4  }
0xea: {  	v21 =	vperm.xlane v18, v0;
	v20 =	vld.idx.msk [tilespmem:v20+s28+$0x0], $0xffff;
	v22 =	vperm.xlane v18, v3  }
0xeb: {  	v23 =	vperm.xlane v18, v4;
	v24 =	vperm.xlane v18, v5  }
0xec: {  	v25 =	vshll.u32 v21, $0x4;
	vm5 =	veq.s32 v22, v21;
	v26 =	vshll.u32 v22, $0x4  }
0xed: {  	s15 =	sadd.s32 $0xFFFFFF20, s0;
	vm4 =	veq.s32 v23, v22;
	v27 =	vshll.u32 v23, $0x4;
	v25 =	vor.u32 v1, v25  }
0xee: {  	v22 =	vor.u32 s15, v1;
	vm3 =	veq.s32 v24, v23;
	v28 =	vshll.u32 v24, $0x4  }
0xef: {  	v29 =	vperm.xlane v18, v6;
	v23 =	vperm.xlane v18, v2  }
0xf0: {  	v30 =	vperm.xlane v18, v7;
	vm0 =	veq.s32 v21, v17;
	v17 =	vmax.f32 v19, v20  }
0xf1: {  	vm2 =	veq.s32 v23, v24;
	v24 =	vshll.u32 v23, $0x4;
	v31 =	vsel vm0, v17, v20  }
0xf2: {  	v32 =	vshll.u32 v30, $0x4;
	vm1 =	veq.s32 v29, v23;
	[tilespmem:v25+s30+$0x0] =	vst.idx.msk $0xffff, v31;
	v25 =	vshll.u32 v29, $0x4  }
0xf3: {  	vm0 =	veq.s32 v30, v29;
	v20 =	vperm.xlane v18, v13;
	v33 =	vld.idx.msk [tilespmem:v22+s28+$0x0], $0xffff;
	v22 =	vperm.xlane v18, v10  }
0xf4: {  	v17 =	vperm.xlane v18, v16  }
0xf5: {  	v21 =	vshll.u32 v20, $0x4;
	v23 =	vshll.u32 v22, $0x4  }
0xf6: {  	s15 =	sadd.s32 $0xFFFFFF30, s0;
	v26 =	vor.u32 v1, v26;
	v19 =	vshll.u32 v17, $0x4  }
0xf7: {  	v29 =	vor.u32 s15, v1;
	_ =	sdelay $0x1  }
0xf8: {  	v31 =	vmax.f32 v31, v33  }
0xf9: {  	v31 =	vsel vm5, v31, v33  }
0xfa: {  	[tilespmem:v26+s30+$0x0] =	vst.idx.msk $0xffff, v31  }
0xfb: {  	v26 =	vld.idx.msk [tilespmem:v29+s28+$0x0], $0xffff;
	_ =	sdelay $0x2  }
0xfc: {  	v27 =	vor.u32 v1, v27;
	s15 =	sadd.s32 $0xFFFFFF40, s0  }
0xfd: {  	v29 =	vor.u32 s15, v1;
	_ =	sdelay $0x1  }
0xfe: {  	v31 =	vmax.f32 v31, v26  }
0xff: {  	v26 =	vsel vm4, v31, v26  }
0x100: {  	[tilespmem:v27+s30+$0x0] =	vst.idx.msk $0xffff, v26  }
0x101: {  	v27 =	vld.idx.msk [tilespmem:v29+s28+$0x0], $0xffff;
	_ =	sdelay $0x2  }
0x102: {  	v28 =	vor.u32 v1, v28;
	s15 =	sadd.s32 $0xFFFFFF50, s0  }
0x103: {  	v29 =	vor.u32 s15, v1;
	_ =	sdelay $0x1  }
0x104: {  	v26 =	vmax.f32 v26, v27  }
0x105: {  	v26 =	vsel vm3, v26, v27  }
0x106: {  	[tilespmem:v28+s30+$0x0] =	vst.idx.msk $0xffff, v26  }
0x107: {  	v27 =	vld.idx.msk [tilespmem:v29+s28+$0x0], $0xffff;
	_ =	sdelay $0x2  }
0x108: {  	v24 =	vor.u32 v1, v24;
	s15 =	sadd.s32 $0xFFFFFF60, s0  }
0x109: {  	v28 =	vor.u32 s15, v1;
	_ =	sdelay $0x1  }
0x10a: {  	v26 =	vmax.f32 v26, v27  }
0x10b: {  	v26 =	vsel vm2, v26, v27  }
0x10c: {  	[tilespmem:v24+s30+$0x0] =	vst.idx.msk $0xffff, v26  }
0x10d: {  	v24 =	vld.idx.msk [tilespmem:v28+s28+$0x0], $0xffff;
	_ =	sdelay $0x2  }
0x10e: {  	v25 =	vor.u32 v1, v25;
	s15 =	sadd.s32 $0xFFFFFF70, s0  }
0x10f: {  	v27 =	vor.u32 s15, v1;
	_ =	sdelay $0x1  }
0x110: {  	v26 =	vmax.f32 v26, v24  }
0x111: {  	v24 =	vsel vm1, v26, v24  }
0x112: {  	[tilespmem:v25+s30+$0x0] =	vst.idx.msk $0xffff, v24  }
0x113: {  	v25 =	vld.idx.msk [tilespmem:v27+s28+$0x0], $0xffff;
	_ =	sdelay $0x2  }
0x114: {  	s15 =	sadd.s32 $0xFFFFFF80, s0;
	v26 =	vor.u32 v1, v32  }
0x115: {  	v27 =	vor.u32 s15, v1;
	_ =	sdelay $0x1  }
0x116: {  	v24 =	vmax.f32 v24, v25  }
0x117: {  	v24 =	vsel vm0, v24, v25  }
0x118: {  	[tilespmem:v26+s30+$0x0] =	vst.idx.msk $0xffff, v24  }
0x119: {  	v25 =	vperm.xlane v18, v8;
	v26 =	vld.idx.msk [tilespmem:v27+s28+$0x0], $0xffff;
	_ =	sdelay $0x1  }
0x11a: {  	v27 =	vshll.u32 v25, $0x4  }
0x11b: {  	s15 =	sadd.s32 $0xFFFFFF90, s0;
	v27 =	vor.u32 v1, v27  }
0x11c: {  	v28 =	vor.u32 s15, v1;
	_ =	sdelay $0x1  }
0x11d: {  	vm0 =	veq.s32 v25, v30;
	v24 =	vmax.f32 v24, v26  }
0x11e: {  	v24 =	vsel vm0, v24, v26  }
0x11f: {  	[tilespmem:v27+s30+$0x0] =	vst.idx.msk $0xffff, v24  }
0x120: {  	v26 =	vperm.xlane v18, v9;
	v27 =	vld.idx.msk [tilespmem:v28+s28+$0x0], $0xffff;
	_ =	sdelay $0x1  }
0x121: {  	vm0 =	veq.s32 v22, v26;
	v28 =	vshll.u32 v26, $0x4  }
0x122: {  	s15 =	sadd.s32 $0xFFFFFFA0, s0;
	v28 =	vor.u32 v1, v28  }
0x123: {  	v29 =	vor.u32 s15, v1;
	_ =	sdelay $0x1  }
0x124: {  	vm1 =	veq.s32 v26, v25;
	v24 =	vmax.f32 v24, v27  }
0x125: {  	v24 =	vsel vm1, v24, v27  }
0x126: {  	[tilespmem:v28+s30+$0x0] =	vst.idx.msk $0xffff, v24  }
0x127: {  	v25 =	vld.idx.msk [tilespmem:v29+s28+$0x0], $0xffff;
	_ =	sdelay $0x2  }
0x128: {  	v23 =	vor.u32 v1, v23;
	s15 =	sadd.s32 $0xFFFFFFB0, s0  }
0x129: {  	v26 =	vor.u32 s15, v1;
	_ =	sdelay $0x1  }
0x12a: {  	v24 =	vmax.f32 v24, v25  }
0x12b: {  	v24 =	vsel vm0, v24, v25  }
0x12c: {  	[tilespmem:v23+s30+$0x0] =	vst.idx.msk $0xffff, v24  }
0x12d: {  	v23 =	vperm.xlane v18, v11;
	v25 =	vld.idx.msk [tilespmem:v26+s28+$0x0], $0xffff;
	_ =	sdelay $0x1  }
0x12e: {  	v26 =	vshll.u32 v23, $0x4  }
0x12f: {  	s15 =	sadd.s32 $0xFFFFFFC0, s0;
	v26 =	vor.u32 v1, v26  }
0x130: {  	v27 =	vor.u32 s15, v1;
	_ =	sdelay $0x1  }
0x131: {  	vm0 =	veq.s32 v23, v22;
	v22 =	vmax.f32 v24, v25  }
0x132: {  	v22 =	vsel vm0, v22, v25  }
0x133: {  	[tilespmem:v26+s30+$0x0] =	vst.idx.msk $0xffff, v22  }
0x134: {  	v24 =	vperm.xlane v18, v12;
	v25 =	vld.idx.msk [tilespmem:v27+s28+$0x0], $0xffff;
	_ =	sdelay $0x1  }
0x135: {  	vm0 =	veq.s32 v20, v24;
	v26 =	vshll.u32 v24, $0x4  }
0x136: {  	s15 =	sadd.s32 $0xFFFFFFD0, s0;
	v26 =	vor.u32 v1, v26  }
0x137: {  	v27 =	vor.u32 s15, v1;
	_ =	sdelay $0x1  }
0x138: {  	vm1 =	veq.s32 v24, v23;
	v22 =	vmax.f32 v22, v25  }
0x139: {  	v22 =	vsel vm1, v22, v25  }
0x13a: {  	[tilespmem:v26+s30+$0x0] =	vst.idx.msk $0xffff, v22  }
0x13b: {  	v23 =	vld.idx.msk [tilespmem:v27+s28+$0x0], $0xffff;
	_ =	sdelay $0x2  }
0x13c: {  	v21 =	vor.u32 v1, v21;
	s15 =	sadd.s32 $0xFFFFFFE0, s0  }
0x13d: {  	v24 =	vor.u32 s15, v1;
	_ =	sdelay $0x1  }
0x13e: {  	v22 =	vmax.f32 v22, v23  }
0x13f: {  	v22 =	vsel vm0, v22, v23  }
0x140: {  	[tilespmem:v21+s30+$0x0] =	vst.idx.msk $0xffff, v22  }
0x141: {  	v21 =	vperm.xlane v18, v14;
	v23 =	vld.idx.msk [tilespmem:v24+s28+$0x0], $0xffff;
	_ =	sdelay $0x1  }
0x142: {  	v24 =	vshll.u32 v21, $0x4  }
0x143: {  	s15 =	sadd.s32 $0xFFFFFFF0, s0;
	v24 =	vor.u32 v1, v24  }
0x144: {  	v25 =	vor.u32 s15, v1;
	_ =	sdelay $0x1  }
0x145: {  	vm0 =	veq.s32 v21, v20;
	v20 =	vmax.f32 v22, v23  }
0x146: {  	v20 =	vsel vm0, v20, v23  }
0x147: {  	[tilespmem:v24+s30+$0x0] =	vst.idx.msk $0xffff, v20  }
0x148: {  	v18 =	vperm.xlane v18, v15;
	v22 =	vld.idx.msk [tilespmem:v25+s28+$0x0], $0xffff;
	_ =	sdelay $0x1  }
0x149: {  	v23 =	vshll.u32 v18, $0x4;
	vm0 =	veq.s32 v17, v18  }
0x14a: {  	v23 =	vor.u32 v1, v23  }
0x14b: {  	v24 =	vor.u32 s0, v1;
	_ =	sdelay $0x1  }
0x14c: {  	vm1 =	veq.s32 v18, v21;
	v18 =	vmax.f32 v20, v22  }
0x14d: {  	v20 =	vsel vm1, v18, v22  }
0x14e: {  	[tilespmem:v23+s30+$0x0] =	vst.idx.msk $0xffff, v20  }
0x14f: {  	v21 =	vld.idx.msk [tilespmem:v24+s28+$0x0], $0xffff;
	_ =	sdelay $0x2  }
.Ltmp2:
0x150: {  	v18 =	vor.u32 v1, v19;
	(pc) =	sbr.rel @p1 .LBB2_6-.Ltmp2, $3  }
0x151: {  	_ =	sdelay $0x1  }
0x152: {  	v19 =	vmax.f32 v20, v21  }
0x153: {  	s15 =	smov.u32 s25;
	s0 =	sshll.u32 s24, $0x4;
	v19 =	vsel vm0, v19, v21  }
0x154: {  	_ =	sdelay $0x3  }
0x155: {  	[tilespmem:v18+s30+$0x0] =	vst.idx.msk $0xffff, v19;
	s1 =	sadd.s32 $0x10, s1  }
0x156: {  	s15 =	sadd.s32 $0xFFFFFF10, s0;
	v18 =	vld [tilespmem:s1+$0x0]  }
0x157: {  	v20 =	vor.u32 s15, v1;
	_ =	sdelay $0x3  }
0x158: {  	v21 =	vperm.xlane v18, v0  }
0x159: {  	v20 =	vld.idx.msk [tilespmem:v20+s28+$0x0], $0xffff  }
0x15a: {  	v22 =	vshll.u32 v21, $0x4  }
0x15b: {  	s25 =	sadd.s32 $0xFFFFFF20, s0;
	v22 =	vor.u32 v1, v22  }
0x15c: {  	v23 =	vor.u32 s25, v1;
	_ =	sdelay $0x1  }
0x15d: {  	vm0 =	veq.s32 v21, v17;
	v17 =	vmax.f32 v19, v20  }
0x15e: {  	v17 =	vsel vm0, v17, v20  }
0x15f: {  	v19 =	vperm.xlane v18, v3;
	[tilespmem:v22+s30+$0x0] =	vst.idx.msk $0xffff, v17  }
0x160: {  	v54 =	vld.idx.msk [tilespmem:v23+s28+$0x0], $0xffff  }
0x161: {  	v55 =	vshll.u32 v19, $0x4  }
0x162: {  	s26 =	sadd.s32 $0xFFFFFF30, s0;
	v22 =	vor.u32 v1, v55  }
0x163: {  	v56 =	vor.u32 s26, v1;
	_ =	sdelay $0x1  }
0x164: {  	vm13 =	veq.s32 v19, v21;
	v17 =	vmax.f32 v17, v54  }
0x165: {  	v17 =	vsel vm13, v17, v54  }
0x166: {  	v57 =	vperm.xlane v18, v4;
	[tilespmem:v22+s30+$0x0] =	vst.idx.msk $0xffff, v17  }
0x167: {  	v58 =	vld.idx.msk [tilespmem:v56+s28+$0x0], $0xffff  }
0x168: {  	v59 =	vshll.u32 v57, $0x4  }
0x169: {  	s15 =	sadd.s32 $0xFFFFFF40, s0;
	v22 =	vor.u32 v1, v59  }
0x16a: {  	v60 =	vor.u32 s15, v1;
	_ =	sdelay $0x1  }
0x16b: {  	vm14 =	veq.s32 v57, v19;
	v17 =	vmax.f32 v17, v58  }
0x16c: {  	v17 =	vsel vm14, v17, v58  }
0x16d: {  	v19 =	vperm.xlane v18, v5;
	[tilespmem:v22+s30+$0x0] =	vst.idx.msk $0xffff, v17  }
0x16e: {  	v61 =	vld.idx.msk [tilespmem:v60+s28+$0x0], $0xffff  }
0x16f: {  	v62 =	vshll.u32 v19, $0x4  }
0x170: {  	s24 =	sadd.s32 $0xFFFFFF50, s0;
	v22 =	vor.u32 v1, v62  }
0x171: {  	v63 =	vor.u32 s24, v1;
	_ =	sdelay $0x1  }
0x172: {  	vm15 =	veq.s32 v19, v57;
	v17 =	vmax.f32 v17, v61  }
0x173: {  	v17 =	vsel vm15, v17, v61  }
0x174: {  	v24 =	vperm.xlane v18, v2;
	[tilespmem:v22+s30+$0x0] =	vst.idx.msk $0xffff, v17  }
0x175: {  	v25 =	vld.idx.msk [tilespmem:v63+s28+$0x0], $0xffff  }
0x176: {  	v26 =	vshll.u32 v24, $0x4  }
0x177: {  	s25 =	sadd.s32 $0xFFFFFF60, s0;
	v22 =	vor.u32 v1, v26  }
0x178: {  	v27 =	vor.u32 s25, v1;
	_ =	sdelay $0x1  }
0x179: {  	vm4 =	veq.s32 v24, v19;
	v17 =	vmax.f32 v17, v25  }
0x17a: {  	v17 =	vsel vm4, v17, v25  }
0x17b: {  	v19 =	vperm.xlane v18, v6;
	[tilespmem:v22+s30+$0x0] =	vst.idx.msk $0xffff, v17  }
0x17c: {  	v28 =	vld.idx.msk [tilespmem:v27+s28+$0x0], $0xffff  }
0x17d: {  	v29 =	vshll.u32 v19, $0x4  }
0x17e: {  	s26 =	sadd.s32 $0xFFFFFF70, s0;
	v22 =	vor.u32 v1, v29  }
0x17f: {  	v30 =	vor.u32 s26, v1;
	_ =	sdelay $0x1  }
0x180: {  	vm5 =	veq.s32 v19, v24;
	v17 =	vmax.f32 v17, v28  }
0x181: {  	v17 =	vsel vm5, v17, v28  }
0x182: {  	v31 =	vperm.xlane v18, v7;
	[tilespmem:v22+s30+$0x0] =	vst.idx.msk $0xffff, v17  }
0x183: {  	v32 =	vld.idx.msk [tilespmem:v30+s28+$0x0], $0xffff  }
0x184: {  	v33 =	vshll.u32 v31, $0x4  }
0x185: {  	s15 =	sadd.s32 $0xFFFFFF80, s0;
	v22 =	vor.u32 v1, v33  }
0x186: {  	v34 =	vor.u32 s15, v1;
	_ =	sdelay $0x1  }
0x187: {  	vm6 =	veq.s32 v31, v19;
	v17 =	vmax.f32 v17, v32  }
0x188: {  	v17 =	vsel vm6, v17, v32  }
0x189: {  	v19 =	vperm.xlane v18, v8;
	[tilespmem:v22+s30+$0x0] =	vst.idx.msk $0xffff, v17  }
0x18a: {  	v35 =	vld.idx.msk [tilespmem:v34+s28+$0x0], $0xffff  }
0x18b: {  	v36 =	vshll.u32 v19, $0x4  }
0x18c: {  	s24 =	sadd.s32 $0xFFFFFF90, s0;
	v22 =	vor.u32 v1, v36  }
0x18d: {  	v37 =	vor.u32 s24, v1;
	_ =	sdelay $0x1  }
0x18e: {  	vm7 =	veq.s32 v19, v31;
	v17 =	vmax.f32 v17, v35  }
0x18f: {  	v17 =	vsel vm7, v17, v35  }
0x190: {  	v38 =	vperm.xlane v18, v9;
	[tilespmem:v22+s30+$0x0] =	vst.idx.msk $0xffff, v17  }
0x191: {  	v39 =	vld.idx.msk [tilespmem:v37+s28+$0x0], $0xffff  }
0x192: {  	v40 =	vshll.u32 v38, $0x4  }
0x193: {  	s25 =	sadd.s32 $0xFFFFFFA0, s0;
	v22 =	vor.u32 v1, v40  }
0x194: {  	v41 =	vor.u32 s25, v1;
	_ =	sdelay $0x1  }
0x195: {  	vm8 =	veq.s32 v38, v19;
	v17 =	vmax.f32 v17, v39  }
0x196: {  	v17 =	vsel vm8, v17, v39  }
0x197: {  	v19 =	vperm.xlane v18, v10;
	[tilespmem:v22+s30+$0x0] =	vst.idx.msk $0xffff, v17  }
0x198: {  	v42 =	vld.idx.msk [tilespmem:v41+s28+$0x0], $0xffff  }
0x199: {  	v43 =	vshll.u32 v19, $0x4  }
0x19a: {  	s26 =	sadd.s32 $0xFFFFFFB0, s0;
	v22 =	vor.u32 v1, v43  }
0x19b: {  	v44 =	vor.u32 s26, v1;
	_ =	sdelay $0x1  }
0x19c: {  	vm9 =	veq.s32 v19, v38;
	v17 =	vmax.f32 v17, v42  }
0x19d: {  	v17 =	vsel vm9, v17, v42  }
0x19e: {  	v45 =	vperm.xlane v18, v11;
	[tilespmem:v22+s30+$0x0] =	vst.idx.msk $0xffff, v17  }
0x19f: {  	v46 =	vld.idx.msk [tilespmem:v44+s28+$0x0], $0xffff  }
0x1a0: {  	v47 =	vshll.u32 v45, $0x4  }
0x1a1: {  	s15 =	sadd.s32 $0xFFFFFFC0, s0;
	v22 =	vor.u32 v1, v47  }
0x1a2: {  	v48 =	vor.u32 s15, v1;
	_ =	sdelay $0x1  }
0x1a3: {  	vm10 =	veq.s32 v45, v19;
	v17 =	vmax.f32 v17, v46  }
0x1a4: {  	v17 =	vsel vm10, v17, v46  }
0x1a5: {  	v19 =	vperm.xlane v18, v12;
	[tilespmem:v22+s30+$0x0] =	vst.idx.msk $0xffff, v17  }
0x1a6: {  	v49 =	vld.idx.msk [tilespmem:v48+s28+$0x0], $0xffff  }
0x1a7: {  	v50 =	vshll.u32 v19, $0x4  }
0x1a8: {  	s24 =	sadd.s32 $0xFFFFFFD0, s0;
	v22 =	vor.u32 v1, v50  }
0x1a9: {  	v51 =	vor.u32 s24, v1;
	_ =	sdelay $0x1  }
0x1aa: {  	vm11 =	veq.s32 v19, v45;
	v17 =	vmax.f32 v17, v49  }
0x1ab: {  	v17 =	vsel vm11, v17, v49  }
0x1ac: {  	v52 =	vperm.xlane v18, v13;
	[tilespmem:v22+s30+$0x0] =	vst.idx.msk $0xffff, v17  }
0x1ad: {  	v53 =	vld.idx.msk [tilespmem:v51+s28+$0x0], $0xffff  }
0x1ae: {  	v54 =	vshll.u32 v52, $0x4  }
0x1af: {  	s25 =	sadd.s32 $0xFFFFFFE0, s0;
	v22 =	vor.u32 v1, v54  }
0x1b0: {  	v55 =	vor.u32 s25, v1;
	_ =	sdelay $0x1  }
0x1b1: {  	vm12 =	veq.s32 v52, v19;
	v17 =	vmax.f32 v17, v53  }
0x1b2: {  	v17 =	vsel vm12, v17, v53  }
0x1b3: {  	v19 =	vperm.xlane v18, v14;
	[tilespmem:v22+s30+$0x0] =	vst.idx.msk $0xffff, v17  }
0x1b4: {  	v56 =	vld.idx.msk [tilespmem:v55+s28+$0x0], $0xffff  }
0x1b5: {  	v57 =	vshll.u32 v19, $0x4  }
0x1b6: {  	s26 =	sadd.s32 $0xFFFFFFF0, s0;
	v22 =	vor.u32 v1, v57  }
0x1b7: {  	v58 =	vor.u32 s26, v1;
	_ =	sdelay $0x1  }
0x1b8: {  	vm13 =	veq.s32 v19, v52;
	v17 =	vmax.f32 v17, v56  }
0x1b9: {  	v17 =	vsel vm13, v17, v56  }
0x1ba: {  	v59 =	vperm.xlane v18, v15;
	[tilespmem:v22+s30+$0x0] =	vst.idx.msk $0xffff, v17  }
0x1bb: {  	v60 =	vld.idx.msk [tilespmem:v58+s28+$0x0], $0xffff  }
0x1bc: {  	v61 =	vshll.u32 v59, $0x4  }
0x1bd: {  	v22 =	vor.u32 v1, v61  }
0x1be: {  	v62 =	vor.u32 s0, v1;
	_ =	sdelay $0x1  }
0x1bf: {  	vm14 =	veq.s32 v59, v19;
	v17 =	vmax.f32 v17, v60  }
0x1c0: {  	v17 =	vsel vm14, v17, v60  }
0x1c1: {  	v18 =	vperm.xlane v18, v16;
	[tilespmem:v22+s30+$0x0] =	vst.idx.msk $0xffff, v17  }
0x1c2: {  	v19 =	vld.idx.msk [tilespmem:v62+s28+$0x0], $0xffff  }
0x1c3: {  	v63 =	vshll.u32 v18, $0x4  }
0x1c4: {  	v21 =	vor.u32 v1, v63;
	_ =	sdelay $0x2  }
0x1c5: {  	vm15 =	veq.s32 v18, v59;
	v17 =	vmax.f32 v17, v19  }
0x1c6: {  	v17 =	vsel vm15, v17, v19  }
0x1c7: {  	[tilespmem:v21+s30+$0x0] =	vst.idx.msk $0xffff, v17  }
0x1c8: {  	[hbm4b:s10+s3] =	stream.linear.scatter [tilespmem:s30], [sflag:$0x3], $0x800, $0x38;
	[tilespmem:$0x149C0] =	vst v63  }
0x1c9: {  	_ =	swait.ge [sflag:s14], $0x800  }
0x1ca: {  	[sflag:s14] =	ssyncset.done $0x0  }
0x1cb: {  	[sflag:s14] =	ssyncadd.s32 $0xFFFFF800  }
0x1cc: {  	[bflag:$0x0] =	sbarrier.arrive $0xFFFF  }
0x1cd: {  	[hbm:s11], [sflag:s16] =	dma.local [spmem:s17], $0x1380  }
0x1ce: {  	s31 =	sadd.s32 $0x1, s31;
	_ =	swait.ge [sflag:s14], $0x1380  }
0x1cf: {  	p1 =	sne.s32 s31, s13;
	[sflag:s14] =	ssyncset.done $0x0  }
.Ltmp3:
0x1d0: {  	s0 =	simm.s32 @!p0 $0x3;
	[sflag:s14] =	ssyncadd.s32 $0xFFFFEC80;
	(pc) =	sbr.rel @p1 .LBB2_1-.Ltmp3, $4  }
0x1d1: {  	[hbm:s12], [sflag:s16] =	dma.local @!p0 [spmem:s18], $0x80  }
0x1d2: {  	_ =	swait.ge @!p0 [sflag:s0], $0x80  }
0x1d3: {  	[sflag:s0] =	ssyncset.done @!p0 $0x0  }
0x1d4: {  	[sflag:s0] =	ssyncadd.s32 @!p0 $0xFFFFFF80  }
0x1d5: {  	_ =	sfence.sel $0x180000  }
0x1d6: {  	[bflag:$0x0] =	sbarrier.arrive $0xFFFF  }
0x1d7: {  	_ =	strace $0x90000047  }
0x1d8: {  	s0 =	stileid.u32;
	[bflag:$0x2] =	sbarrier.arrive $0xFFFF  }
0x1d9: {  	p0 =	sne.s32 s0, $0x0;
	s0 =	rddreg [dreg:$0x2]  }
0x1da: {  	s0 =	sadd.s32 @!p0 $0x100000, s0  }
0x1db: {  	[sflag:s0] =	ssyncadd.tile.s32 @!p0 $0x1;
	_ =	shalt  }
.Lfunc_end2:
_tile_overlayer_lowered:
.L_overlay_start_2:
0x1dc: {  	(tag) =	ssettag $0x2  }
0x1dd: {  	s0 =	rddreg [dreg:$0x0];
	s2 =	stileid.u32  }
0x1de: {  	s1 =	rddreg [dreg:$0x1];
	p0 =	sne.s32 s2, $0x0  }
0x1df: {  	s3 =	rddreg [dreg:$0x2];
	[bflag:$0x3] =	sbarrier.arrive $0xFFFF;
	s2 =	simm.s32 @!p0 $0x1C03  }
0x1e0: {  	[timem:s3], [sflag:s2] =	dma.local @!p0 [hbm:s0], s1  }
0x1e1: {  	s0 =	simm.s32 @!p0 $0x3  }
0x1e2: {  	_ =	swait.ge @!p0 [sflag:s0], s1  }
0x1e3: {  	s1 =	ssub.s32 @!p0 $0x0, s1;
	[sflag:s0] =	ssyncset.done @!p0 $0x0  }
0x1e4: {  	[sflag:s0] =	ssyncadd.s32 @!p0 s1  }
0x1e5: {  	[bflag:$0x3] =	sbarrier.arrive $0xFFFF  }
0x1e6: {  	_ =	shalt  }

// kernel: scatter_offload_async_start
scs
__scs_entry_jumppad:
0x0: {  	(pc) =	sbr.rel $0x88, $3  }
0x1: {  	(tag) =	ssettag $0x0;
	lr =	simm.s32 $0x1  }
0x2: {  	[smem:$0x3F89] =	sst lr;
	_ =	strace $0xD0000000  }
0x3: {  	_ = 	snop  }
0x4: {  	_ = 	snop  }
0x5: {  	_ = 	snop  }
0x6: {  	_ = 	snop  }
0x7: {  	_ = 	snop  }
__scs_overlays_trampoline_lowered:
0x8: {  	[smem:$0x3F98] =	sst s0  }
0x9: {  	[smem:$0x3F99] =	sst s1  }
0xa: {  	[smem:$0x3F9A] =	sst s2  }
0xb: {  	[smem:$0x3F9B] =	sst s3  }
0xc: {  	[smem:$0x3F9C] =	sst s4  }
0xd: {  	[smem:$0x3F9D] =	sst s5  }
0xe: {  	[smem:$0x3F9E] =	sst s6  }
0xf: {  	[smem:$0x3F9F] =	sst s7  }
0x10: {  	[smem:$0x3FA0] =	sst s8  }
0x11: {  	[smem:$0x3FA1] =	sst s9;
	s0 =	simm.s32 @!p0 $0x0  }
0x12: {  	s1 =	sld [smem:$0x3F87];
	s0 =	simm.s32 @p0 $0x1  }
0x13: {  	[smem:$0x3FA2] =	sst s0;
	s0 =	simm.s32 @!p1 $0x0  }
0x14: {  	s2 =	sld [smem:$0x3F86];
	s0 =	simm.s32 @p1 $0x1  }
0x15: {  	[smem:$0x3FA3] =	sst s0;
	s0 =	simm.s32 @!p2 $0x0  }
0x16: {  	s3 =	sld [smem:$0x3FDB];
	s0 =	simm.s32 @p2 $0x1  }
0x17: {  	s4 =	simm.s32 $0x1BF5;
	[smem:$0x3FA5] =	sst s0  }
0x18: {  	s0 =	sld [smem:$0x3F88];
	_ =	swait.ge [sflag:s4], $0x0  }
0x19: {  	s7 =	sld [smem:$0x3F89]  }
0x1a: {  	s8 =	sadd.s32 $0xFFFFE003, lr  }
0x1b: {  	s9 =	sadd.s32 $0xFFFFFEF7, lr;
	s5 =	simm.s32 $0xFFFFFFFF;
	p2 =	slt.u32 s8, $0xFFFFF086  }
0x1c: {  	p1 =	slt.u32 s9, $0xF7A;
	s5 =	simm.s32 @!p2 $0x0  }
0x1d: {  	s5 =	simm.s32 @p1 $0x1;
	p0 =	seq.s32 s7, s2  }
0x1e: {  	s7 =	smul.u32 @!p0 $0xF7A, s2;
	p2 =	seq.s32 @!p0 s5, $0x0  }
0x1f: {  	s9 =	smul.u32 $0xF7A, s1;
	s8 =	simm.s32 @!p0 $0x1BF5;
	p2 =	por !p2, p0  }
0x20: {  	[sflag:s8] =	ssyncset.s32 @!p0 $0xFFFFF086;
	s6 =	sadd.s32 @!p0 s3, s7;
	s7 =	simm.s32 @!p0 $0x108  }
0x21: {  	s3 =	sadd.s32 s3, s9;
	s6 =	sadd.s32 @!p0 $0x88, s6;
	s7 =	simm.s32 @p2 $0x1082  }
0x22: {  	[simem:s7], [sflag:s8] =	dma.local @!p0 [hbm:s6], $0xF7A  }
0x23: {  	s9 =	sor.u32 $0xD0000000, s2;
	s6 =	simm.s32 $0x108;
	_ =	swait.ge @!p0 [sflag:s8], $0x0  }
0x24: {  	s3 =	sadd.s32 $0x88, s3;
	s6 =	simm.s32 @!p1 $0x1082;
	[sflag:s4] =	ssyncset.s32 $0xFFFFF086  }
0x25: {  	[simem:s6], [sflag:s4] =	dma.local [hbm:s3], $0xF7A  }
0x26: {  	[smem:$0x3F89] =	sst s1;
	(tag) =	ssettag s2;
	_ =	strace s9  }
0x27: {  	s1 =	sld [smem:$0x3F99]  }
0x28: {  	s2 =	sld [smem:$0x3F9A]  }
0x29: {  	s4 =	sld [smem:$0x3F9C]  }
0x2a: {  	p0 =	seq.s32 s5, $0x0;
	s5 =	sld [smem:$0x3F9D]  }
0x2b: {  	s6 =	sld [smem:$0x3F9E]  }
0x2c: {  	s7 =	sld [smem:$0x3F9F]  }
0x2d: {  	s3 =	simm.s32 $0x108;
	s8 =	sld [smem:$0x3FA0]  }
0x2e: {  	s3 =	simm.s32 @!p0 $0x1082;
	s9 =	sld [smem:$0x3FA1]  }
0x2f: {  	lr =	sadd.s32 s0, s3;
	s0 =	sld [smem:$0x3F98]  }
0x30: {  	s3 =	sld [smem:$0x3F9B]  }
0x31: {  	[smem:$0x3FA4] =	sst s10  }
0x32: {  	s10 =	sld [smem:$0x3FA2];
	_ =	sdelay $0x3  }
0x33: {  	p0 =	seq.s32 s10, $0x1;
	s10 =	sld [smem:$0x3FA4];
	_ =	sdelay $0x3  }
0x34: {  	[smem:$0x3FA4] =	sst s10  }
0x35: {  	s10 =	sld [smem:$0x3FA3];
	_ =	sdelay $0x3  }
0x36: {  	p1 =	seq.s32 s10, $0x1;
	s10 =	sld [smem:$0x3FA4];
	_ =	sdelay $0x3  }
0x37: {  	[smem:$0x3FA4] =	sst s10  }
0x38: {  	s10 =	sld [smem:$0x3FA5]  }
0x39: {  	_ = 	snop;
	(pc) =	sbr.ind lr, $3  }
0x3a: {  	_ = 	snop  }
0x3b: {  	_ = 	snop  }
0x3c: {  	p2 =	seq.s32 s10, $0x1;
	s10 =	sld [smem:$0x3FA4]  }
0x3d: {  	_ =	shalt  }
0x3e: {  	_ =	shalt  }
0x3f: {  	_ =	shalt  }
0x40: {  	_ =	shalt  }
0x41: {  	_ =	shalt  }
0x42: {  	_ =	shalt  }
0x43: {  	_ =	shalt  }
0x44: {  	_ =	shalt  }
0x45: {  	_ =	shalt  }
0x46: {  	_ =	shalt  }
0x47: {  	_ =	shalt  }
0x48: {  	_ =	shalt  }
0x49: {  	_ =	shalt  }
0x4a: {  	_ =	shalt  }
0x4b: {  	_ =	shalt  }
0x4c: {  	_ =	shalt  }
0x4d: {  	_ =	shalt  }
0x4e: {  	_ =	shalt  }
0x4f: {  	_ =	shalt  }
0x50: {  	_ =	shalt  }
0x51: {  	_ =	shalt  }
0x52: {  	_ =	shalt  }
0x53: {  	_ =	shalt  }
0x54: {  	_ =	shalt  }
0x55: {  	_ =	shalt  }
0x56: {  	_ =	shalt  }
0x57: {  	_ =	shalt  }
0x58: {  	_ =	shalt  }
0x59: {  	_ =	shalt  }
0x5a: {  	_ =	shalt  }
0x5b: {  	_ =	shalt  }
0x5c: {  	_ =	shalt  }
0x5d: {  	_ =	shalt  }
0x5e: {  	_ =	shalt  }
0x5f: {  	_ =	shalt  }
0x60: {  	_ =	shalt  }
0x61: {  	_ =	shalt  }
0x62: {  	_ =	shalt  }
0x63: {  	_ =	shalt  }
0x64: {  	_ =	shalt  }
0x65: {  	_ =	shalt  }
0x66: {  	_ =	shalt  }
0x67: {  	_ =	shalt  }
0x68: {  	_ =	shalt  }
0x69: {  	_ =	shalt  }
0x6a: {  	_ =	shalt  }
0x6b: {  	_ =	shalt  }
0x6c: {  	_ =	shalt  }
0x6d: {  	_ =	shalt  }
0x6e: {  	_ =	shalt  }
0x6f: {  	_ =	shalt  }
0x70: {  	_ =	shalt  }
0x71: {  	_ =	shalt  }
0x72: {  	_ =	shalt  }
0x73: {  	_ =	shalt  }
0x74: {  	_ =	shalt  }
0x75: {  	_ =	shalt  }
0x76: {  	_ =	shalt  }
0x77: {  	_ =	shalt  }
0x78: {  	_ =	shalt  }
0x79: {  	_ =	shalt  }
0x7a: {  	_ =	shalt  }
0x7b: {  	_ =	shalt  }
0x7c: {  	_ =	shalt  }
0x7d: {  	_ =	shalt  }
0x7e: {  	_ =	shalt  }
0x7f: {  	_ =	shalt  }
0x80: {  	_ =	shalt  }
0x81: {  	_ =	shalt  }
0x82: {  	_ =	shalt  }
0x83: {  	_ =	shalt  }
0x84: {  	_ =	shalt  }
0x85: {  	_ =	shalt  }
0x86: {  	_ =	shalt  }
0x87: {  	_ =	shalt  }
.Lfunc_end0:
.L_simem_size_0:
called_computation_lowered:
.L_overlay_start_0:
0x88: {  	s0 =	sld [smem:$0x3FD9]  }
0x89: {  	s1 =	sld [smem:$0x3FFE];
	_ =	sdelay $0x3  }
0x8a: {  	s0 =	sadd.s32 s1, s0  }
0x8b: {  	[smem:$0x3FB0] =	sst s0  }
0x8c: {  	_ = 	snop  }
0x8d: {  	(tm) =	ssettm $0x1  }
0x8e: {  	s15 =	sld [smem:$0x3FFB];
	_ =	sdelay $0x3  }
0x8f: {  	_ =	strace s15  }
0x90: {  	s0 =	sld [smem:$0x3FFC];
	_ =	sdelay $0x3  }
0x91: {  	_ =	strace s0  }
0x92: {  	s0 =	sld [smem:$0x3FFD];
	_ =	sdelay $0x3  }
0x93: {  	_ =	strace s0  }
0x94: {  	_ =	strace $0x8FFFFFFF  }
0x95: {  	s16 =	sld [smem:$0x3FDB];
	_ =	sdelay $0x1  }
0x96: {  	s17 =	simm.s32 $_scs_section_size  }
0x97: {  	s2 =	simm.s32 $_size__tile_overlayer_lowered;
	s3 =	simm.s32 $_tile_overlayer_lowered  }
0x98: {  	s20 =	simm.s32 $0x1BFF;
	s19 =	sshll.u32 s3, $0x1;
	s0 =	sadd.s32 s17, s16  }
0x99: {  	s4 =	simm.s32 $0x0;
	s18 =	sshll.u32 s2, $0x1;
	s2 =	sadd.s32 s19, s0  }
0x9a: {  	[timem:s4], [sflag:s20] =	dma.local [hbm:s2], s18  }
0x9b: {  	_ =	swait.ge [sflag:s20], s18  }
0x9c: {  	s1 =	ssub.s32 $0x0, s18;
	[sflag:s20] =	ssyncset.done $0x0  }
0x9d: {  	[sflag:s20] =	ssyncadd.s32 s1;
	_ =	sdelay $0x1  }
0x9e: {  	s21 =	simm.s32 $0x1B8B  }
0x9f: {  	_ =	swait.ge [sflag:s21], $0x1  }
0xa0: {  	[sflag:s21] =	ssyncset.done $0x0  }
0xa1: {  	s23 =	simm.s32 $0x1B8E;
	s22 =	sld [smem:$0x3FFE];
	[sflag:s21] =	ssyncadd.s32 $0xFFFFFFFF  }
0xa2: {  	s24 =	simm.s32 $execute0_lowered;
	[smem:$0x3FD2] =	sst s23  }
0xa3: {  	s2 =	sshll.u32 s24, $0x1;
	_ =	strace $0x8000004C;
	[dreg:$0x1] =	wrdreg $0xFFFFFFFF  }
0xa4: {  	s25 =	simm.s32 $_size_execute0_lowered;
	s0 =	sadd.s32 s0, s2;
	[dreg:$0x0] =	wrdreg $0x0  }
0xa5: {  	s2 =	sshll.u32 s25, $0x1;
	[dreg:$0x2] =	wrdreg s0  }
0xa6: {  	[dreg:$0x3] =	wrdreg s2  }
0xa7: {  	[dreg:$0x4] =	wrdreg $0xC0  }
0xa8: {  	_ =	task [dreg:s4], $0x5FFFF  }
0xa9: {  	[dreg:$0x1] =	wrdreg $0xFFFFFFFF  }
0xaa: {  	[dreg:$0x0] =	wrdreg $0x60  }
0xab: {  	[dreg:$0x2] =	wrdreg s22  }
0xac: {  	[dreg:$0x3] =	wrdreg $0x9  }
0xad: {  	_ =	task.clear_ibuf [dreg:s4], $0x4FFFF;
	_ =	strace $0x9000004C  }
0xae: {  	s26 =	simm.s32 $0x9;
	_ =	strace $0x8000004E  }
0xaf: {  	_ =	swait.ge [sflag:s26], $0x1  }
0xb0: {  	[sflag:s26] =	ssyncadd.s32 $0xFFFFFFFF  }
0xb1: {  	_ =	strace $0x9000004E  }
0xb2: {  	_ =	sfence  }
0xb3: {  	s28 =	sld [smem:$0x0];
	_ =	sdelay $0x1  }
0xb4: {  	s29 =	srdreg.scid  }
0xb5: {  	s30 =	sshll.u32 s29, $0xD;
	s31 =	sshrl.u32 s29, $0x2  }
0xb6: {  	s1 =	sand.u32 $0x1, s29;
	s2 =	sand.u32 $0x4000, s30;
	s0 =	sadd.s32 s31, s28  }
0xb7: {  	s1 =	sor.u32 s2, s1;
	s0 =	sshll.u32 s0, $0x11  }
0xb8: {  	s0 =	sor.u32 s0, s1  }
0xb9: {  	s0 =	sadd.s32 $0x8F2B, s0  }
0xba: {  	[sflag:s0] =	ssyncadd.remote.s32 $0x1  }
0xbb: {  	_ =	sfence.sel $0xFFFF  }
0xbc: {  	[dreg:$0x0] =	wrdreg $0xFFFFFFFF;
	(pc) =	sbr.abs _section_cstart, $3  }
0xbd: {  	[dreg:$0x1] =	wrdreg $0xFFFFFFFF  }
0xbe: {  	_ =	task.clear_ibuf [dreg:s4], $0x2FFFF;
	_ =	strace $0x9FFFFFFF  }
0xbf: {  	(tm) =	ssettm $0x7FFFFFFF  }
tec
execute0_lowered:
.L_overlay_start_1:
0x0: {  	(tag) =	ssettag $0x1  }
0x1: {  	s1 =	rddreg [dreg:$0x0];
	_ =	strace $0x8000004D;
	s11 =	simm.s32 $0x1  }
0x2: {  	v0 =	vimm.s32 $0x0;
	[sflag:s11] =	ssyncpa.u1 $0x0  }
0x3: {  	[tilespmem:$0x28] =	vst v0  }
0x4: {  	[tilespmem:$0x38] =	vst v0  }
0x5: {  	[tilespmem:$0x48] =	vst v0  }
0x6: {  	[tilespmem:$0x58] =	vst v0  }
0x7: {  	[tilespmem:$0x68] =	vst v0  }
0x8: {  	[tilespmem:$0x78] =	vst v0  }
0x9: {  	[tilespmem:$0x88] =	vst v0  }
0xa: {  	[tilespmem:$0x98] =	vst v0  }
0xb: {  	[tilespmem:$0xA8] =	vst v0  }
0xc: {  	[tilespmem:$0xB8] =	vst v0  }
0xd: {  	[tilespmem:$0xC8] =	vst v0  }
0xe: {  	[tilespmem:$0xD8] =	vst v0  }
0xf: {  	[tilespmem:$0xE8] =	vst v0  }
0x10: {  	[tilespmem:$0xF8] =	vst v0  }
0x11: {  	[tilespmem:$0x108] =	vst v0  }
0x12: {  	[tilespmem:$0x118] =	vst v0  }
0x13: {  	[tilespmem:$0x128] =	vst v0  }
0x14: {  	[tilespmem:$0x138] =	vst v0  }
0x15: {  	[tilespmem:$0x148] =	vst v0  }
0x16: {  	[tilespmem:$0x158] =	vst v0  }
0x17: {  	[tilespmem:$0x168] =	vst v0  }
0x18: {  	[tilespmem:$0x178] =	vst v0  }
0x19: {  	[tilespmem:$0x188] =	vst v0  }
0x1a: {  	[tilespmem:$0x198] =	vst v0  }
0x1b: {  	[tilespmem:$0x1A8] =	vst v0  }
0x1c: {  	[tilespmem:$0x1B8] =	vst v0  }
0x1d: {  	[tilespmem:$0x1C8] =	vst v0  }
0x1e: {  	[tilespmem:$0x1D8] =	vst v0  }
0x1f: {  	[tilespmem:$0x1E8] =	vst v0  }
0x20: {  	[tilespmem:$0x1F8] =	vst v0  }
0x21: {  	[tilespmem:$0x208] =	vst v0  }
0x22: {  	[tilespmem:$0x218] =	vst v0  }
0x23: {  	[tilespmem:$0x228] =	vst v0  }
0x24: {  	[tilespmem:$0x238] =	vst v0  }
0x25: {  	[tilespmem:$0x248] =	vst v0  }
0x26: {  	[tilespmem:$0x258] =	vst v0  }
0x27: {  	[tilespmem:$0x268] =	vst v0  }
0x28: {  	[tilespmem:$0x278] =	vst v0  }
0x29: {  	[tilespmem:$0x288] =	vst v0  }
0x2a: {  	[tilespmem:$0x298] =	vst v0  }
0x2b: {  	[tilespmem:$0x2A8] =	vst v0  }
0x2c: {  	[tilespmem:$0x2B8] =	vst v0  }
0x2d: {  	[tilespmem:$0x2C8] =	vst v0  }
0x2e: {  	[tilespmem:$0x2D8] =	vst v0  }
0x2f: {  	[tilespmem:$0x2E8] =	vst v0  }
0x30: {  	[tilespmem:$0x2F8] =	vst v0  }
0x31: {  	[tilespmem:$0x308] =	vst v0  }
0x32: {  	[tilespmem:$0x318] =	vst v0  }
0x33: {  	[tilespmem:$0x328] =	vst v0  }
0x34: {  	[tilespmem:$0x338] =	vst v0  }
0x35: {  	[tilespmem:$0x348] =	vst v0  }
0x36: {  	[tilespmem:$0x358] =	vst v0  }
0x37: {  	[tilespmem:$0x368] =	vst v0  }
0x38: {  	[tilespmem:$0x378] =	vst v0  }
0x39: {  	[tilespmem:$0x388] =	vst v0  }
0x3a: {  	[tilespmem:$0x398] =	vst v0  }
0x3b: {  	[tilespmem:$0x3A8] =	vst v0  }
0x3c: {  	[tilespmem:$0x3B8] =	vst v0  }
0x3d: {  	[tilespmem:$0x3C8] =	vst v0  }
0x3e: {  	[tilespmem:$0x3D8] =	vst v0  }
0x3f: {  	[tilespmem:$0x3E8] =	vst v0  }
0x40: {  	[tilespmem:$0x3F8] =	vst v0  }
0x41: {  	[tilespmem:$0x408] =	vst v0  }
0x42: {  	[tilespmem:$0x418] =	vst v0  }
0x43: {  	[tilespmem:$0x428] =	vst v0  }
0x44: {  	[tilespmem:$0x438] =	vst v0  }
0x45: {  	[tilespmem:$0x448] =	vst v0  }
0x46: {  	[tilespmem:$0x458] =	vst v0  }
0x47: {  	[tilespmem:$0x468] =	vst v0  }
0x48: {  	[tilespmem:$0x478] =	vst v0  }
0x49: {  	[tilespmem:$0x488] =	vst v0  }
0x4a: {  	[tilespmem:$0x498] =	vst v0  }
0x4b: {  	[tilespmem:$0x4A8] =	vst v0  }
0x4c: {  	[tilespmem:$0x4B8] =	vst v0  }
0x4d: {  	[tilespmem:$0x4C8] =	vst v0  }
0x4e: {  	[tilespmem:$0x4D8] =	vst v0  }
0x4f: {  	[tilespmem:$0x4E8] =	vst v0  }
0x50: {  	[tilespmem:$0x4F8] =	vst v0  }
0x51: {  	[tilespmem:$0x508] =	vst v0  }
0x52: {  	[tilespmem:$0x518] =	vst v0  }
0x53: {  	[tilespmem:$0x528] =	vst v0  }
0x54: {  	[tilespmem:$0x538] =	vst v0  }
0x55: {  	[tilespmem:$0x548] =	vst v0  }
0x56: {  	[tilespmem:$0x558] =	vst v0  }
0x57: {  	[tilespmem:$0x568] =	vst v0  }
0x58: {  	[tilespmem:$0x578] =	vst v0  }
0x59: {  	[tilespmem:$0x588] =	vst v0  }
0x5a: {  	[tilespmem:$0x598] =	vst v0  }
0x5b: {  	[tilespmem:$0x5A8] =	vst v0  }
0x5c: {  	[tilespmem:$0x5B8] =	vst v0  }
0x5d: {  	[tilespmem:$0x5C8] =	vst v0  }
0x5e: {  	[tilespmem:$0x5D8] =	vst v0  }
0x5f: {  	[tilespmem:$0x5E8] =	vst v0  }
0x60: {  	[tilespmem:$0x5F8] =	vst v0  }
0x61: {  	[tilespmem:$0x608] =	vst v0  }
0x62: {  	[tilespmem:$0x618] =	vst v0  }
0x63: {  	[tilespmem:$0x628] =	vst v0  }
0x64: {  	[tilespmem:$0x638] =	vst v0  }
0x65: {  	[tilespmem:$0x648] =	vst v0  }
0x66: {  	[tilespmem:$0x658] =	vst v0  }
0x67: {  	[tilespmem:$0x668] =	vst v0  }
0x68: {  	[tilespmem:$0x678] =	vst v0  }
0x69: {  	[tilespmem:$0x688] =	vst v0  }
0x6a: {  	[tilespmem:$0x698] =	vst v0  }
0x6b: {  	[tilespmem:$0x6A8] =	vst v0  }
0x6c: {  	[tilespmem:$0x6B8] =	vst v0  }
0x6d: {  	[tilespmem:$0x6C8] =	vst v0  }
0x6e: {  	[tilespmem:$0x6D8] =	vst v0  }
0x6f: {  	[tilespmem:$0x6E8] =	vst v0  }
0x70: {  	[tilespmem:$0x6F8] =	vst v0  }
0x71: {  	[tilespmem:$0x708] =	vst v0  }
0x72: {  	[tilespmem:$0x718] =	vst v0  }
0x73: {  	[tilespmem:$0x728] =	vst v0  }
0x74: {  	[tilespmem:$0x738] =	vst v0  }
0x75: {  	[tilespmem:$0x748] =	vst v0  }
0x76: {  	[tilespmem:$0x758] =	vst v0  }
0x77: {  	[tilespmem:$0x768] =	vst v0  }
0x78: {  	[tilespmem:$0x778] =	vst v0  }
0x79: {  	[tilespmem:$0x788] =	vst v0  }
0x7a: {  	[tilespmem:$0x798] =	vst v0  }
0x7b: {  	[tilespmem:$0x7A8] =	vst v0  }
0x7c: {  	[tilespmem:$0x7B8] =	vst v0  }
0x7d: {  	[tilespmem:$0x7C8] =	vst v0  }
0x7e: {  	[tilespmem:$0x7D8] =	vst v0  }
0x7f: {  	[tilespmem:$0x7E8] =	vst v0  }
0x80: {  	[tilespmem:$0x7F8] =	vst v0  }
0x81: {  	[tilespmem:$0x808] =	vst v0  }
0x82: {  	[tilespmem:$0x818] =	vst v0  }
0x83: {  	[tilespmem:$0x828] =	vst v0  }
0x84: {  	[tilespmem:$0x838] =	vst v0  }
0x85: {  	[tilespmem:$0x848] =	vst v0  }
0x86: {  	[tilespmem:$0x858] =	vst v0  }
0x87: {  	[tilespmem:$0x868] =	vst v0  }
0x88: {  	[tilespmem:$0x878] =	vst v0  }
0x89: {  	[tilespmem:$0x888] =	vst v0  }
0x8a: {  	[tilespmem:$0x898] =	vst v0  }
0x8b: {  	[tilespmem:$0x8A8] =	vst v0  }
0x8c: {  	[tilespmem:$0x8B8] =	vst v0  }
0x8d: {  	[tilespmem:$0x8C8] =	vst v0  }
0x8e: {  	[tilespmem:$0x8D8] =	vst v0  }
0x8f: {  	[tilespmem:$0x8E8] =	vst v0  }
0x90: {  	[tilespmem:$0x8F8] =	vst v0  }
0x91: {  	[tilespmem:$0x908] =	vst v0  }
0x92: {  	[tilespmem:$0x918] =	vst v0  }
0x93: {  	[tilespmem:$0x928] =	vst v0  }
0x94: {  	[tilespmem:$0x938] =	vst v0  }
0x95: {  	[tilespmem:$0x948] =	vst v0  }
0x96: {  	[tilespmem:$0x958] =	vst v0  }
0x97: {  	[tilespmem:$0x968] =	vst v0  }
0x98: {  	[tilespmem:$0x978] =	vst v0  }
0x99: {  	[tilespmem:$0x988] =	vst v0  }
0x9a: {  	[tilespmem:$0x998] =	vst v0  }
0x9b: {  	[tilespmem:$0x9A8] =	vst v0  }
0x9c: {  	[tilespmem:$0x9B8] =	vst v0  }
0x9d: {  	[tilespmem:$0x9C8] =	vst v0  }
0x9e: {  	[tilespmem:$0x9D8] =	vst v0  }
0x9f: {  	[tilespmem:$0x9E8] =	vst v0  }
0xa0: {  	[tilespmem:$0x9F8] =	vst v0  }
0xa1: {  	[tilespmem:$0xA08] =	vst v0  }
0xa2: {  	[tilespmem:$0xA18] =	vst v0  }
0xa3: {  	[tilespmem:$0xA28] =	vst v0  }
0xa4: {  	[tilespmem:$0xA38] =	vst v0  }
0xa5: {  	[tilespmem:$0xA48] =	vst v0  }
0xa6: {  	[tilespmem:$0xA58] =	vst v0  }
0xa7: {  	[tilespmem:$0xA68] =	vst v0  }
0xa8: {  	[tilespmem:$0xA78] =	vst v0  }
0xa9: {  	[tilespmem:$0xA88] =	vst v0  }
0xaa: {  	[tilespmem:$0xA98] =	vst v0  }
0xab: {  	[tilespmem:$0xAA8] =	vst v0  }
0xac: {  	[tilespmem:$0xAB8] =	vst v0  }
0xad: {  	[tilespmem:$0xAC8] =	vst v0  }
0xae: {  	[tilespmem:$0xAD8] =	vst v0  }
0xaf: {  	[tilespmem:$0xAE8] =	vst v0  }
0xb0: {  	[tilespmem:$0xAF8] =	vst v0  }
0xb1: {  	[tilespmem:$0xB08] =	vst v0  }
0xb2: {  	[tilespmem:$0xB18] =	vst v0  }
0xb3: {  	[tilespmem:$0xB28] =	vst v0  }
0xb4: {  	[tilespmem:$0xB38] =	vst v0  }
0xb5: {  	[tilespmem:$0xB48] =	vst v0  }
0xb6: {  	[tilespmem:$0xB58] =	vst v0  }
0xb7: {  	[tilespmem:$0xB68] =	vst v0  }
0xb8: {  	[tilespmem:$0xB78] =	vst v0  }
0xb9: {  	[tilespmem:$0xB88] =	vst v0  }
0xba: {  	[tilespmem:$0xB98] =	vst v0  }
0xbb: {  	[tilespmem:$0xBA8] =	vst v0  }
0xbc: {  	[tilespmem:$0xBB8] =	vst v0  }
0xbd: {  	[tilespmem:$0xBC8] =	vst v0  }
0xbe: {  	[tilespmem:$0xBD8] =	vst v0  }
0xbf: {  	[tilespmem:$0xBE8] =	vst v0  }
0xc0: {  	[tilespmem:$0xBF8] =	vst v0  }
0xc1: {  	[tilespmem:$0xC08] =	vst v0  }
0xc2: {  	[tilespmem:$0xC18] =	vst v0  }
0xc3: {  	[tilespmem:$0xC28] =	vst v0  }
0xc4: {  	[tilespmem:$0xC38] =	vst v0  }
0xc5: {  	[tilespmem:$0xC48] =	vst v0  }
0xc6: {  	[tilespmem:$0xC58] =	vst v0  }
0xc7: {  	[tilespmem:$0xC68] =	vst v0  }
0xc8: {  	[tilespmem:$0xC78] =	vst v0  }
0xc9: {  	[tilespmem:$0xC88] =	vst v0  }
0xca: {  	[tilespmem:$0xC98] =	vst v0  }
0xcb: {  	[tilespmem:$0xCA8] =	vst v0  }
0xcc: {  	[tilespmem:$0xCB8] =	vst v0  }
0xcd: {  	[tilespmem:$0xCC8] =	vst v0  }
0xce: {  	[tilespmem:$0xCD8] =	vst v0  }
0xcf: {  	[tilespmem:$0xCE8] =	vst v0  }
0xd0: {  	[tilespmem:$0xCF8] =	vst v0  }
0xd1: {  	[tilespmem:$0xD08] =	vst v0  }
0xd2: {  	[tilespmem:$0xD18] =	vst v0  }
0xd3: {  	[tilespmem:$0xD28] =	vst v0  }
0xd4: {  	[tilespmem:$0xD38] =	vst v0  }
0xd5: {  	[tilespmem:$0xD48] =	vst v0  }
0xd6: {  	[tilespmem:$0xD58] =	vst v0  }
0xd7: {  	[tilespmem:$0xD68] =	vst v0  }
0xd8: {  	[tilespmem:$0xD78] =	vst v0  }
0xd9: {  	[tilespmem:$0xD88] =	vst v0  }
0xda: {  	[tilespmem:$0xD98] =	vst v0  }
0xdb: {  	[tilespmem:$0xDA8] =	vst v0  }
0xdc: {  	[tilespmem:$0xDB8] =	vst v0  }
0xdd: {  	[tilespmem:$0xDC8] =	vst v0  }
0xde: {  	[tilespmem:$0xDD8] =	vst v0  }
0xdf: {  	[tilespmem:$0xDE8] =	vst v0  }
0xe0: {  	[tilespmem:$0xDF8] =	vst v0  }
0xe1: {  	[tilespmem:$0xE08] =	vst v0  }
0xe2: {  	[tilespmem:$0xE18] =	vst v0  }
0xe3: {  	[tilespmem:$0xE28] =	vst v0  }
0xe4: {  	[tilespmem:$0xE38] =	vst v0  }
0xe5: {  	[tilespmem:$0xE48] =	vst v0  }
0xe6: {  	[tilespmem:$0xE58] =	vst v0  }
0xe7: {  	[tilespmem:$0xE68] =	vst v0  }
0xe8: {  	[tilespmem:$0xE78] =	vst v0  }
0xe9: {  	[tilespmem:$0xE88] =	vst v0  }
0xea: {  	[tilespmem:$0xE98] =	vst v0  }
0xeb: {  	[tilespmem:$0xEA8] =	vst v0  }
0xec: {  	[tilespmem:$0xEB8] =	vst v0  }
0xed: {  	[tilespmem:$0xEC8] =	vst v0  }
0xee: {  	[tilespmem:$0xED8] =	vst v0  }
0xef: {  	[tilespmem:$0xEE8] =	vst v0  }
0xf0: {  	[tilespmem:$0xEF8] =	vst v0  }
0xf1: {  	[tilespmem:$0xF08] =	vst v0  }
0xf2: {  	[tilespmem:$0xF18] =	vst v0  }
0xf3: {  	[tilespmem:$0xF28] =	vst v0  }
0xf4: {  	[tilespmem:$0xF38] =	vst v0  }
0xf5: {  	[tilespmem:$0xF48] =	vst v0  }
0xf6: {  	[tilespmem:$0xF58] =	vst v0  }
0xf7: {  	[tilespmem:$0xF68] =	vst v0  }
0xf8: {  	[tilespmem:$0xF78] =	vst v0  }
0xf9: {  	[tilespmem:$0xF88] =	vst v0  }
0xfa: {  	[tilespmem:$0xF98] =	vst v0  }
0xfb: {  	[tilespmem:$0xFA8] =	vst v0  }
0xfc: {  	[tilespmem:$0xFB8] =	vst v0  }
0xfd: {  	[tilespmem:$0xFC8] =	vst v0  }
0xfe: {  	[tilespmem:$0xFD8] =	vst v0  }
0xff: {  	[tilespmem:$0xFE8] =	vst v0  }
0x100: {  	[tilespmem:$0xFF8] =	vst v0  }
0x101: {  	[tilespmem:$0x1008] =	vst v0  }
0x102: {  	[tilespmem:$0x10D8] =	vst v0  }
0x103: {  	[tilespmem:$0x1B28] =	vst v0  }
0x104: {  	[tilespmem:$0x1B18] =	vst v0  }
0x105: {  	[tilespmem:$0x1B08] =	vst v0  }
0x106: {  	[tilespmem:$0x1AF8] =	vst v0  }
0x107: {  	[tilespmem:$0x1AE8] =	vst v0  }
0x108: {  	[tilespmem:$0x1AD8] =	vst v0  }
0x109: {  	[tilespmem:$0x1AC8] =	vst v0  }
0x10a: {  	[tilespmem:$0x1AB8] =	vst v0  }
0x10b: {  	[tilespmem:$0x1AA8] =	vst v0  }
0x10c: {  	[tilespmem:$0x1A98] =	vst v0  }
0x10d: {  	[tilespmem:$0x1A88] =	vst v0  }
0x10e: {  	[tilespmem:$0x1A78] =	vst v0  }
0x10f: {  	[tilespmem:$0x1A68] =	vst v0  }
0x110: {  	[tilespmem:$0x1A58] =	vst v0  }
0x111: {  	[tilespmem:$0x1A48] =	vst v0  }
0x112: {  	[tilespmem:$0x1A38] =	vst v0  }
0x113: {  	[tilespmem:$0x1A28] =	vst v0  }
0x114: {  	[tilespmem:$0x1A18] =	vst v0  }
0x115: {  	[tilespmem:$0x1A08] =	vst v0  }
0x116: {  	[tilespmem:$0x19F8] =	vst v0  }
0x117: {  	[tilespmem:$0x19E8] =	vst v0  }
0x118: {  	[tilespmem:$0x19D8] =	vst v0  }
0x119: {  	[tilespmem:$0x19C8] =	vst v0  }
0x11a: {  	[tilespmem:$0x19B8] =	vst v0  }
0x11b: {  	[tilespmem:$0x19A8] =	vst v0  }
0x11c: {  	[tilespmem:$0x1998] =	vst v0  }
0x11d: {  	[tilespmem:$0x1988] =	vst v0  }
0x11e: {  	[tilespmem:$0x1978] =	vst v0  }
0x11f: {  	[tilespmem:$0x1968] =	vst v0  }
0x120: {  	[tilespmem:$0x1958] =	vst v0  }
0x121: {  	[tilespmem:$0x1948] =	vst v0  }
0x122: {  	[tilespmem:$0x1938] =	vst v0  }
0x123: {  	[tilespmem:$0x1928] =	vst v0  }
0x124: {  	[tilespmem:$0x1918] =	vst v0  }
0x125: {  	[tilespmem:$0x1908] =	vst v0  }
0x126: {  	[tilespmem:$0x18F8] =	vst v0  }
0x127: {  	[tilespmem:$0x18E8] =	vst v0  }
0x128: {  	[tilespmem:$0x18D8] =	vst v0  }
0x129: {  	[tilespmem:$0x18C8] =	vst v0  }
0x12a: {  	[tilespmem:$0x18B8] =	vst v0  }
0x12b: {  	[tilespmem:$0x18A8] =	vst v0  }
0x12c: {  	[tilespmem:$0x1898] =	vst v0  }
0x12d: {  	[tilespmem:$0x1888] =	vst v0  }
0x12e: {  	[tilespmem:$0x1878] =	vst v0  }
0x12f: {  	[tilespmem:$0x1868] =	vst v0  }
0x130: {  	[tilespmem:$0x1858] =	vst v0  }
0x131: {  	[tilespmem:$0x1848] =	vst v0  }
0x132: {  	[tilespmem:$0x1838] =	vst v0  }
0x133: {  	[tilespmem:$0x1828] =	vst v0  }
0x134: {  	[tilespmem:$0x1818] =	vst v0  }
0x135: {  	[tilespmem:$0x1808] =	vst v0  }
0x136: {  	[tilespmem:$0x17F8] =	vst v0  }
0x137: {  	[tilespmem:$0x17E8] =	vst v0  }
0x138: {  	[tilespmem:$0x17D8] =	vst v0  }
0x139: {  	[tilespmem:$0x17C8] =	vst v0  }
0x13a: {  	[tilespmem:$0x17B8] =	vst v0  }
0x13b: {  	[tilespmem:$0x17A8] =	vst v0  }
0x13c: {  	[tilespmem:$0x1798] =	vst v0  }
0x13d: {  	[tilespmem:$0x1788] =	vst v0  }
0x13e: {  	[tilespmem:$0x1778] =	vst v0  }
0x13f: {  	[tilespmem:$0x1768] =	vst v0  }
0x140: {  	[tilespmem:$0x1758] =	vst v0  }
0x141: {  	[tilespmem:$0x1748] =	vst v0  }
0x142: {  	[tilespmem:$0x1738] =	vst v0  }
0x143: {  	[tilespmem:$0x1728] =	vst v0  }
0x144: {  	[tilespmem:$0x1718] =	vst v0  }
0x145: {  	[tilespmem:$0x1708] =	vst v0  }
0x146: {  	[tilespmem:$0x16F8] =	vst v0  }
0x147: {  	[tilespmem:$0x16E8] =	vst v0  }
0x148: {  	[tilespmem:$0x16D8] =	vst v0  }
0x149: {  	[tilespmem:$0x16C8] =	vst v0  }
0x14a: {  	[tilespmem:$0x16B8] =	vst v0  }
0x14b: {  	[tilespmem:$0x16A8] =	vst v0  }
0x14c: {  	[tilespmem:$0x1698] =	vst v0  }
0x14d: {  	[tilespmem:$0x1688] =	vst v0  }
0x14e: {  	[tilespmem:$0x1678] =	vst v0  }
0x14f: {  	[tilespmem:$0x1668] =	vst v0  }
0x150: {  	[tilespmem:$0x1658] =	vst v0  }
0x151: {  	[tilespmem:$0x1648] =	vst v0  }
0x152: {  	[tilespmem:$0x1638] =	vst v0  }
0x153: {  	[tilespmem:$0x1628] =	vst v0  }
0x154: {  	[tilespmem:$0x1618] =	vst v0  }
0x155: {  	[tilespmem:$0x1608] =	vst v0  }
0x156: {  	[tilespmem:$0x15F8] =	vst v0  }
0x157: {  	[tilespmem:$0x15E8] =	vst v0  }
0x158: {  	[tilespmem:$0x15D8] =	vst v0  }
0x159: {  	[tilespmem:$0x15C8] =	vst v0  }
0x15a: {  	[tilespmem:$0x15B8] =	vst v0  }
0x15b: {  	[tilespmem:$0x15A8] =	vst v0  }
0x15c: {  	[tilespmem:$0x1598] =	vst v0  }
0x15d: {  	[tilespmem:$0x1588] =	vst v0  }
0x15e: {  	[tilespmem:$0x1578] =	vst v0  }
0x15f: {  	[tilespmem:$0x1568] =	vst v0  }
0x160: {  	[tilespmem:$0x1558] =	vst v0  }
0x161: {  	[tilespmem:$0x1548] =	vst v0  }
0x162: {  	[tilespmem:$0x1538] =	vst v0  }
0x163: {  	[tilespmem:$0x1528] =	vst v0  }
0x164: {  	[tilespmem:$0x1518] =	vst v0  }
0x165: {  	[tilespmem:$0x1508] =	vst v0  }
0x166: {  	[tilespmem:$0x14F8] =	vst v0  }
0x167: {  	[tilespmem:$0x14E8] =	vst v0  }
0x168: {  	[tilespmem:$0x14D8] =	vst v0  }
0x169: {  	[tilespmem:$0x14C8] =	vst v0  }
0x16a: {  	[tilespmem:$0x14B8] =	vst v0  }
0x16b: {  	[tilespmem:$0x14A8] =	vst v0  }
0x16c: {  	[tilespmem:$0x1498] =	vst v0  }
0x16d: {  	[tilespmem:$0x1488] =	vst v0  }
0x16e: {  	[tilespmem:$0x1478] =	vst v0  }
0x16f: {  	[tilespmem:$0x1468] =	vst v0  }
0x170: {  	[tilespmem:$0x1458] =	vst v0  }
0x171: {  	[tilespmem:$0x1448] =	vst v0  }
0x172: {  	[tilespmem:$0x1438] =	vst v0  }
0x173: {  	[tilespmem:$0x1428] =	vst v0  }
0x174: {  	[tilespmem:$0x1418] =	vst v0  }
0x175: {  	[tilespmem:$0x1408] =	vst v0  }
0x176: {  	[tilespmem:$0x13F8] =	vst v0  }
0x177: {  	[tilespmem:$0x13E8] =	vst v0  }
0x178: {  	[tilespmem:$0x13D8] =	vst v0  }
0x179: {  	[tilespmem:$0x13C8] =	vst v0  }
0x17a: {  	[tilespmem:$0x13B8] =	vst v0  }
0x17b: {  	[tilespmem:$0x13A8] =	vst v0  }
0x17c: {  	[tilespmem:$0x1398] =	vst v0  }
0x17d: {  	[tilespmem:$0x1388] =	vst v0  }
0x17e: {  	[tilespmem:$0x1378] =	vst v0  }
0x17f: {  	[tilespmem:$0x1368] =	vst v0  }
0x180: {  	[tilespmem:$0x1358] =	vst v0  }
0x181: {  	[tilespmem:$0x1348] =	vst v0  }
0x182: {  	[tilespmem:$0x1338] =	vst v0  }
0x183: {  	[tilespmem:$0x1328] =	vst v0  }
0x184: {  	[tilespmem:$0x1318] =	vst v0  }
0x185: {  	[tilespmem:$0x1308] =	vst v0  }
0x186: {  	[tilespmem:$0x12F8] =	vst v0  }
0x187: {  	[tilespmem:$0x12E8] =	vst v0  }
0x188: {  	[tilespmem:$0x12D8] =	vst v0  }
0x189: {  	[tilespmem:$0x12C8] =	vst v0  }
0x18a: {  	[tilespmem:$0x12B8] =	vst v0  }
0x18b: {  	[tilespmem:$0x12A8] =	vst v0  }
0x18c: {  	[tilespmem:$0x1298] =	vst v0  }
0x18d: {  	[tilespmem:$0x1288] =	vst v0  }
0x18e: {  	[tilespmem:$0x1278] =	vst v0  }
0x18f: {  	[tilespmem:$0x1268] =	vst v0  }
0x190: {  	[tilespmem:$0x1258] =	vst v0  }
0x191: {  	[tilespmem:$0x1248] =	vst v0  }
0x192: {  	[tilespmem:$0x1238] =	vst v0  }
0x193: {  	[tilespmem:$0x1228] =	vst v0  }
0x194: {  	[tilespmem:$0x1218] =	vst v0  }
0x195: {  	[tilespmem:$0x1208] =	vst v0  }
0x196: {  	[tilespmem:$0x11F8] =	vst v0  }
0x197: {  	[tilespmem:$0x11E8] =	vst v0  }
0x198: {  	[tilespmem:$0x11D8] =	vst v0  }
0x199: {  	[tilespmem:$0x11C8] =	vst v0  }
0x19a: {  	[tilespmem:$0x11B8] =	vst v0  }
0x19b: {  	[tilespmem:$0x11A8] =	vst v0  }
0x19c: {  	[tilespmem:$0x1198] =	vst v0  }
0x19d: {  	[tilespmem:$0x1188] =	vst v0  }
0x19e: {  	[tilespmem:$0x1178] =	vst v0  }
0x19f: {  	[tilespmem:$0x1168] =	vst v0  }
0x1a0: {  	[tilespmem:$0x1158] =	vst v0  }
0x1a1: {  	[tilespmem:$0x1148] =	vst v0  }
0x1a2: {  	[tilespmem:$0x1138] =	vst v0  }
0x1a3: {  	s2 =	stileid.u32;
	[tilespmem:$0x1128] =	vst v0  }
0x1a4: {  	s0 =	smin.u32 s2, $0x8;
	[tilespmem:$0x1118] =	vst v0  }
0x1a5: {  	[tilespmem:$0x1108] =	vst v0;
	s0 =	sadd.s32 s2, s0  }
0x1a6: {  	s4 =	simm.s32 $0x360;
	p0 =	slt.u32 s2, $0x8;
	[tilespmem:$0x10F8] =	vst v0;
	s3 =	smul.u32 $0x1B0, s0  }
0x1a7: {  	s4 =	simm.s32 @!p0 $0x1B0;
	[tilespmem:$0x10E8] =	vst v0  }
0x1a8: {  	[tilespmem:$0x10C8] =	vst v0;
	s0 =	sadd.s32 s4, s3  }
0x1a9: {  	[tilespmem:$0x1038] =	vst v0;
	s4 =	smin.u32 s0, $0x2710  }
0x1aa: {  	[tilespmem:$0x10B8] =	vst v0;
	s0 =	ssub.s32 s4, s3  }
0x1ab: {  	[tilespmem:$0x10A8] =	vst v0;
	p0 =	sgt.s32 s0, $0x0  }
0x1ac: {  	[tilespmem:$0x1098] =	vst v0;
	s0 =	simm.s32 @!p0 $0x0  }
0x1ad: {  	[tilespmem:$0x1088] =	vst v0;
	s5 =	sand.u32 $0xFFF0, s0  }
0x1ae: {  	s28 =	simm.s32 $0x2;
	s29 =	simm.s32 $0x7;
	[tilespmem:$0x1078] =	vst v0;
	s5 =	sshrl.u32 s5, $0x4  }
0x1af: {  	s13 =	simm.s32 $0x8;
	s30 =	simm.s32 $0x9;
	[tilespmem:$0x1068] =	vst v0;
	s6 =	smul.u32 $0x12F7, s5  }
0x1b0: {  	p4 =	por $0x0, $0x0;
	s14 =	simm.s32 $0xA;
	s18 =	simm.s32 $0x0;
	[tilespmem:$0x1058] =	vst v0  }
0x1b1: {  	s15 =	simm.s32 $0x0;
	s17 =	simm.s32 $0x0;
	[tilespmem:$0x1048] =	vst v0;
	s12 =	sshrl.u32 s6, $0x11  }
0x1b2: {  	s7 =	sadd.s32 $0x5600, s1;
	s8 =	sadd.s32 $0x46200, s1;
	[tilespmem:$0x1028] =	vst v0;
	s10 =	smul.u32 $0x1B0, s12  }
.Ltmp0:
0x1b3: {  	s31 =	sshll.u32 s2, $0x5;
	[tilespmem:$0x1018] =	vst v0;
	[sflag:s28] =	ssyncpa.u1 $0x0;
	v0 =	vimm.s32 $0xFFFFFFFF;
	(pc) =	sbr.rel .LBB2_1-.Ltmp0, $4  }
0x1b4: {  	[dreg:$0x2] =	wrdreg s31;
	[tilespmem:$0x3648] =	vst v0;
	[sflag:s29] =	ssyncpa.u1 $0x0;
	p0 =	sne.s32 s0, s10  }
0x1b5: {  	[sflag:s13] =	ssyncpa.u1 $0x0;
	s13 =	simm.s32 $0x0;
	s11 =	simm.s32 @!p0 $0x0  }
0x1b6: {  	[sflag:s30] =	ssyncpa.u1 $0x0;
	s16 =	smov.u32 s3;
	s11 =	sadd.s32 s12, s11  }
0x1b7: {  	v0 =	vlaneseq.u32;
	s6 =	sadd.s32 $0x5000, s1;
	p0 =	por $0x1, $0x1;
	s12 =	sadd.s32 $0x1, s11  }
.LBB2_18:
0x1b8: {  	s0 =	simm.s32 $0x2  }
0x1b9: {  	_ =	swait.ge [sflag:s0], $0x0  }
0x1ba: {  	[sflag:s0] =	ssyncset.done $0x0;
	s0 =	simm.s32 $0x0  }
.LBB2_19:
0x1bb: {  	_ =	swait.ge [sflag:s14], s0  }
0x1bc: {  	s31 =	ssub.s32 $0x0, s0;
	v1 =	vmov s20;
	vm0 =	veq.s32 v0, $0x0;
	[sflag:s14] =	ssyncset.done $0x0  }
0x1bd: {  	vm15 =	veq.s32 v0, $0x2;
	v1 =	vsel vm0, s25, v1;
	[sflag:s14] =	ssyncadd.s32 s31  }
0x1be: {  	v1 =	vsel vm15, s18, v1;
	[sflag:s14] =	ssyncpa.u1 $0x1  }
0x1bf: {  	[tilespmem:$0x3648] =	vst v1  }
.LBB2_20:
0x1c0: {  	s0 =	sadd.s32 $0x1B0, s16  }
0x1c1: {  	s2 =	smov.u32 s3;
	p1 =	slt.s32 s0, s4  }
0x1c2: {  	s2 =	smov.u32 @p1 s0;
	p1 =	sne.s32 s17, s12  }
.Ltmp1:
0x1c3: {  	_ = 	snop;
	(pc) =	sbr.rel @!p1 .LBB2_21-.Ltmp1, $4  }
0x1c4: {  	_ = 	snop  }
0x1c5: {  	s18 =	smov.u32 s15  }
0x1c6: {  	s31 =	sadd.s32 $0x1, s17;
	s15 =	smov.u32 s16;
	p0 =	por !p0, !p0  }
0x1c7: {  	p4 =	por !p4, !p4;
	s17 =	smov.u32 s31;
	s16 =	smov.u32 s2  }
.LBB2_1:
0x1c8: {  	p2 =	sge.u32 s17, s11  }
0x1c9: {  	s0 =	smulhi.u32 @!p2 $0xAAAAAAAB, s17  }
0x1ca: {  	s19 =	smov.u32 s16;
	p3 =	sgt.s32 @!p2 s16, $0x2560  }
0x1cb: {  	s20 =	sshra.s32 @!p2 s16, $0x1F;
	p3 =	por !p3, p2;
	s0 =	sshrl.u32 @!p2 s0, $0x1  }
0x1cc: {  	s20 =	sand.u32 @!p2 s20, s16;
	s19 =	simm.s32 @p3 $0x2560;
	s0 =	smul.u32 @!p2 $0x3, s0  }
0x1cd: {  	s19 =	ssub.s32 @!p2 s19, s20  }
0x1ce: {  	s19 =	sadd.s32 @!p2 $0xFFFFDAA0, s19;
	s0 =	ssub.s32 @!p2 s17, s0  }
0x1cf: {  	s20 =	sshll.u32 @!p2 s19, $0x2;
	p3 =	sgt.s32 @!p2 s19, $0x1AF;
	s0 =	smul.u32 @!p2 $0x6C0, s0  }
0x1d0: {  	s21 =	sand.u32 @!p2 $0x7, s16;
	s19 =	ssub.s32 @!p2 $0x6C0, s20;
	p3 =	por !p3, p2  }
0x1d1: {  	s20 =	sshrl.u32 @!p2 s16, $0x3;
	s19 =	sshrl.u32 @!p2 s19, $0x2;
	s0 =	sshrl.u32 @!p2 s0, $0x2  }
0x1d2: {  	s20 =	sadd.s32 @!p2 s8, s20;
	s19 =	simm.s32 @!p3 $0x0;
	s0 =	sadd.s32 @!p2 $0x3878, s0  }
0x1d3: {  	[tilespmem:s0], [sflag:$0x8] =	stream.linear.gather @!p2 [hbm4b:s20+s21], s19, $0x38;
	[tilespmem:$0x1F0E8] =	vst v63  }
0x1d4: {  	s20 =	sadd.s32 $0xFFFFFFFF, s17  }
0x1d5: {  	p2 =	sge.u32 s20, s11  }
0x1d6: {  	p3 =	sgt.s32 @!p2 s15, $0x2560  }
0x1d7: {  	s0 =	smov.u32 s15;
	s19 =	sshra.s32 @!p2 s15, $0x1F;
	p3 =	por !p3, p2  }
0x1d8: {  	s19 =	sand.u32 @!p2 s19, s15;
	s0 =	simm.s32 @p3 $0x2560  }
0x1d9: {  	s0 =	ssub.s32 @!p2 s0, s19  }
0x1da: {  	s0 =	sadd.s32 @!p2 $0xFFFFDAA0, s0  }
0x1db: {  	s19 =	sshll.u32 @!p2 s0, $0x2  }
0x1dc: {  	p3 =	sgt.s32 @!p2 s0, $0x1AF;
	s0 =	ssub.s32 @!p2 $0x6C0, s19  }
0x1dd: {  	p3 =	por !p3, p2;
	s0 =	sshrl.u32 @!p2 s0, $0x2  }
0x1de: {  	s21 =	simm.s32 @!p2 $0x8;
	s19 =	sand.u32 @!p2 $0x1, s20;
	s0 =	simm.s32 @!p3 $0x0  }
0x1df: {  	s19 =	smul.u32 @!p2 $0x6C0, s19;
	_ =	swait.ge @!p2 [sflag:s21], s0  }
0x1e0: {  	s22 =	ssub.s32 @!p2 $0x0, s0;
	[sflag:s21] =	ssyncset.done @!p2 $0x0  }
0x1e1: {  	s19 =	sshrl.u32 @!p2 s19, $0x2;
	[sflag:s21] =	ssyncadd.s32 @!p2 s22;
	s21 =	sshrl.u32 @!p2 s15, $0x3  }
0x1e2: {  	s19 =	sadd.s32 @!p2 $0x3D88, s19;
	s22 =	sand.u32 @!p2 $0x7, s15;
	s21 =	sadd.s32 @!p2 s6, s21  }
0x1e3: {  	[tilespmem:s19], [sflag:$0x9] =	stream.linear.gather @!p2 [hbm4b:s21+s22], s0, $0x38;
	[tilespmem:$0x1F0E8] =	vst v63  }
0x1e4: {  	s19 =	ssub.s32 @!p2 $0x2710, s15  }
0x1e5: {  	p3 =	slt.s32 @!p2 s19, $0x1  }
0x1e6: {  	p3 =	por p2, p3  }
.Ltmp2:
0x1e7: {  	_ = 	snop;
	(pc) =	sbr.rel @p3 .LBB2_7-.Ltmp2, $1  }
0x1e8: {  	_ =	sdelay $0x3  }
0x1e9: {  	s0 =	smulhi.u32 $0xAAAAAAAB, s20;
	_ =	sdelay $0x1  }
0x1ea: {  	s0 =	sshrl.u32 s0, $0x1  }
0x1eb: {  	s0 =	smul.u32 $0x3, s0;
	_ =	sdelay $0x1  }
0x1ec: {  	s0 =	ssub.s32 s20, s0  }
0x1ed: {  	s21 =	simm.s32 $0x1;
	s0 =	smul.u32 $0x6C0, s0  }
.Ltmp3:
0x1ee: {  	s21 =	simm.s32 @!p0 $0x0;
	(pc) =	sbr.rel .LBB2_4-.Ltmp3, $4  }
0x1ef: {  	s31 =	smul.u32 $0x36000, s21  }
0x1f0: {  	p3 =	slt.s32 @!p2 s19, $0x1B0;
	s0 =	sshrl.u32 s0, $0x2  }
0x1f1: {  	p2 =	por !p3, p2;
	s20 =	sshrl.u32 s31, $0x2;
	s0 =	sadd.s32 $0x3878, s0  }
0x1f2: {  	s19 =	simm.s32 @p2 $0x1B0;
	s21 =	simm.s32 $0x0;
	s20 =	sadd.s32 $0x40E8, s20;
	v1 =	vmov s0  }
.LBB2_3:
0x1f3: {  	p2 =	sge.s32 s21, s19  }
.Ltmp4:
0x1f4: {  	_ = 	snop;
	(pc) =	sbr.rel @p2 .LBB2_7-.Ltmp4, $2  }
0x1f5: {  	_ =	sdelay $0x2  }
0x1f6: {  	s20 =	sadd.s32 $0x800, s20  }
.LBB2_4:
0x1f7: {  	p2 =	sle.s32 s19, s21  }
.Ltmp5:
0x1f8: {  	_ = 	snop;
	(pc) =	sbr.rel @p2 .LBB2_3-.Ltmp5, $2  }
0x1f9: {  	_ =	sdelay $0x2  }
0x1fa: {  	s22 =	smov.u32 s21;
	s21 =	sadd.s32 $0x10, s21  }
0x1fb: {  	s0 =	ssub.s32 s19, s22  }
0x1fc: {  	p2 =	slt.s32 s0, $0x10  }
0x1fd: {  	s0 =	simm.s32 @!p2 $0x10  }
0x1fe: {  	v2 =	vmov s0  }
0x1ff: {  	vm0 =	vgt.s32 v2, v0;
	_ =	sdelay $0x5  }
0x200: {  	v2 =	vld.idx.msk [tilespmem:v1+s22+$0x0 ss:$0x1], vm0;
	_ =	sdelay $0x2  }
0x201: {  	s23 =	smov.u32 s19;
	p2 =	slt.s32 s21, s19  }
0x202: {  	s24 =	smov.u32 s20;
	s25 =	simm.s32 $0x0;
	s23 =	smov.u32 @p2 s21  }
.LBB2_6:
0x203: {  	(v2sf) =	vpush v2, s25;
	_ =	sdelay $0xc  }
0x204: {  	s25 =	sadd.s32 $0x1, s25  }
0x205: {  	s31 =	sadd.s32 s25, s22  }
0x206: {  	p2 =	slt.s32 s31, s23;
	s0 =	spop (v2sf)  }
.Ltmp6:
0x207: {  	s0 =	sshll.u32 s0, $0x4;
	(pc) =	sbr.rel @p2 .LBB2_6-.Ltmp6, $4  }
0x208: {  	s0 =	sand.u32 $0x1FFFFFF0, s0  }
0x209: {  	s0 =	sadd.s32 s7, s0  }
0x20a: {  	[tilespmem:s24], [sflag:$0x7] =	stream.linear.gather [hbm4b:s0+s13], $0x10, $0x38;
	[tilespmem:$0x1F0E8] =	vst v63  }
0x20b: {  	s24 =	sadd.s32 $0x80, s24  }
.Ltmp7:
0x20c: {  	_ = 	snop;
	(pc) =	sbr.rel .LBB2_3-.Ltmp7, $1  }
0x20d: {  	_ =	sdelay $0x3  }
.LBB2_7:
0x20e: {  	p2 =	slt.u32 s17, $0x2  }
.Ltmp8:
0x20f: {  	_ = 	snop;
	(pc) =	sbr.rel @p2 .LBB2_20-.Ltmp8, $1  }
0x210: {  	_ =	sdelay $0x3  }
0x211: {  	p2 =	sgt.s32 s18, $0x2560;
	s0 =	smov.u32 s18  }
0x212: {  	s19 =	sshra.s32 s18, $0x1F;
	s20 =	ssub.s32 $0x2710, s18;
	s0 =	simm.s32 @!p2 $0x2560  }
0x213: {  	s19 =	sand.u32 s19, s18;
	p2 =	slt.s32 s20, $0x1B0;
	s21 =	smov.u32 s20  }
0x214: {  	s0 =	ssub.s32 s0, s19;
	s21 =	simm.s32 @!p2 $0x1B0  }
0x215: {  	s0 =	sadd.s32 $0xFFFFDAA0, s0;
	s26 =	sshll.u32 s21, $0x4  }
0x216: {  	s2 =	simm.s32 $0x7;
	s28 =	sshll.u32 s0, $0x2;
	s19 =	sand.u32 $0x3FFFFFF0, s26  }
0x217: {  	p2 =	sgt.s32 s0, $0x1AF;
	s29 =	ssub.s32 $0x6C0, s28;
	_ =	swait.ge [sflag:s2], s19  }
0x218: {  	s19 =	ssub.s32 $0x0, s19;
	[sflag:s2] =	ssyncset.done $0x0;
	s0 =	sshrl.u32 s29, $0x2  }
0x219: {  	s30 =	simm.s32 $0x9;
	[sflag:s2] =	ssyncadd.s32 s19;
	s0 =	simm.s32 @p2 $0x0  }
0x21a: {  	_ =	swait.ge [sflag:s30], s0  }
0x21b: {  	s0 =	ssub.s32 $0x0, s0;
	[sflag:s30] =	ssyncset.done $0x0  }
0x21c: {  	[sflag:s30] =	ssyncadd.s32 s0  }
0x21d: {  	v1 =	vld [tilespmem:$0x3648];
	_ =	sdelay $0x4  }
0x21e: {  	(v2sf) =	vpush v1, $0x0  }
0x21f: {  	(v2sf) =	vpush v1, $0x1  }
0x220: {  	(v2sf) =	vpush v1, $0x2;
	_ =	sdelay $0x3  }
0x221: {  	s0 =	sadd.s32 $0x1B0, s18  }
0x222: {  	p2 =	slt.s32 s4, s0  }
0x223: {  	s0 =	smov.u32 @p2 s4;
	p2 =	sgt.s32 s20, $0x0  }
0x224: {  	s23 =	ssub.s32 s0, s18;
	s20 =	simm.s32 @!p2 $0x0  }
0x225: {  	p2 =	slt.s32 s20, s23  }
0x226: {  	s23 =	smov.u32 @p2 s20  }
0x227: {  	s21 =	simm.s32 $0x1;
	p2 =	slt.s32 s23, $0x1  }
.Ltmp9:
0x228: {  	s21 =	simm.s32 @!p4 $0x0;
	(pc) =	sbr.rel @p2 .LBB2_12-.Ltmp9, $4  }
0x229: {  	s31 =	smul.u32 $0x6C0, s21  }
0x22a: {  	s22 =	spop (v2sf)  }
0x22b: {  	s0 =	sshrl.u32 s31, $0x2;
	s24 =	spop (v2sf)  }
0x22c: {  	s19 =	sadd.s32 $0x3D88, s0;
	s18 =	spop (v2sf)  }
0x22d: {  	s0 =	smin.u32 s23, $0x10  }
0x22e: {  	v1 =	vmov s0  }
0x22f: {  	p3 =	sgt.s32 s23, $0x10;
	vm1 =	vgt.u32 v1, v0  }
.Ltmp10:
0x230: {  	_ = 	snop;
	(pc) =	sbr.rel @!p3 .LBB2_11-.Ltmp10, $2  }
0x231: {  	_ =	sdelay $0x2  }
0x232: {  	s25 =	simm.s32 $0x10;
	s26 =	sadd.s32 $0xFFFFFFF0, s23;
	s20 =	smov.u32 s19;
	vm0 =	vmmov vm1  }
.LBB2_10:
0x233: {  	s0 =	smin.u32 s26, $0x10;
	s25 =	sadd.s32 $0x10, s25;
	v1 =	vld.msk [tilespmem:s20+$0x0 ss:$0x1], vm1  }
0x234: {  	v2 =	vmov s0;
	p3 =	slt.s32 s25, s23  }
0x235: {  	vm1 =	vgt.u32 v2, v0  }
.Ltmp11:
0x236: {  	(pc) =	sbr.rel @p3 .LBB2_10-.Ltmp11, $3  }
0x237: {  	_ =	sdelay $0x1  }
0x238: {  	v1 =	vshll.u32 v1, $0x4  }
0x239: {  	s26 =	sadd.s32 $0xFFFFFFF0, s26;
	[tilespmem:s20+$0x0] =	vst.msk vm0, v1;
	s20 =	sadd.s32 $0x10, s20;
	vm0 =	vmmov vm1  }
.LBB2_11:
0x23a: {  	_ =	sdelay $0x4  }
0x23b: {  	v1 =	vld.msk [tilespmem:s20+$0x0 ss:$0x1], vm1;
	_ =	sdelay $0x4  }
0x23c: {  	v1 =	vshll.u32 v1, $0x4  }
0x23d: {  	[tilespmem:s20+$0x0] =	vst.msk vm0, v1  }
.LBB2_12:
0x23e: {  	s0 =	sand.u32 $0x1, s17  }
0x23f: {  	s20 =	smul.u32 $0x1B0, s0  }
0x240: {  	p3 =	sne.s32 s24, $0xFFFFFFFF  }
0x241: {  	v1 =	vld.msk @!p3 [tilespmem:s20+$0x3D88], $0x1;
	_ =	sdelay $0x4  }
0x242: {  	(v2sf) =	vpush @!p3 v1, $0x0;
	_ =	sdelay $0x9  }
0x243: {  	s0 =	smul.u32 $0xD800, s0;
	_ =	sdelay $0x1  }
0x244: {  	v1 =	vld @!p3 [tilespmem:s0+$0x40E8]  }
.Ltmp12:
0x245: {  	_ = 	snop;
	(pc) =	sbr.rel @p2 .LBB2_18-.Ltmp12, $4  }
0x246: {  	_ = 	snop  }
0x247: {  	s25 =	spop @!p3 (v2sf)  }
0x248: {  	s18 =	simm.s32 @!p3 $0x0;
	s20 =	smov.u32 s25  }
0x249: {  	[tilespmem:$0x28] =	vst @!p3 v1;
	[sflag:s14] =	ssyncpa.u1 $0x0;
	s25 =	smov.u32 @p3 s22;
	s20 =	smov.u32 @p3 s24  }
0x24a: {  	v1 =	vld.msk [tilespmem:s19+$0x0], $0x1;
	_ =	sdelay $0x4  }
0x24b: {  	(v2sf) =	vpush v1, $0x0;
	_ =	sdelay $0xe  }
0x24c: {  	s0 =	simm.s32 @!p4 $0x0;
	s26 =	smul.u32 $0x36000, s21;
	s28 =	spop (v2sf)  }
0x24d: {  	s24 =	sadd.s32 $0xFFFFFFFF, s23;
	s0 =	simm.s32 @p4 $0x1;
	p2 =	seq.s32 s25, s28  }
0x24e: {  	[smem:$0x7FD] =	sst s0;
	s0 =	sshrl.u32 s26, $0x2;
	p3 =	sgt.s32 @!p2 s25, $0x0  }
0x24f: {  	s22 =	sadd.s32 $0x40E8, s0;
	s0 =	smov.u32 s25;
	p3 =	por !p3, p2  }
0x250: {  	s0 =	simm.s32 @p3 $0x0;
	p3 =	sne.s32 s24, $0x0  }
.Ltmp13:
0x251: {  	_ = 	snop;
	(pc) =	sbr.rel @!p3 .LBB2_15-.Ltmp13, $4  }
0x252: {  	_ = 	snop  }
0x253: {  	s21 =	simm.s32 $0x0;
	s29 =	simm.s32 @!p2 $0x1;
	s0 =	smin.u32 @!p2 s0, $0x7FE  }
0x254: {  	s30 =	simm.s32 @!p2 $0x1B38;
	s29 =	smov.u32 @p2 s21;
	s26 =	sand.u32 @!p2 $0x7F8, s0  }
0x255: {  	s31 =	sand.u32 @!p2 $0x7, s0;
	s0 =	sadd.s32 @!p2 s1, s26;
	s26 =	sadd.s32 $0x1, s19  }
.LBB2_14:
0x256: {  	s2 =	smov.u32 s29  }
0x257: {  	[tilespmem:s30], [sflag:$0x2] =	stream.linear.gather @!p2 [hbm4b:s0+s31], $0x10, $0x38;
	[tilespmem:$0x1F0E8] =	vst v63  }
0x258: {  	s24 =	sadd.s32 $0xFFFFFFFF, s24;
	s0 =	smov.u32 s28;
	v1 =	vld.msk [tilespmem:s26+$0x0], $0x1  }
0x259: {  	p3 =	sne.s32 s24, $0x0;
	_ =	sdelay $0x3  }
0x25a: {  	(v2sf) =	vpush v1, $0x0;
	_ =	sdelay $0xe  }
0x25b: {  	s28 =	spop (v2sf)  }
0x25c: {  	p2 =	seq.s32 s0, s28  }
0x25d: {  	p4 =	sgt.s32 @!p2 s0, $0x0;
	s30 =	sshll.u32 @!p2 s29, $0x6;
	s29 =	sadd.s32 @!p2 $0x1, s29  }
.Ltmp14:
0x25e: {  	p4 =	por !p4, p2;
	s30 =	sshra.s32 @!p2 s30, $0x2;
	(pc) =	sbr.rel @p3 .LBB2_14-.Ltmp14, $4  }
0x25f: {  	s29 =	smov.u32 @p2 s2;
	s0 =	simm.s32 @p4 $0x0;
	s30 =	sadd.s32 @!p2 $0x1B38, s30  }
0x260: {  	s0 =	smin.u32 @!p2 s0, $0x7FE  }
0x261: {  	s2 =	sand.u32 @!p2 $0x7F8, s0;
	s31 =	sand.u32 @!p2 $0x7, s0  }
0x262: {  	s26 =	sadd.s32 $0x1, s26;
	s0 =	sadd.s32 @!p2 s1, s2  }
.LBB2_15:
0x263: {  	[tilespmem:s30], [sflag:$0x2] =	stream.linear.gather @!p2 [hbm4b:s0+s31], $0x10, $0x38;
	[tilespmem:$0x1F0E8] =	vst v63  }
0x264: {  	s31 =	sshll.u32 s29, $0x4  }
0x265: {  	s2 =	simm.s32 $0x2;
	s0 =	sand.u32 $0x3FFFFFF0, s31  }
0x266: {  	_ =	swait.ge [sflag:s2], s0  }
0x267: {  	s0 =	ssub.s32 $0x0, s0;
	[sflag:s2] =	ssyncset.done $0x0  }
0x268: {  	[sflag:s2] =	ssyncadd.s32 s0  }
0x269: {  	v1 =	vld.msk [tilespmem:s19+$0x0], $0x1;
	_ =	sdelay $0x4  }
0x26a: {  	(v2sf) =	vpush v1, $0x0;
	_ =	sdelay $0xe  }
0x26b: {  	s24 =	spop (v2sf)  }
0x26c: {  	p2 =	sne.s32 s25, s24  }
0x26d: {  	p4 =	sne.s32 @p2 s25, s20  }
0x26e: {  	p3 =	por !p4, !p2  }
0x26f: {  	s0 =	sshll.u32 @!p3 s18, $0x6;
	s2 =	simm.s32 @!p3 $0x0  }
0x270: {  	s0 =	sshra.s32 @!p3 s0, $0x2;
	v1 =	vld @!p3 [tilespmem:s2+$0x1B38]  }
0x271: {  	v2 =	vld @!p3 [tilespmem:s0+$0x28];
	_ =	sdelay $0x1  }
0x272: {  	p5 =	sgt.u32 @!p3 s25, $0x7FE  }
0x273: {  	p6 =	por @p2 p5, !p4  }
0x274: {  	p1 =	por p6, !p2;
	p6 =	por p4, !p2  }
0x275: {  	s26 =	sadd.s32 @!p3 $0x28, s0;
	s2 =	sand.u32 @!p1 $0x7F8, s25;
	s28 =	sshll.u32 @!p6 s18, $0x6;
	v1 =	vmax.f32 @!p3 v1, v2  }
0x276: {  	s25 =	sand.u32 @!p1 $0x7, s25;
	s2 =	sadd.s32 @!p1 s1, s2;
	[tilespmem:s0+$0x28] =	vst @!p3 v1;
	s0 =	sshra.s32 @!p6 s28, $0x2  }
0x277: {  	[hbm4b:s2+s25] =	stream.linear.scatter @!p1 [tilespmem:s26], [sflag:$0xA], $0x10, $0x38;
	[tilespmem:$0x1F0E8] =	vst v63  }
0x278: {  	s29 =	rddreg [dreg:$0x2];
	s0 =	sadd.s32 @!p6 $0x28, s0;
	s2 =	simm.s32 @!p6 $0x1  }
0x279: {  	[spmem:s29] =	stream.linear.scatter @!p6 [tilespmem:s0], [sflag:$0x1], $0x10, $0x38;
	[tilespmem:$0x1F0E8] =	vst v63  }
0x27a: {  	s0 =	sadd.s32 @p2 $0x1, s18;
	_ =	swait.ge @!p6 [sflag:s2], $0x10  }
0x27b: {  	s25 =	sshrl.u32 @p2 s0, $0x4;
	[sflag:s2] =	ssyncset.done @!p6 $0x0  }
0x27c: {  	s25 =	smulhi.u32 @p2 $0x97B425F, s25;
	[sflag:s2] =	ssyncadd.s32 @!p6 $0xFFFFFFF0  }
0x27d: {  	v1 =	vld @p2 [tilespmem:s22+$0x0]  }
0x27e: {  	s23 =	sadd.s32 $0xFFFFFFFF, s23;
	s2 =	smul.u32 @p2 $0x1B0, s25  }
0x27f: {  	p1 =	por @p2 !p5, !p4;
	s26 =	simm.s32 @!p3 $0x0;
	p6 =	sne.s32 s23, $0x0  }
.Ltmp15:
0x280: {  	p1 =	por !p1, !p2;
	s0 =	ssub.s32 @p2 s0, s2;
	(pc) =	sbr.rel @!p6 .LBB2_17-.Ltmp15, $4  }
0x281: {  	s26 =	simm.s32 @!p1 $0x40;
	s28 =	sshll.u32 @p2 s0, $0x4  }
0x282: {  	s29 =	simm.s32 @p2 $0x1;
	s26 =	sadd.s32 @!p3 $0x0, s26;
	s2 =	sshll.u32 @!p2 s18, $0x6;
	[tilespmem:s28+$0x28] =	vst @p2 v1  }
0x283: {  	s26 =	smov.u32 @p3 s21;
	s25 =	simm.s32 $0x0;
	s28 =	sshra.s32 @!p2 s2, $0x2;
	v1 =	vld @!p2 [tilespmem:s22+$0x0]  }
0x284: {  	s21 =	smov.u32 @p2 s26;
	s25 =	smov.u32 @p2 s29;
	s18 =	smov.u32 @p2 s0;
	v2 =	vld @!p2 [tilespmem:s28+$0x28]  }
.LBB2_16:
0x285: {  	_ =	sdelay $0x3  }
0x286: {  	v1 =	vmax.f32 @!p2 v1, v2  }
0x287: {  	s19 =	sadd.s32 $0x1, s19;
	[tilespmem:s28+$0x28] =	vst @!p2 v1  }
0x288: {  	v1 =	vld.msk [tilespmem:s19+$0x0], $0x1;
	_ =	sdelay $0x4  }
0x289: {  	(v2sf) =	vpush v1, $0x0;
	_ =	sdelay $0xe  }
0x28a: {  	s26 =	smov.u32 s24;
	s24 =	spop (v2sf)  }
0x28b: {  	p2 =	sne.s32 s26, s24  }
0x28c: {  	p5 =	sne.s32 @p2 s26, s20  }
0x28d: {  	s0 =	sadd.s32 @p2 $0x1, s18;
	p4 =	por !p5, !p2  }
0x28e: {  	s28 =	sshll.u32 @!p2 s18, $0x6;
	s29 =	sadd.s32 @p2 $0x1, s25;
	s30 =	sshll.u32 @!p4 s25, $0x6  }
0x28f: {  	s2 =	sshrl.u32 @p2 s0, $0x4;
	s31 =	sshll.u32 @!p4 s18, $0x6;
	s30 =	sshra.s32 @!p4 s30, $0x2  }
0x290: {  	p1 =	sgt.u32 @!p4 s26, $0x7FE;
	s2 =	smulhi.u32 @p2 $0x97B425F, s2;
	s31 =	sshra.s32 @!p4 s31, $0x2;
	v1 =	vld @!p4 [tilespmem:s30+$0x1B38]  }
0x291: {  	s5 =	simm.s32 @!p4 $0x0;
	s25 =	smov.u32 @p2 s29;
	s29 =	rddreg [dreg:$0x2];
	v2 =	vld @!p4 [tilespmem:s31+$0x28]  }
0x292: {  	p6 =	por @p2 p1, !p5;
	p1 =	por @p2 !p1, !p5;
	p5 =	por p5, !p2  }
0x293: {  	s30 =	sadd.s32 @!p4 $0x28, s31;
	p6 =	por p6, !p2;
	p1 =	por !p1, !p2  }
0x294: {  	s2 =	smul.u32 @p2 $0x1B0, s2;
	s10 =	sshll.u32 @!p5 s18, $0x6;
	s5 =	simm.s32 @!p1 $0x40  }
0x295: {  	s9 =	sand.u32 @!p6 $0x7F8, s26;
	s26 =	sand.u32 @!p6 $0x7, s26;
	s5 =	sadd.s32 @!p4 s5, s21  }
0x296: {  	s9 =	sadd.s32 @!p6 s1, s9;
	s0 =	ssub.s32 @p2 s0, s2;
	s5 =	smov.u32 @p4 s21;
	v1 =	vmax.f32 @!p4 v1, v2  }
0x297: {  	s2 =	sshll.u32 @p2 s0, $0x4;
	s21 =	smov.u32 @p2 s5;
	s5 =	sshra.s32 @!p5 s10, $0x2;
	[tilespmem:s31+$0x28] =	vst @!p4 v1  }
0x298: {  	[hbm4b:s9+s26] =	stream.linear.scatter @!p6 [tilespmem:s30], [sflag:$0xA], $0x10, $0x38;
	[tilespmem:$0x1F0E8] =	vst v63  }
0x299: {  	s18 =	smov.u32 @p2 s0;
	s0 =	sadd.s32 @!p5 $0x28, s5;
	s5 =	simm.s32 @!p5 $0x1  }
0x29a: {  	[spmem:s29] =	stream.linear.scatter @!p5 [tilespmem:s0], [sflag:$0x1], $0x10, $0x38;
	[tilespmem:$0x1F0E8] =	vst v63  }
0x29b: {  	_ =	swait.ge @!p5 [sflag:s5], $0x10  }
0x29c: {  	[sflag:s5] =	ssyncset.done @!p5 $0x0  }
0x29d: {  	s22 =	sadd.s32 $0x80, s22;
	[sflag:s5] =	ssyncadd.s32 @!p5 $0xFFFFFFF0  }
0x29e: {  	v1 =	vld @p2 [tilespmem:s22+$0x0]  }
0x29f: {  	s23 =	sadd.s32 $0xFFFFFFFF, s23  }
0x2a0: {  	p3 =	sne.s32 s23, $0x0  }
.Ltmp16:
0x2a1: {  	_ = 	snop;
	(pc) =	sbr.rel @p3 .LBB2_16-.Ltmp16, $4  }
0x2a2: {  	_ = 	snop  }
0x2a3: {  	[tilespmem:s2+$0x28] =	vst @p2 v1  }
0x2a4: {  	s28 =	sshra.s32 @!p2 s28, $0x2;
	v1 =	vld @!p2 [tilespmem:s22+$0x0]  }
0x2a5: {  	v2 =	vld @!p2 [tilespmem:s28+$0x28]  }
.LBB2_17:
0x2a6: {  	_ = 	snop  }
.Ltmp17:
0x2a7: {  	_ = 	snop;
	(pc) =	sbr.rel .LBB2_19-.Ltmp17, $3  }
0x2a8: {  	s2 =	sld [smem:$0x7FD];
	_ =	sdelay $0x1  }
0x2a9: {  	v1 =	vmax.f32 @!p2 v1, v2  }
0x2aa: {  	s0 =	sshrl.u32 s21, $0x2;
	s25 =	smov.u32 s24;
	p4 =	seq.s32 s2, $0x1;
	[tilespmem:s28+$0x28] =	vst @!p2 v1  }
.LBB2_21:
0x2ab: {  	_ =	sfence.sel $0x180000  }
0x2ac: {  	s0 =	simm.s32 $0x7;
	[bflag:$0x0] =	sbarrier.arrive $0xFFFF  }
0x2ad: {  	s25 =	simm.s32 $0x8;
	[sflag:s0] =	ssyncpa.u1 $0x1  }
0x2ae: {  	s26 =	simm.s32 $0x9;
	[sflag:s25] =	ssyncpa.u1 $0x1  }
0x2af: {  	s28 =	simm.s32 $0x2;
	[sflag:s26] =	ssyncpa.u1 $0x1  }
0x2b0: {  	[sflag:s28] =	ssyncpa.u1 $0x1  }
0x2b1: {  	v0 =	vld [tilespmem:$0x3648];
	_ =	sdelay $0x4  }
0x2b2: {  	(v2sf) =	vpush v0, $0x0  }
0x2b3: {  	(v2sf) =	vpush v0, $0x1;
	_ =	sdelay $0x1  }
0x2b4: {  	(v2sf) =	vpush v0, $0x2;
	_ =	sdelay $0xb  }
0x2b5: {  	s0 =	spop (v2sf)  }
0x2b6: {  	s2 =	spop (v2sf)  }
0x2b7: {  	s3 =	smov.u32 s0;
	p0 =	sne.s32 s0, s2  }
0x2b8: {  	s4 =	spop (v2sf);
	s3 =	simm.s32 @!p0 $0xFFFFFFFF  }
0x2b9: {  	v2 =	vimm.s32 $0x1;
	v3 =	vlaneseq.u32;
	p0 =	seq.s32 s4, $0xFFFFFFFF;
	v1 =	vmov s3  }
0x2ba: {  	s7 =	stileid.u32;
	v0 =	vperm.xlane v0, v2;
	p1 =	sne.s32 @!p0 s0, s2;
	v1 =	vperm.xlane v1, v3  }
0x2bb: {  	vm0 =	vcmask $0x3F04;
	s6 =	simm.s32 $0x3648;
	s0 =	simm.s32 @!p0 $0x1;
	p1 =	por !p1, p0  }
0x2bc: {  	s3 =	sshll.u32 s7, $0x1;
	s2 =	sshll.u32 @!p0 s4, $0x6;
	s0 =	simm.s32 @p1 $0x0;
	v0 =	vsel vm0, v1, v0  }
0x2bd: {  	s5 =	sor.u32 $0x200, s3;
	s2 =	sshra.s32 @!p0 s2, $0x2;
	s0 =	sor.u32 @!p0 s0, s3;
	[tilespmem:$0x3648] =	vst v0  }
0x2be: {  	[spmem:s5] =	stream.linear.scatter [tilespmem:s6], [sflag:$0x1], $0x2, $0x38;
	[tilespmem:$0x1F0E8] =	vst v63  }
0x2bf: {  	s2 =	sadd.s32 @!p0 $0x28, s2;
	s0 =	sshll.u32 @!p0 s0, $0x4  }
0x2c0: {  	[spmem:s0] =	stream.linear.scatter @!p0 [tilespmem:s2], [sflag:$0x1], $0x10, $0x38;
	[tilespmem:$0x1F0E8] =	vst v63  }
0x2c1: {  	s0 =	simm.s32 @!p0 $0x12  }
0x2c2: {  	s3 =	simm.s32 $0x1;
	s0 =	simm.s32 @p0 $0x2  }
0x2c3: {  	_ =	swait.ge [sflag:s3], s0  }
0x2c4: {  	s0 =	ssub.s32 $0x0, s0;
	[sflag:s3] =	ssyncset.done $0x0  }
0x2c5: {  	[sflag:s3] =	ssyncadd.s32 s0  }
0x2c6: {  	_ =	sfence.stream.spmem  }
0x2c7: {  	s29 =	simm.s32 $0x3;
	[bflag:$0x0] =	sbarrier.arrive $0xFFFF  }
0x2c8: {  	s30 =	simm.s32 $0x4;
	[sflag:s29] =	ssyncpa.u1 $0x1  }
0x2c9: {  	s31 =	simm.s32 $0x3C;
	[sflag:s30] =	ssyncpa.u1 $0x1  }
0x2ca: {  	p0 =	sne.s32 s7, $0x0;
	[sflag:s31] =	ssyncpa.u1 $0x1  }
0x2cb: {  	_ =	sfence @p0  }
0x2cc: {  	[sflag:s3] =	ssyncpa.u1 @p0 $0x1  }
0x2cd: {  	_ =	strace @p0 $0x9000004D  }
0x2ce: {  	[bflag:$0x2] =	sbarrier.arrive @p0 $0xFFFF  }
0x2cf: {  	_ =	shalt @p0  }
.LBB2_22:
0x2d0: {  	_ =	sfence.stream.spmem;
	s0 =	simm.s32 $0x5  }
0x2d1: {  	s2 =	simm.s32 $0x200;
	s3 =	simm.s32 $0x3658;
	[sflag:s0] =	ssyncpa.u1 $0x0  }
0x2d2: {  	[tilespmem:s3], [sflag:$0x5] =	stream.linear.gather [spmem:s2], $0x20, $0x38;
	[tilespmem:$0x1F0E8] =	vst v63  }
0x2d3: {  	s30 =	simm.s32 $0x3678;
	s2 =	simm.s32 $0x0  }
0x2d4: {  	[tilespmem:s30], [sflag:$0x5] =	stream.linear.gather [spmem:s2], $0x200, $0x38;
	[tilespmem:$0x1F0E8] =	vst v63  }
.Ltmp18:
0x2d5: {  	_ = 	snop;
	(pc) =	sbr.rel .LBB2_23-.Ltmp18, $4  }
0x2d6: {  	_ =	swait.ge [sflag:s0], $0x220  }
0x2d7: {  	[sflag:s0] =	ssyncset.done $0x0  }
0x2d8: {  	s31 =	simm.s32 $0x6;
	[sflag:s0] =	ssyncadd.s32 $0xFFFFFDE0  }
0x2d9: {  	s3 =	simm.s32 $0x0;
	[sflag:s31] =	ssyncpa.u1 $0x0  }
.LBB2_28:
0x2da: {  	p0 =	slt.u32 s4, $0x7FF  }
0x2db: {  	s0 =	sand.u32 @p0 $0x7F8, s4  }
0x2dc: {  	s4 =	sand.u32 @p0 $0x7, s4;
	s5 =	simm.s32 @p0 $0x3638;
	s0 =	sadd.s32 @p0 s1, s0  }
0x2dd: {  	[tilespmem:s5], [sflag:$0x6] =	stream.linear.gather @p0 [hbm4b:s0+s4], $0x10, $0x38;
	[tilespmem:$0x1F0E8] =	vst v63  }
0x2de: {  	s0 =	simm.s32 @p0 $0x6  }
0x2df: {  	_ =	swait.ge @p0 [sflag:s0], $0x10  }
0x2e0: {  	[sflag:s0] =	ssyncset.done @p0 $0x0  }
0x2e1: {  	[sflag:s0] =	ssyncadd.s32 @p0 $0xFFFFFFF0;
	s0 =	sshll.u32 @p0 s3, $0x6  }
0x2e2: {  	v1 =	vld @p0 [tilespmem:$0x3638];
	s4 =	sshrl.u32 @p0 s0, $0x2  }
0x2e3: {  	v2 =	vld @p0 [tilespmem:s4+$0x3678];
	_ =	sdelay $0x4  }
0x2e4: {  	s5 =	sshll.u32 @!p0 s3, $0x6;
	v1 =	vmax.f32 @p0 v1, v2  }
0x2e5: {  	s5 =	smov.u32 @p0 s0;
	[tilespmem:s4+$0x3678] =	vst @p0 v1  }
0x2e6: {  	s0 =	sshrl.u32 s5, $0x2;
	[tilespmem:s2+$0x3658] =	vst.msk $0x1, v0  }
0x2e7: {  	v0 =	vld [tilespmem:s0+$0x3678];
	_ =	sdelay $0x2  }
0x2e8: {  	s31 =	sshll.u32 s2, $0x6  }
0x2e9: {  	s0 =	sshra.s32 s31, $0x2  }
0x2ea: {  	s2 =	sadd.s32 $0x1, s2;
	[tilespmem:s0+$0x3678] =	vst v0  }
.LBB2_30:
0x2eb: {  	s3 =	sadd.s32 $0x1, s3  }
0x2ec: {  	p0 =	sne.s32 s3, $0x20  }
.Ltmp19:
0x2ed: {  	_ = 	snop;
	(pc) =	sbr.rel @!p0 .LBB2_31-.Ltmp19, $1  }
0x2ee: {  	_ =	sdelay $0x3  }
.LBB2_23:
0x2ef: {  	v0 =	vld.msk [tilespmem:s3+$0x3658], $0x1;
	_ =	sdelay $0x4  }
0x2f0: {  	(v2sf) =	vpush v0, $0x0;
	_ =	sdelay $0xe  }
0x2f1: {  	s4 =	spop (v2sf)  }
0x2f2: {  	p0 =	seq.s32 s4, $0xFFFFFFFF  }
.Ltmp20:
0x2f3: {  	_ = 	snop;
	(pc) =	sbr.rel @p0 .LBB2_30-.Ltmp20, $1  }
0x2f4: {  	_ =	sdelay $0x3  }
0x2f5: {  	p0 =	slt.s32 s2, $0x1  }
.Ltmp21:
0x2f6: {  	_ = 	snop;
	(pc) =	sbr.rel @p0 .LBB2_28-.Ltmp21, $1  }
0x2f7: {  	_ =	sdelay $0x3  }
0x2f8: {  	s5 =	simm.s32 $0x3658;
	p0 =	por $0x0, $0x0  }
0x2f9: {  	v1 =	vld.msk @!p0 [tilespmem:s5+$0x0], $0x1;
	_ =	sdelay $0x4  }
0x2fa: {  	(v2sf) =	vpush @!p0 v1, $0x0;
	_ =	sdelay $0xd  }
0x2fb: {  	p2 =	sne.s32 s2, $0x1  }
.Ltmp22:
0x2fc: {  	s0 =	spop @!p0 (v2sf);
	(pc) =	sbr.rel @!p2 .LBB2_27-.Ltmp22, $4  }
0x2fd: {  	p1 =	seq.s32 @!p0 s4, s0  }
0x2fe: {  	s6 =	simm.s32 $0x0;
	p1 =	por !p1, p0  }
0x2ff: {  	s0 =	simm.s32 $0xFFFFFFFF;
	s6 =	simm.s32 @p1 $0xFFFFFFFF  }
0x300: {  	s7 =	simm.s32 $0x1;
	s6 =	smov.u32 @p0 s0  }
.LBB2_26:
0x301: {  	s0 =	smov.u32 s6;
	p0 =	sne.s32 s6, $0xFFFFFFFF  }
0x302: {  	s5 =	sadd.s32 $0x1, s5;
	s6 =	smov.u32 s7;
	s7 =	sadd.s32 $0x1, s7  }
0x303: {  	p1 =	sne.s32 s2, s7;
	v1 =	vld.msk @!p0 [tilespmem:s5+$0x0], $0x1;
	_ =	sdelay $0x4  }
0x304: {  	(v2sf) =	vpush @!p0 v1, $0x0;
	_ =	sdelay $0xe  }
.Ltmp23:
0x305: {  	s8 =	spop @!p0 (v2sf);
	(pc) =	sbr.rel @p1 .LBB2_26-.Ltmp23, $4  }
0x306: {  	p2 =	seq.s32 @!p0 s4, s8  }
0x307: {  	p2 =	por !p2, p0  }
0x308: {  	s6 =	simm.s32 @p2 $0xFFFFFFFF  }
0x309: {  	s6 =	smov.u32 @p0 s0  }
.LBB2_27:
0x30a: {  	p0 =	sne.s32 s6, $0xFFFFFFFF  }
.Ltmp24:
0x30b: {  	_ = 	snop;
	(pc) =	sbr.rel @!p0 .LBB2_28-.Ltmp24, $1  }
0x30c: {  	_ =	sdelay $0x3  }
0x30d: {  	s0 =	sshll.u32 s3, $0x4  }
0x30e: {  	s4 =	sshll.u32 s6, $0x6;
	s0 =	sand.u32 $0x3FFFFFF0, s0  }
0x30f: {  	s31 =	sshra.s32 s4, $0x2;
	v0 =	vld [tilespmem:s0+$0x3678]  }
0x310: {  	v1 =	vld [tilespmem:s31+$0x3678];
	_ =	sdelay $0x1  }
.Ltmp25:
0x311: {  	_ = 	snop;
	(pc) =	sbr.rel .LBB2_30-.Ltmp25, $3  }
0x312: {  	_ =	sdelay $0x1  }
0x313: {  	v0 =	vmax.f32 v0, v1  }
0x314: {  	[tilespmem:s31+$0x3678] =	vst v0  }
.LBB2_31:
0x315: {  	p0 =	slt.s32 s2, $0x1  }
.Ltmp26:
0x316: {  	_ = 	snop;
	(pc) =	sbr.rel @p0 .LBB2_35-.Ltmp26, $3  }
0x317: {  	_ =	sdelay $0x1  }
0x318: {  	s0 =	simm.s32 $0x6  }
0x319: {  	s3 =	simm.s32 $0x0;
	[sflag:s0] =	ssyncpa.u1 $0x1  }
0x31a: {  	s0 =	simm.s32 $0x3658  }
0x31b: {  	v0 =	vld.msk [tilespmem:s0+$0x0], $0x1;
	_ =	sdelay $0x4  }
0x31c: {  	(v2sf) =	vpush v0, $0x0;
	_ =	sdelay $0xd  }
0x31d: {  	s2 =	sadd.s32 $0xFFFFFFFF, s2  }
0x31e: {  	p1 =	sne.s32 s2, $0x0;
	s0 =	spop (v2sf)  }
.Ltmp27:
0x31f: {  	p0 =	sgt.u32 s0, $0x7FE;
	(pc) =	sbr.rel @!p1 .LBB2_34-.Ltmp27, $4  }
0x320: {  	s4 =	simm.s32 $0x3678;
	s5 =	sand.u32 @!p0 $0x7F8, s0  }
0x321: {  	s6 =	simm.s32 $0x0;
	s0 =	sand.u32 @!p0 $0x7, s0;
	s5 =	sadd.s32 @!p0 s1, s5  }
0x322: {  	[hbm4b:s5+s0] =	stream.linear.scatter @!p0 [tilespmem:s4], [sflag:$0x5], $0x10, $0x38;
	[tilespmem:$0x1F0E8] =	vst v63  }
0x323: {  	s6 =	simm.s32 @!p0 $0x40;
	s5 =	simm.s32 $0x3659  }
.LBB2_33:
0x324: {  	v0 =	vld.msk [tilespmem:s5+$0x0], $0x1;
	s2 =	sadd.s32 $0xFFFFFFFF, s2;
	s3 =	sadd.s32 s3, s6  }
0x325: {  	p0 =	sne.s32 s2, $0x0;
	_ =	sdelay $0x3  }
0x326: {  	(v2sf) =	vpush v0, $0x0;
	_ =	sdelay $0xe  }
.Ltmp28:
0x327: {  	s0 =	spop (v2sf);
	(pc) =	sbr.rel @p0 .LBB2_33-.Ltmp28, $4  }
0x328: {  	s6 =	simm.s32 $0x0;
	p1 =	sgt.u32 s0, $0x7FE  }
0x329: {  	s4 =	sadd.s32 $0x10, s4;
	s6 =	simm.s32 @!p1 $0x40;
	s7 =	sand.u32 @!p1 $0x7F8, s0  }
0x32a: {  	s5 =	sadd.s32 $0x1, s5;
	s0 =	sand.u32 @!p1 $0x7, s0;
	s7 =	sadd.s32 @!p1 s1, s7  }
0x32b: {  	[hbm4b:s7+s0] =	stream.linear.scatter @!p1 [tilespmem:s4], [sflag:$0x5], $0x10, $0x38;
	[tilespmem:$0x1F0E8] =	vst v63  }
.LBB2_34:
0x32c: {  	s0 =	sadd.s32 s3, s6  }
0x32d: {  	s3 =	sshrl.u32 s0, $0x2  }
.LBB2_35:
0x32e: {  	s0 =	simm.s32 $0x5  }
0x32f: {  	_ =	swait.ge [sflag:s0], s3  }
0x330: {  	s1 =	ssub.s32 $0x0, s3;
	[sflag:s0] =	ssyncset.done $0x0  }
0x331: {  	[sflag:s0] =	ssyncadd.s32 s1  }
0x332: {  	[sflag:s0] =	ssyncpa.u1 $0x1  }
0x333: {  	s30 =	simm.s32 $0x1;
	_ =	sfence  }
0x334: {  	[sflag:s30] =	ssyncpa.u1 $0x1  }
0x335: {  	_ =	strace $0x9000004D  }
0x336: {  	[bflag:$0x2] =	sbarrier.arrive $0xFFFF  }
0x337: {  	s31 =	rddreg [dreg:$0x1]  }
0x338: {  	s0 =	sadd.s32 $0x100000, s31  }
0x339: {  	[sflag:s0] =	ssyncadd.tile.s32 $0x1;
	_ =	shalt  }
.Lfunc_end2:
_tile_overlayer_lowered:
.L_overlay_start_2:
0x33a: {  	(tag) =	ssettag $0x2  }
0x33b: {  	s0 =	rddreg [dreg:$0x0];
	s2 =	stileid.u32  }
0x33c: {  	s1 =	rddreg [dreg:$0x1];
	p0 =	sne.s32 s2, $0x0  }
0x33d: {  	s3 =	rddreg [dreg:$0x2];
	[bflag:$0x3] =	sbarrier.arrive $0xFFFF;
	s2 =	simm.s32 @!p0 $0x1C01  }
0x33e: {  	[timem:s3], [sflag:s2] =	dma.local @!p0 [hbm:s0], s1  }
0x33f: {  	s0 =	simm.s32 @!p0 $0x1  }
0x340: {  	_ =	swait.ge @!p0 [sflag:s0], s1  }
0x341: {  	s1 =	ssub.s32 @!p0 $0x0, s1;
	[sflag:s0] =	ssyncset.done @!p0 $0x0  }
0x342: {  	[sflag:s0] =	ssyncadd.s32 @!p0 s1  }
0x343: {  	[bflag:$0x3] =	sbarrier.arrive $0xFFFF  }
0x344: {  	_ =	shalt  }

</sc_bundles>
